<compile_context>
chip_gen: v7x
topology: tpu7x:2x2x1
jax: 0.10.2.dev20260603
libtpu: 0.0.44.dev20260713+nightly
codegen_flags: <defaults>
</compile_context>

<pallas_src>
import functools
import jax
import jax.numpy as jnp
from jax import lax
from jax.experimental import pallas as pl
from jax.experimental.pallas import tpu as pltpu
from jax.experimental.pallas import tpu_sc as plsc

N = 10000
E = 320000
D = 128
G = 64
C = 10
NC = 2
NT = 16
NW = NC * NT
EPW = E // NW
CH = 80
NCH = EPW // CH
RPT8 = 624
REM = N - NT * RPT8
DW = 16

BN = 1000
GRID = N // BN

def _zero_acc(zero_hbm, acc, t):
    base = pl.multiple_of(t * RPT8, 8)
    pltpu.sync_copy(zero_hbm.at[pl.ds(base, RPT8)], acc.at[pl.ds(base, RPT8)])

    @pl.when(t == NT - 1)
    def _():
        pltpu.sync_copy(zero_hbm.at[pl.ds(NT * RPT8, REM)],
                        acc.at[pl.ds(NT * RPT8, REM)])




def _writeback(acc, out_hbm, c, t):
    base = pl.multiple_of(t * RPT8, 8)
    pltpu.sync_copy(acc.at[pl.ds(base, RPT8)],
                    out_hbm.at[c, pl.ds(base, RPT8)])

    @pl.when(t == NT - 1)
    def _():
        pltpu.sync_copy(acc.at[pl.ds(NT * RPT8, REM)],
                        out_hbm.at[c, pl.ds(NT * RPT8, REM)])


def _sc_degree_body(dst3, ones_hbm, zero_hbm, out_hbm, acc, dst_v, ones_v,
                    sem):
    c = lax.axis_index("c")
    t = lax.axis_index("s")
    w = c * NT + t
    _zero_acc(zero_hbm, acc, t)
    pltpu.sync_copy(dst3.at[w], dst_v)
    pltpu.sync_copy(ones_hbm, ones_v)
    plsc.subcore_barrier()

    def fire(j, carry):
        pltpu.async_copy(ones_v, acc.at[dst_v.at[j]], sem, add=True)
        return carry

    def drain(j, carry):
        pltpu.make_async_copy(ones_v, acc.at[dst_v.at[j]], sem).wait()
        return carry

    lax.fori_loop(0, NCH, fire, 0)
    lax.fori_loop(0, NCH, drain, 0)
    plsc.subcore_barrier()
    _writeback(acc, out_hbm, c, t)


def _sc_scatter_body(g_hbm, idx4, zero_hbm, out_hbm, acc,
                     is0, is1, rows0, rows1, ise0, ise1, gse0, gse1):
    c = lax.axis_index("c")
    t = lax.axis_index("s")
    w = c * NT + t
    s0 = (is0, ise0, rows0, gse0)
    s1 = (is1, ise1, rows1, gse1)

    def ifetch(j, s):
        pltpu.async_copy(idx4.at[w, j], s[0], s[1])

    def iwait(j, s):
        pltpu.make_async_copy(idx4.at[w, j], s[0], s[1]).wait()

    def gstart(s):
        pltpu.async_copy(g_hbm.at[s[0].at[0]], s[2], s[3])

    def gwait(s):
        pltpu.make_async_copy(g_hbm.at[s[0].at[0]], s[2], s[3]).wait()

    def scat(s):
        pltpu.sync_copy(s[2], acc.at[s[0].at[1]], add=True)

    _zero_acc(zero_hbm, acc, t)
    ifetch(0, s0)
    ifetch(1, s1)
    plsc.subcore_barrier()
    iwait(0, s0)
    gstart(s0)

    def pair(k, carry):
        jb = 2 * k + 2
        iwait(2 * k + 1, s1)
        gstart(s1)
        gwait(s0)
        scat(s0)
        ifetch(jb, s0)
        iwait(jb, s0)
        gstart(s0)
        gwait(s1)
        scat(s1)

        @pl.when(jb + 1 < NCH)
        def _():
            ifetch(jb + 1, s1)

        return carry

    lax.fori_loop(0, (NCH - 1) // 2, pair, 0)
    gwait(s0)
    scat(s0)
    plsc.subcore_barrier()
    _writeback(acc, out_hbm, c, t)


@functools.lru_cache(maxsize=1)
def _sc_kernels():
    mesh = plsc.VectorSubcoreMesh(core_axis_name="c", subcore_axis_name="s")
    sc_degree = pl.kernel(
        _sc_degree_body,
        out_type=jax.ShapeDtypeStruct((NC, N, DW), jnp.float32),
        mesh=mesh,
        scratch_types=[
            pltpu.VMEM_SHARED((N, DW), jnp.float32),
            pltpu.VMEM((NCH, CH), jnp.int32),
            pltpu.VMEM((CH, DW), jnp.float32),
            pltpu.SemaphoreType.DMA,
        ],
    )
    sc_scatter = pl.kernel(
        _sc_scatter_body,
        out_type=jax.ShapeDtypeStruct((NC, N, D), jnp.float32),
        mesh=mesh,
        scratch_types=[
            pltpu.VMEM_SHARED((N, D), jnp.float32),
            pltpu.VMEM((2, CH), jnp.int32),
            pltpu.VMEM((2, CH), jnp.int32),
            pltpu.VMEM((CH, D), jnp.float32),
            pltpu.VMEM((CH, D), jnp.float32),
            pltpu.SemaphoreType.DMA,
            pltpu.SemaphoreType.DMA,
            pltpu.SemaphoreType.DMA,
            pltpu.SemaphoreType.DMA,
        ],
    )
    return sc_degree, sc_scatter


def _dinv_of(dega, degb):
    deg = dega[:, :1] + degb[:, :1] + 1.0
    return lax.rsqrt(deg)


def _matT(h, w):
    return lax.dot_general(h, w, (((1,), (1,)), ((), ())),
                           preferred_element_type=jnp.float32)


def _tc1_body(x_ref, w1_ref, dega_ref, degb_ref, g_ref):
    dinv = _dinv_of(dega_ref[...], degb_ref[...])
    g_ref[...] = _matT(x_ref[...], w1_ref[...]) * dinv


def _tc2_body(sa_ref, sb_ref, gp_ref, dega_ref, degb_ref, b_ref, w_ref,
              g_ref):
    dinv = _dinv_of(dega_ref[...], degb_ref[...])
    h = jnp.maximum(
        dinv * (sa_ref[...] + sb_ref[...] + gp_ref[...]) + b_ref[...], 0.0)
    g_ref[...] = _matT(h, w_ref[...]) * dinv


def _tcf_body(sa_ref, sb_ref, gp_ref, dega_ref, degb_ref, b_ref, batch_ref,
              wlin_ref, blin_ref, out_ref, psum_ref, pcnt_ref):
    i = pl.program_id(0)

    @pl.when(i == 0)
    def _():
        psum_ref[...] = jnp.zeros_like(psum_ref)
        pcnt_ref[...] = jnp.zeros_like(pcnt_ref)

    dinv = _dinv_of(dega_ref[...], degb_ref[...])
    h = jnp.maximum(
        dinv * (sa_ref[...] + sb_ref[...] + gp_ref[...]) + b_ref[...], 0.0)
    bb = batch_ref[0, 0, :]
    m = (lax.broadcasted_iota(jnp.int32, (G, BN), 0)
         == bb[None, :]).astype(jnp.float32)
    psum_ref[...] += jnp.dot(m, h, preferred_element_type=jnp.float32)
    pcnt_ref[...] += jnp.dot(m, jnp.ones((BN, D), jnp.float32),
                             preferred_element_type=jnp.float32)

    @pl.when(i == pl.num_programs(0) - 1)
    def _():
        pooled = psum_ref[...] / jnp.maximum(pcnt_ref[...], 1.0)
        out_ref[...] = _matT(pooled, wlin_ref[...]) + blin_ref[...]


def _row_spec():
    return pl.BlockSpec((BN, D), lambda i: (i, 0))


def _deg_spec():
    return pl.BlockSpec((BN, DW), lambda i: (i, 0))


def _full_spec(shape):
    return pl.BlockSpec(shape, lambda i: tuple(0 for _ in shape))


_tc1 = pl.pallas_call(
    _tc1_body,
    grid=(GRID,),
    in_specs=[_row_spec(), _full_spec((D, D)), _deg_spec(), _deg_spec()],
    out_specs=_row_spec(),
    out_shape=jax.ShapeDtypeStruct((N, D), jnp.float32),
)

_tc2 = pl.pallas_call(
    _tc2_body,
    grid=(GRID,),
    in_specs=[_row_spec(), _row_spec(), _row_spec(), _deg_spec(), _deg_spec(),
              _full_spec((1, D)), _full_spec((D, D))],
    out_specs=_row_spec(),
    out_shape=jax.ShapeDtypeStruct((N, D), jnp.float32),
)

_tcf = pl.pallas_call(
    _tcf_body,
    grid=(GRID,),
    in_specs=[_row_spec(), _row_spec(), _row_spec(), _deg_spec(), _deg_spec(),
              _full_spec((1, D)),
              pl.BlockSpec((1, 1, BN), lambda i: (i, 0, 0)),
              _full_spec((C, D)), _full_spec((1, C))],
    out_specs=_full_spec((G, C)),
    out_shape=jax.ShapeDtypeStruct((G, C), jnp.float32),
    scratch_shapes=[pltpu.VMEM((G, D), jnp.float32),
                    pltpu.VMEM((G, D), jnp.float32)],
)


def kernel(x, edge_index, batch, W1, b1, W2, b2, W3, b3, Wlin, blin):
    src3 = edge_index[0].reshape(NW, NCH, CH)
    dst3 = edge_index[1].reshape(NW, NCH, CH)
    idx4 = jnp.stack([src3, dst3], axis=2)
    batch3 = batch.reshape(GRID, 1, BN)
    zeros = jnp.zeros((N, D), jnp.float32)
    zeros_deg = jnp.zeros((N, DW), jnp.float32)
    ones_rows = jnp.ones((CH, DW), jnp.float32)
    b1r = b1.reshape(1, D)
    b2r = b2.reshape(1, D)
    b3r = b3.reshape(1, D)
    blr = blin.reshape(1, C)

    _sc_degree, _sc_scatter = _sc_kernels()
    degp = _sc_degree(dst3, ones_rows, zeros_deg)
    dega, degb = degp[0], degp[1]

    g1 = _tc1(x, W1, dega, degb)
    s1 = _sc_scatter(g1, idx4, zeros)
    g2 = _tc2(s1[0], s1[1], g1, dega, degb, b1r, W2)
    s2 = _sc_scatter(g2, idx4, zeros)
    g3 = _tc2(s2[0], s2[1], g2, dega, degb, b2r, W3)
    s3 = _sc_scatter(g3, idx4, zeros)
    return _tcf(s3[0], s3[1], g3, dega, degb, b3r, batch3, Wlin, blr)

# --- scband reference (transcript-rebuilt; emitter-appended) ---
"""Pipeline reference for scband-e90-gnn-74474732913082 (READ-ONLY COPY).

The authoritative reference and input builder live on the scoring server;
editing this copy changes nothing except your own understanding.
"""

import jax, jax.numpy as jnp
import numpy as np

N_NODES = 10000
N_EDGES = 320000
D = 128
HID = 128
NUM_GRAPHS = 64
NUM_CLASSES = 10


def setup_inputs(seed: int = 0):
    key = jax.random.key(seed)
    ks = jax.random.split(key, 8)
    x = jax.random.normal(ks[0], (N_NODES, D), dtype=jnp.float32)
    edge_index = jax.random.randint(ks[1], (2, N_EDGES), 0, N_NODES, dtype=jnp.int32)
    batch = jnp.sort(jax.random.randint(ks[2], (N_NODES,), 0, NUM_GRAPHS, dtype=jnp.int32))
    def init_w(k, shape):
        return (jax.random.normal(k, shape, dtype=jnp.float32) * 0.05).astype(jnp.float32)
    W1 = init_w(ks[3], (HID, D)); b1 = jnp.zeros((HID,), jnp.float32)
    W2 = init_w(ks[4], (HID, HID)); b2 = jnp.zeros((HID,), jnp.float32)
    W3 = init_w(ks[5], (HID, HID)); b3 = jnp.zeros((HID,), jnp.float32)
    Wlin = init_w(ks[6], (NUM_CLASSES, HID)); blin = jnp.zeros((NUM_CLASSES,), jnp.float32)
    return {"x": x, "edge_index": edge_index, "batch": batch,
            "W1": W1, "b1": b1, "W2": W2, "b2": b2, "W3": W3, "b3": b3,
            "Wlin": Wlin, "blin": blin}


def _gcn_conv(x, src, dst, W, b):
    # PyG-style GCNConv: linear transform, add self-loops, sym-normalize, scatter-add
    n = x.shape[0]
    h = x @ W.T
    loop = jnp.arange(n, dtype=src.dtype)
    s = jnp.concatenate([src, loop])
    d = jnp.concatenate([dst, loop])
    ones = jnp.ones(s.shape[0], jnp.float32)
    deg = jnp.zeros((n,), jnp.float32).at[d].add(ones)
    dinv = jnp.where(deg > 0, 1.0 / jnp.sqrt(deg), 0.0)
    norm = dinv[s] * dinv[d]
    msg = norm[:, None] * h[s]
    out = jnp.zeros_like(h).at[d].add(msg)
    return out + b


def reference(x, edge_index, batch, W1, b1, W2, b2, W3, b3, Wlin, blin):
    src = edge_index[0]
    dst = edge_index[1]
    h = x
    for (W, b) in ((W1, b1), (W2, b2), (W3, b3)):
        h = _gcn_conv(h, src, dst, W, b)
        h = jax.nn.relu(h)
        # dropout is identity in eval mode (training=False)
    # global_mean_pool over graph ids
    ssum = jnp.zeros((NUM_GRAPHS, h.shape[1]), jnp.float32).at[batch].add(h)
    cnt = jnp.zeros((NUM_GRAPHS,), jnp.float32).at[batch].add(jnp.ones((h.shape[0],), jnp.float32))
    pooled = ssum / jnp.maximum(cnt, 1.0)[:, None]
    return pooled @ Wlin.T + blin


if False:  # reference __main__ guard neutralized (emitter)
    inp = setup_inputs()
    out = reference(**inp)
    print(out.shape)

if __name__ == "__main__":
    import jax
    _d = setup_inputs()
    print(jax.jit(kernel)(*tuple(_d.values())))

</pallas_src>

<mosaic_0001>
#map = affine_map<(d0, d1) -> (0, 0)>
#map1 = affine_map<(d0, d1) -> (0, 0, 0, 0)>
#map2 = affine_map<(d0, d1) -> (0, 0, 0)>
module attributes {stable_mosaic.version = 14 : i64} {
  func.func @_sc_scatter_body(%arg0: i32, %arg1: i32, %arg2: memref<10000x128xf32, #tpu.memory_space<hbm>>, %arg3: memref<32x125x2x80xi32, #tpu.memory_space<hbm>>, %arg4: memref<10000x128xf32, #tpu.memory_space<hbm>>, %arg5: memref<2x10000x128xf32, #tpu.memory_space<hbm>>, %arg6: memref<10000x128xf32, #tpu.memory_space<vmem_shared>>, %arg7: memref<2x80xi32, #tpu.memory_space<vmem>>, %arg8: memref<2x80xi32, #tpu.memory_space<vmem>>, %arg9: memref<80x128xf32, #tpu.memory_space<vmem>>, %arg10: memref<80x128xf32, #tpu.memory_space<vmem>>, %arg11: memref<!tpu.dma_semaphore, #tpu.memory_space<semaphore_mem>>, %arg12: memref<!tpu.dma_semaphore, #tpu.memory_space<semaphore_mem>>, %arg13: memref<!tpu.dma_semaphore, #tpu.memory_space<semaphore_mem>>, %arg14: memref<!tpu.dma_semaphore, #tpu.memory_space<semaphore_mem>>) attributes {dimension_semantics = [#tpu.dimension_semantics<core_parallel>, #tpu.dimension_semantics<subcore_parallel>], iteration_bounds = array<i64: 2, 16>, scalar_prefetch = 0 : i64, scratch_operands = 9 : i64, tpu.core_type = #tpu.core_type<sc_vector_subcore>, window_params = [{transform_indices = #map}, {transform_indices = #map1}, {transform_indices = #map}, {transform_indices = #map2}]} {
    %mul3A = arith.constant 16 : i32
    %mul3A_0 = arith.muli %arg0, %mul3A : i32
    %add3A = arith.addi %mul3A_0, %arg1 : i32
    %mul3A_1 = arith.constant 624 : i32
    %mul3A_2 = arith.muli %arg1, %mul3A_1 : i32
    %multiple_of3A = tpu.assume_multiple %mul3A_2, 8 : i32
    "tpu.region"() ({
      %run_scoped3A_58 = tpu.sem_alloc : memref<!tpu.dma_semaphore, #tpu.memory_space<semaphore_mem>>
      %dma_start3A_59 = arith.constant 0 : i32
      %dma_start3A_60 = tpu.memref_slice %arg6[%multiple_of3A, %dma_start3A_59] : memref<10000x128xf32, #tpu.memory_space<vmem_shared>> -> memref<624x128xf32, #tpu.memory_space<vmem_shared>>
      %dma_start3A_61 = arith.constant 0 : i32
      %dma_start3A_62 = tpu.memref_slice %arg4[%multiple_of3A, %dma_start3A_61] : memref<10000x128xf32, #tpu.memory_space<hbm>> -> memref<624x128xf32, #tpu.memory_space<hbm>>
      tpu.enqueue_dma source(%dma_start3A_62 : memref<624x128xf32, #tpu.memory_space<hbm>>) target(%dma_start3A_60 : memref<624x128xf32, #tpu.memory_space<vmem_shared>>) target_semaphore(%run_scoped3A_58 : memref<!tpu.dma_semaphore, #tpu.memory_space<semaphore_mem>>)
      %dma_wait3A_63 = arith.constant 0 : i32
      %dma_wait3A_64 = tpu.memref_slice %arg6[%multiple_of3A, %dma_wait3A_63] : memref<10000x128xf32, #tpu.memory_space<vmem_shared>> -> memref<624x128xf32, #tpu.memory_space<vmem_shared>>
      %dma_wait3A_65 = arith.constant 0 : i32
      %dma_wait3A_66 = tpu.memref_slice %arg4[%multiple_of3A, %dma_wait3A_65] : memref<10000x128xf32, #tpu.memory_space<hbm>> -> memref<624x128xf32, #tpu.memory_space<hbm>>
      tpu.wait_dma2 semaphore(%run_scoped3A_58 : memref<!tpu.dma_semaphore, #tpu.memory_space<semaphore_mem>>) src(%dma_wait3A_66 : memref<624x128xf32, #tpu.memory_space<hbm>>) dst(%dma_wait3A_64 : memref<624x128xf32, #tpu.memory_space<vmem_shared>>)
      tpu.yield
    }) : () -> ()
    %eq3A = arith.constant 15 : i32
    %eq3A_3 = arith.cmpi eq, %arg1, %eq3A : i32
    %convert_element_type3A = arith.extui %eq3A_3 : i1 to i32
    %cond3A = arith.constant 0 : i32
    %cond3A_4 = arith.cmpi ne, %convert_element_type3A, %cond3A : i32
    scf.if %cond3A_4 {
      "tpu.region"() ({
        %run_scoped3A_58 = tpu.sem_alloc : memref<!tpu.dma_semaphore, #tpu.memory_space<semaphore_mem>>
        %dma_start3A_59 = arith.constant 9984 : i32
        %dma_start3A_60 = arith.constant 0 : i32
        %dma_start3A_61 = tpu.memref_slice %arg6[%dma_start3A_59, %dma_start3A_60] : memref<10000x128xf32, #tpu.memory_space<vmem_shared>> -> memref<16x128xf32, #tpu.memory_space<vmem_shared>>
        %dma_start3A_62 = arith.constant 9984 : i32
        %dma_start3A_63 = arith.constant 0 : i32
        %dma_start3A_64 = tpu.memref_slice %arg4[%dma_start3A_62, %dma_start3A_63] : memref<10000x128xf32, #tpu.memory_space<hbm>> -> memref<16x128xf32, #tpu.memory_space<hbm>>
        tpu.enqueue_dma source(%dma_start3A_64 : memref<16x128xf32, #tpu.memory_space<hbm>>) target(%dma_start3A_61 : memref<16x128xf32, #tpu.memory_space<vmem_shared>>) target_semaphore(%run_scoped3A_58 : memref<!tpu.dma_semaphore, #tpu.memory_space<semaphore_mem>>)
        %dma_wait3A_65 = arith.constant 9984 : i32
        %dma_wait3A_66 = arith.constant 0 : i32
        %dma_wait3A_67 = tpu.memref_slice %arg6[%dma_wait3A_65, %dma_wait3A_66] : memref<10000x128xf32, #tpu.memory_space<vmem_shared>> -> memref<16x128xf32, #tpu.memory_space<vmem_shared>>
        %dma_wait3A_68 = arith.constant 9984 : i32
        %dma_wait3A_69 = arith.constant 0 : i32
        %dma_wait3A_70 = tpu.memref_slice %arg4[%dma_wait3A_68, %dma_wait3A_69] : memref<10000x128xf32, #tpu.memory_space<hbm>> -> memref<16x128xf32, #tpu.memory_space<hbm>>
        tpu.wait_dma2 semaphore(%run_scoped3A_58 : memref<!tpu.dma_semaphore, #tpu.memory_space<semaphore_mem>>) src(%dma_wait3A_70 : memref<16x128xf32, #tpu.memory_space<hbm>>) dst(%dma_wait3A_67 : memref<16x128xf32, #tpu.memory_space<vmem_shared>>)
        tpu.yield
      }) : () -> ()
    } else {
    }
    %dma_start3A = arith.constant 0 : i32
    %dma_start3A_5 = arith.constant 0 : i32
    %dma_start3A_6 = arith.constant 0 : i32
    %dma_start3A_7 = tpu.memref_slice %arg3[%add3A, %dma_start3A, %dma_start3A_5, %dma_start3A_6] : memref<32x125x2x80xi32, #tpu.memory_space<hbm>> -> memref<1x1x2x80xi32, #tpu.memory_space<hbm>>
    %dma_start3A_8 = tpu.memref_squeeze %dma_start3A_7 : memref<1x1x2x80xi32, #tpu.memory_space<hbm>> -> memref<2x80xi32, #tpu.memory_space<hbm>>
    %dma_start3A_9 = arith.constant 0 : i32
    %dma_start3A_10 = arith.constant 0 : i32
    %dma_start3A_11 = tpu.memref_slice %arg3[%add3A, %dma_start3A, %dma_start3A_9, %dma_start3A_10] : memref<32x125x2x80xi32, #tpu.memory_space<hbm>> -> memref<1x1x2x80xi32, #tpu.memory_space<hbm>>
    %dma_start3A_12 = tpu.memref_squeeze %dma_start3A_11 : memref<1x1x2x80xi32, #tpu.memory_space<hbm>> -> memref<2x80xi32, #tpu.memory_space<hbm>>
    tpu.enqueue_dma source(%dma_start3A_12 : memref<2x80xi32, #tpu.memory_space<hbm>>) target(%arg7 : memref<2x80xi32, #tpu.memory_space<vmem>>) target_semaphore(%arg11 : memref<!tpu.dma_semaphore, #tpu.memory_space<semaphore_mem>>)
    %dma_start3A_13 = arith.constant 1 : i32
    %dma_start3A_14 = arith.constant 0 : i32
    %dma_start3A_15 = arith.constant 0 : i32
    %dma_start3A_16 = tpu.memref_slice %arg3[%add3A, %dma_start3A_13, %dma_start3A_14, %dma_start3A_15] : memref<32x125x2x80xi32, #tpu.memory_space<hbm>> -> memref<1x1x2x80xi32, #tpu.memory_space<hbm>>
    %dma_start3A_17 = tpu.memref_squeeze %dma_start3A_16 : memref<1x1x2x80xi32, #tpu.memory_space<hbm>> -> memref<2x80xi32, #tpu.memory_space<hbm>>
    %dma_start3A_18 = arith.constant 0 : i32
    %dma_start3A_19 = arith.constant 0 : i32
    %dma_start3A_20 = tpu.memref_slice %arg3[%add3A, %dma_start3A_13, %dma_start3A_18, %dma_start3A_19] : memref<32x125x2x80xi32, #tpu.memory_space<hbm>> -> memref<1x1x2x80xi32, #tpu.memory_space<hbm>>
    %dma_start3A_21 = tpu.memref_squeeze %dma_start3A_20 : memref<1x1x2x80xi32, #tpu.memory_space<hbm>> -> memref<2x80xi32, #tpu.memory_space<hbm>>
    tpu.enqueue_dma source(%dma_start3A_21 : memref<2x80xi32, #tpu.memory_space<hbm>>) target(%arg8 : memref<2x80xi32, #tpu.memory_space<vmem>>) target_semaphore(%arg12 : memref<!tpu.dma_semaphore, #tpu.memory_space<semaphore_mem>>)
    %barrier3A = arith.constant 0 : index
    tpu.barrier barrier_id(%barrier3A)
    %dma_wait3A = arith.constant 0 : i32
    %dma_wait3A_22 = arith.constant 0 : i32
    %dma_wait3A_23 = arith.constant 0 : i32
    %dma_wait3A_24 = tpu.memref_slice %arg3[%add3A, %dma_wait3A, %dma_wait3A_22, %dma_wait3A_23] : memref<32x125x2x80xi32, #tpu.memory_space<hbm>> -> memref<1x1x2x80xi32, #tpu.memory_space<hbm>>
    %dma_wait3A_25 = tpu.memref_squeeze %dma_wait3A_24 : memref<1x1x2x80xi32, #tpu.memory_space<hbm>> -> memref<2x80xi32, #tpu.memory_space<hbm>>
    %dma_wait3A_26 = arith.constant 0 : i32
    %dma_wait3A_27 = arith.constant 0 : i32
    %dma_wait3A_28 = tpu.memref_slice %arg3[%add3A, %dma_wait3A, %dma_wait3A_26, %dma_wait3A_27] : memref<32x125x2x80xi32, #tpu.memory_space<hbm>> -> memref<1x1x2x80xi32, #tpu.memory_space<hbm>>
    %dma_wait3A_29 = tpu.memref_squeeze %dma_wait3A_28 : memref<1x1x2x80xi32, #tpu.memory_space<hbm>> -> memref<2x80xi32, #tpu.memory_space<hbm>>
    tpu.wait_dma2 semaphore(%arg11 : memref<!tpu.dma_semaphore, #tpu.memory_space<semaphore_mem>>) src(%dma_wait3A_29 : memref<2x80xi32, #tpu.memory_space<hbm>>) dst(%arg7 : memref<2x80xi32, #tpu.memory_space<vmem>>)
    %dma_start3A_30 = arith.constant 0 : i32
    %dma_start3A_31 = arith.constant 0 : i32
    %dma_start3A_32 = tpu.memref_slice %arg7[%dma_start3A_30, %dma_start3A_31] : memref<2x80xi32, #tpu.memory_space<vmem>> -> memref<1x80xi32, #tpu.memory_space<vmem>>
    %dma_start3A_33 = tpu.memref_squeeze %dma_start3A_32 : memref<1x80xi32, #tpu.memory_space<vmem>> -> memref<80xi32, #tpu.memory_space<vmem>>
    %dma_start3A_34 = arith.constant 0 : i32
    %dma_start3A_35 = arith.constant 0 : i32
    %dma_start3A_36 = tpu.memref_slice %arg2[%dma_start3A_34, %dma_start3A_35] : memref<10000x128xf32, #tpu.memory_space<hbm>> -> memref<10000x128xf32, #tpu.memory_space<hbm>>
    tpu.enqueue_indirect_dma source(%dma_start3A_36 : memref<10000x128xf32, #tpu.memory_space<hbm>>) target(%arg9 : memref<80x128xf32, #tpu.memory_space<vmem>>) offsets(%dma_start3A_33 : memref<80xi32, #tpu.memory_space<vmem>>) semaphore(%arg13 : memref<!tpu.dma_semaphore, #tpu.memory_space<semaphore_mem>>)
    %scan3A = arith.constant 0 : i32
    %scan3A_37 = arith.constant 0 : i32
    %scan3A_38 = arith.constant 62 : i32
    %scan3A_39 = arith.addi %scan3A_37, %scan3A_38 : i32
    %scan3A_40 = arith.constant 1 : i32
    scf.for %scan3A_58 = %scan3A_37 to %scan3A_39 step %scan3A_40  : i32 {
      %mul3A_59 = arith.constant 2 : i32
      %mul3A_60 = arith.muli %mul3A_59, %scan3A_58 : i32
      %add3A_61 = arith.constant 2 : i32
      %add3A_62 = arith.addi %mul3A_60, %add3A_61 : i32
      %mul3A_63 = arith.constant 2 : i32
      %mul3A_64 = arith.muli %mul3A_63, %scan3A_58 : i32
      %add3A_65 = arith.constant 1 : i32
      %add3A_66 = arith.addi %mul3A_64, %add3A_65 : i32
      %dma_wait3A_67 = arith.constant 0 : i32
      %dma_wait3A_68 = arith.constant 0 : i32
      %dma_wait3A_69 = tpu.memref_slice %arg3[%add3A, %add3A_66, %dma_wait3A_67, %dma_wait3A_68] : memref<32x125x2x80xi32, #tpu.memory_space<hbm>> -> memref<1x1x2x80xi32, #tpu.memory_space<hbm>>
      %dma_wait3A_70 = tpu.memref_squeeze %dma_wait3A_69 : memref<1x1x2x80xi32, #tpu.memory_space<hbm>> -> memref<2x80xi32, #tpu.memory_space<hbm>>
      %dma_wait3A_71 = arith.constant 0 : i32
      %dma_wait3A_72 = arith.constant 0 : i32
      %dma_wait3A_73 = tpu.memref_slice %arg3[%add3A, %add3A_66, %dma_wait3A_71, %dma_wait3A_72] : memref<32x125x2x80xi32, #tpu.memory_space<hbm>> -> memref<1x1x2x80xi32, #tpu.memory_space<hbm>>
      %dma_wait3A_74 = tpu.memref_squeeze %dma_wait3A_73 : memref<1x1x2x80xi32, #tpu.memory_space<hbm>> -> memref<2x80xi32, #tpu.memory_space<hbm>>
      tpu.wait_dma2 semaphore(%arg12 : memref<!tpu.dma_semaphore, #tpu.memory_space<semaphore_mem>>) src(%dma_wait3A_74 : memref<2x80xi32, #tpu.memory_space<hbm>>) dst(%arg8 : memref<2x80xi32, #tpu.memory_space<vmem>>)
      %dma_start3A_75 = arith.constant 0 : i32
      %dma_start3A_76 = arith.constant 0 : i32
      %dma_start3A_77 = tpu.memref_slice %arg8[%dma_start3A_75, %dma_start3A_76] : memref<2x80xi32, #tpu.memory_space<vmem>> -> memref<1x80xi32, #tpu.memory_space<vmem>>
      %dma_start3A_78 = tpu.memref_squeeze %dma_start3A_77 : memref<1x80xi32, #tpu.memory_space<vmem>> -> memref<80xi32, #tpu.memory_space<vmem>>
      %dma_start3A_79 = arith.constant 0 : i32
      %dma_start3A_80 = arith.constant 0 : i32
      %dma_start3A_81 = tpu.memref_slice %arg2[%dma_start3A_79, %dma_start3A_80] : memref<10000x128xf32, #tpu.memory_space<hbm>> -> memref<10000x128xf32, #tpu.memory_space<hbm>>
      tpu.enqueue_indirect_dma source(%dma_start3A_81 : memref<10000x128xf32, #tpu.memory_space<hbm>>) target(%arg10 : memref<80x128xf32, #tpu.memory_space<vmem>>) offsets(%dma_start3A_78 : memref<80xi32, #tpu.memory_space<vmem>>) semaphore(%arg14 : memref<!tpu.dma_semaphore, #tpu.memory_space<semaphore_mem>>)
      %dma_wait3A_82 = arith.constant 0 : i32
      %dma_wait3A_83 = arith.constant 0 : i32
      %dma_wait3A_84 = tpu.memref_slice %arg7[%dma_wait3A_82, %dma_wait3A_83] : memref<2x80xi32, #tpu.memory_space<vmem>> -> memref<1x80xi32, #tpu.memory_space<vmem>>
      %dma_wait3A_85 = tpu.memref_squeeze %dma_wait3A_84 : memref<1x80xi32, #tpu.memory_space<vmem>> -> memref<80xi32, #tpu.memory_space<vmem>>
      %dma_wait3A_86 = arith.constant 0 : i32
      %dma_wait3A_87 = arith.constant 0 : i32
      %dma_wait3A_88 = tpu.memref_slice %arg2[%dma_wait3A_86, %dma_wait3A_87] : memref<10000x128xf32, #tpu.memory_space<hbm>> -> memref<10000x128xf32, #tpu.memory_space<hbm>>
      tpu.wait_indirect_dma semaphore(%arg13 : memref<!tpu.dma_semaphore, #tpu.memory_space<semaphore_mem>>) src(%dma_wait3A_88 : memref<10000x128xf32, #tpu.memory_space<hbm>>) dst(%arg9 : memref<80x128xf32, #tpu.memory_space<vmem>>)
      %run_scoped3A_89 = arith.constant 1 : i32
      "tpu.region"() ({
        %run_scoped3A_127 = tpu.sem_alloc : memref<!tpu.dma_semaphore, #tpu.memory_space<semaphore_mem>>
        %dma_start3A_128 = arith.constant 0 : i32
        %dma_start3A_129 = tpu.memref_slice %arg7[%run_scoped3A_89, %dma_start3A_128] : memref<2x80xi32, #tpu.memory_space<vmem>> -> memref<1x80xi32, #tpu.memory_space<vmem>>
        %dma_start3A_130 = tpu.memref_squeeze %dma_start3A_129 : memref<1x80xi32, #tpu.memory_space<vmem>> -> memref<80xi32, #tpu.memory_space<vmem>>
        %dma_start3A_131 = arith.constant 0 : i32
        %dma_start3A_132 = arith.constant 0 : i32
        %dma_start3A_133 = tpu.memref_slice %arg6[%dma_start3A_131, %dma_start3A_132] : memref<10000x128xf32, #tpu.memory_space<vmem_shared>> -> memref<10000x128xf32, #tpu.memory_space<vmem_shared>>
        tpu.enqueue_indirect_dma source(%arg9 : memref<80x128xf32, #tpu.memory_space<vmem>>) target(%dma_start3A_133 : memref<10000x128xf32, #tpu.memory_space<vmem_shared>>) offsets(%dma_start3A_130 : memref<80xi32, #tpu.memory_space<vmem>>) semaphore(%run_scoped3A_127 : memref<!tpu.dma_semaphore, #tpu.memory_space<semaphore_mem>>) {add = true}
        %dma_wait3A_134 = arith.constant 0 : i32
        %dma_wait3A_135 = tpu.memref_slice %arg7[%run_scoped3A_89, %dma_wait3A_134] : memref<2x80xi32, #tpu.memory_space<vmem>> -> memref<1x80xi32, #tpu.memory_space<vmem>>
        %dma_wait3A_136 = tpu.memref_squeeze %dma_wait3A_135 : memref<1x80xi32, #tpu.memory_space<vmem>> -> memref<80xi32, #tpu.memory_space<vmem>>
        %dma_wait3A_137 = arith.constant 0 : i32
        %dma_wait3A_138 = arith.constant 0 : i32
        %dma_wait3A_139 = tpu.memref_slice %arg6[%dma_wait3A_137, %dma_wait3A_138] : memref<10000x128xf32, #tpu.memory_space<vmem_shared>> -> memref<10000x128xf32, #tpu.memory_space<vmem_shared>>
        tpu.wait_indirect_dma semaphore(%run_scoped3A_127 : memref<!tpu.dma_semaphore, #tpu.memory_space<semaphore_mem>>) src(%arg9 : memref<80x128xf32, #tpu.memory_space<vmem>>) dst(%dma_wait3A_139 : memref<10000x128xf32, #tpu.memory_space<vmem_shared>>)
        tpu.yield
      }) : () -> ()
      %dma_start3A_90 = arith.constant 0 : i32
      %dma_start3A_91 = arith.constant 0 : i32
      %dma_start3A_92 = tpu.memref_slice %arg3[%add3A, %add3A_62, %dma_start3A_90, %dma_start3A_91] : memref<32x125x2x80xi32, #tpu.memory_space<hbm>> -> memref<1x1x2x80xi32, #tpu.memory_space<hbm>>
      %dma_start3A_93 = tpu.memref_squeeze %dma_start3A_92 : memref<1x1x2x80xi32, #tpu.memory_space<hbm>> -> memref<2x80xi32, #tpu.memory_space<hbm>>
      %dma_start3A_94 = arith.constant 0 : i32
      %dma_start3A_95 = arith.constant 0 : i32
      %dma_start3A_96 = tpu.memref_slice %arg3[%add3A, %add3A_62, %dma_start3A_94, %dma_start3A_95] : memref<32x125x2x80xi32, #tpu.memory_space<hbm>> -> memref<1x1x2x80xi32, #tpu.memory_space<hbm>>
      %dma_start3A_97 = tpu.memref_squeeze %dma_start3A_96 : memref<1x1x2x80xi32, #tpu.memory_space<hbm>> -> memref<2x80xi32, #tpu.memory_space<hbm>>
      tpu.enqueue_dma source(%dma_start3A_97 : memref<2x80xi32, #tpu.memory_space<hbm>>) target(%arg7 : memref<2x80xi32, #tpu.memory_space<vmem>>) target_semaphore(%arg11 : memref<!tpu.dma_semaphore, #tpu.memory_space<semaphore_mem>>)
      %dma_wait3A_98 = arith.constant 0 : i32
      %dma_wait3A_99 = arith.constant 0 : i32
      %dma_wait3A_100 = tpu.memref_slice %arg3[%add3A, %add3A_62, %dma_wait3A_98, %dma_wait3A_99] : memref<32x125x2x80xi32, #tpu.memory_space<hbm>> -> memref<1x1x2x80xi32, #tpu.memory_space<hbm>>
      %dma_wait3A_101 = tpu.memref_squeeze %dma_wait3A_100 : memref<1x1x2x80xi32, #tpu.memory_space<hbm>> -> memref<2x80xi32, #tpu.memory_space<hbm>>
      %dma_wait3A_102 = arith.constant 0 : i32
      %dma_wait3A_103 = arith.constant 0 : i32
      %dma_wait3A_104 = tpu.memref_slice %arg3[%add3A, %add3A_62, %dma_wait3A_102, %dma_wait3A_103] : memref<32x125x2x80xi32, #tpu.memory_space<hbm>> -> memref<1x1x2x80xi32, #tpu.memory_space<hbm>>
      %dma_wait3A_105 = tpu.memref_squeeze %dma_wait3A_104 : memref<1x1x2x80xi32, #tpu.memory_space<hbm>> -> memref<2x80xi32, #tpu.memory_space<hbm>>
      tpu.wait_dma2 semaphore(%arg11 : memref<!tpu.dma_semaphore, #tpu.memory_space<semaphore_mem>>) src(%dma_wait3A_105 : memref<2x80xi32, #tpu.memory_space<hbm>>) dst(%arg7 : memref<2x80xi32, #tpu.memory_space<vmem>>)
      %dma_start3A_106 = arith.constant 0 : i32
      %dma_start3A_107 = arith.constant 0 : i32
      %dma_start3A_108 = tpu.memref_slice %arg7[%dma_start3A_106, %dma_start3A_107] : memref<2x80xi32, #tpu.memory_space<vmem>> -> memref<1x80xi32, #tpu.memory_space<vmem>>
      %dma_start3A_109 = tpu.memref_squeeze %dma_start3A_108 : memref<1x80xi32, #tpu.memory_space<vmem>> -> memref<80xi32, #tpu.memory_space<vmem>>
      %dma_start3A_110 = arith.constant 0 : i32
      %dma_start3A_111 = arith.constant 0 : i32
      %dma_start3A_112 = tpu.memref_slice %arg2[%dma_start3A_110, %dma_start3A_111] : memref<10000x128xf32, #tpu.memory_space<hbm>> -> memref<10000x128xf32, #tpu.memory_space<hbm>>
      tpu.enqueue_indirect_dma source(%dma_start3A_112 : memref<10000x128xf32, #tpu.memory_space<hbm>>) target(%arg9 : memref<80x128xf32, #tpu.memory_space<vmem>>) offsets(%dma_start3A_109 : memref<80xi32, #tpu.memory_space<vmem>>) semaphore(%arg13 : memref<!tpu.dma_semaphore, #tpu.memory_space<semaphore_mem>>)
      %dma_wait3A_113 = arith.constant 0 : i32
      %dma_wait3A_114 = arith.constant 0 : i32
      %dma_wait3A_115 = tpu.memref_slice %arg8[%dma_wait3A_113, %dma_wait3A_114] : memref<2x80xi32, #tpu.memory_space<vmem>> -> memref<1x80xi32, #tpu.memory_space<vmem>>
      %dma_wait3A_116 = tpu.memref_squeeze %dma_wait3A_115 : memref<1x80xi32, #tpu.memory_space<vmem>> -> memref<80xi32, #tpu.memory_space<vmem>>
      %dma_wait3A_117 = arith.constant 0 : i32
      %dma_wait3A_118 = arith.constant 0 : i32
      %dma_wait3A_119 = tpu.memref_slice %arg2[%dma_wait3A_117, %dma_wait3A_118] : memref<10000x128xf32, #tpu.memory_space<hbm>> -> memref<10000x128xf32, #tpu.memory_space<hbm>>
      tpu.wait_indirect_dma semaphore(%arg14 : memref<!tpu.dma_semaphore, #tpu.memory_space<semaphore_mem>>) src(%dma_wait3A_119 : memref<10000x128xf32, #tpu.memory_space<hbm>>) dst(%arg10 : memref<80x128xf32, #tpu.memory_space<vmem>>)
      %run_scoped3A_120 = arith.constant 1 : i32
      "tpu.region"() ({
        %run_scoped3A_127 = tpu.sem_alloc : memref<!tpu.dma_semaphore, #tpu.memory_space<semaphore_mem>>
        %dma_start3A_128 = arith.constant 0 : i32
        %dma_start3A_129 = tpu.memref_slice %arg8[%run_scoped3A_120, %dma_start3A_128] : memref<2x80xi32, #tpu.memory_space<vmem>> -> memref<1x80xi32, #tpu.memory_space<vmem>>
        %dma_start3A_130 = tpu.memref_squeeze %dma_start3A_129 : memref<1x80xi32, #tpu.memory_space<vmem>> -> memref<80xi32, #tpu.memory_space<vmem>>
        %dma_start3A_131 = arith.constant 0 : i32
        %dma_start3A_132 = arith.constant 0 : i32
        %dma_start3A_133 = tpu.memref_slice %arg6[%dma_start3A_131, %dma_start3A_132] : memref<10000x128xf32, #tpu.memory_space<vmem_shared>> -> memref<10000x128xf32, #tpu.memory_space<vmem_shared>>
        tpu.enqueue_indirect_dma source(%arg10 : memref<80x128xf32, #tpu.memory_space<vmem>>) target(%dma_start3A_133 : memref<10000x128xf32, #tpu.memory_space<vmem_shared>>) offsets(%dma_start3A_130 : memref<80xi32, #tpu.memory_space<vmem>>) semaphore(%run_scoped3A_127 : memref<!tpu.dma_semaphore, #tpu.memory_space<semaphore_mem>>) {add = true}
        %dma_wait3A_134 = arith.constant 0 : i32
        %dma_wait3A_135 = tpu.memref_slice %arg8[%run_scoped3A_120, %dma_wait3A_134] : memref<2x80xi32, #tpu.memory_space<vmem>> -> memref<1x80xi32, #tpu.memory_space<vmem>>
        %dma_wait3A_136 = tpu.memref_squeeze %dma_wait3A_135 : memref<1x80xi32, #tpu.memory_space<vmem>> -> memref<80xi32, #tpu.memory_space<vmem>>
        %dma_wait3A_137 = arith.constant 0 : i32
        %dma_wait3A_138 = arith.constant 0 : i32
        %dma_wait3A_139 = tpu.memref_slice %arg6[%dma_wait3A_137, %dma_wait3A_138] : memref<10000x128xf32, #tpu.memory_space<vmem_shared>> -> memref<10000x128xf32, #tpu.memory_space<vmem_shared>>
        tpu.wait_indirect_dma semaphore(%run_scoped3A_127 : memref<!tpu.dma_semaphore, #tpu.memory_space<semaphore_mem>>) src(%arg10 : memref<80x128xf32, #tpu.memory_space<vmem>>) dst(%dma_wait3A_139 : memref<10000x128xf32, #tpu.memory_space<vmem_shared>>)
        tpu.yield
      }) : () -> ()
      %add3A_121 = arith.constant 1 : i32
      %add3A_122 = arith.addi %add3A_62, %add3A_121 : i32
      %lt3A = arith.constant 125 : i32
      %lt3A_123 = arith.cmpi slt, %add3A_122, %lt3A : i32
      %convert_element_type3A_124 = arith.extui %lt3A_123 : i1 to i32
      %cond3A_125 = arith.constant 0 : i32
      %cond3A_126 = arith.cmpi ne, %convert_element_type3A_124, %cond3A_125 : i32
      scf.if %cond3A_126 {
        %add3A_127 = arith.constant 1 : i32
        %add3A_128 = arith.addi %add3A_62, %add3A_127 : i32
        %dma_start3A_129 = arith.constant 0 : i32
        %dma_start3A_130 = arith.constant 0 : i32
        %dma_start3A_131 = tpu.memref_slice %arg3[%add3A, %add3A_128, %dma_start3A_129, %dma_start3A_130] : memref<32x125x2x80xi32, #tpu.memory_space<hbm>> -> memref<1x1x2x80xi32, #tpu.memory_space<hbm>>
        %dma_start3A_132 = tpu.memref_squeeze %dma_start3A_131 : memref<1x1x2x80xi32, #tpu.memory_space<hbm>> -> memref<2x80xi32, #tpu.memory_space<hbm>>
        %dma_start3A_133 = arith.constant 0 : i32
        %dma_start3A_134 = arith.constant 0 : i32
        %dma_start3A_135 = tpu.memref_slice %arg3[%add3A, %add3A_128, %dma_start3A_133, %dma_start3A_134] : memref<32x125x2x80xi32, #tpu.memory_space<hbm>> -> memref<1x1x2x80xi32, #tpu.memory_space<hbm>>
        %dma_start3A_136 = tpu.memref_squeeze %dma_start3A_135 : memref<1x1x2x80xi32, #tpu.memory_space<hbm>> -> memref<2x80xi32, #tpu.memory_space<hbm>>
        tpu.enqueue_dma source(%dma_start3A_136 : memref<2x80xi32, #tpu.memory_space<hbm>>) target(%arg8 : memref<2x80xi32, #tpu.memory_space<vmem>>) target_semaphore(%arg12 : memref<!tpu.dma_semaphore, #tpu.memory_space<semaphore_mem>>)
      } else {
      }
    }
    %scan3A_41 = arith.constant 62 : i32
    %dma_wait3A_42 = arith.constant 0 : i32
    %dma_wait3A_43 = arith.constant 0 : i32
    %dma_wait3A_44 = tpu.memref_slice %arg7[%dma_wait3A_42, %dma_wait3A_43] : memref<2x80xi32, #tpu.memory_space<vmem>> -> memref<1x80xi32, #tpu.memory_space<vmem>>
    %dma_wait3A_45 = tpu.memref_squeeze %dma_wait3A_44 : memref<1x80xi32, #tpu.memory_space<vmem>> -> memref<80xi32, #tpu.memory_space<vmem>>
    %dma_wait3A_46 = arith.constant 0 : i32
    %dma_wait3A_47 = arith.constant 0 : i32
    %dma_wait3A_48 = tpu.memref_slice %arg2[%dma_wait3A_46, %dma_wait3A_47] : memref<10000x128xf32, #tpu.memory_space<hbm>> -> memref<10000x128xf32, #tpu.memory_space<hbm>>
    tpu.wait_indirect_dma semaphore(%arg13 : memref<!tpu.dma_semaphore, #tpu.memory_space<semaphore_mem>>) src(%dma_wait3A_48 : memref<10000x128xf32, #tpu.memory_space<hbm>>) dst(%arg9 : memref<80x128xf32, #tpu.memory_space<vmem>>)
    %run_scoped3A = arith.constant 1 : i32
    "tpu.region"() ({
      %run_scoped3A_58 = tpu.sem_alloc : memref<!tpu.dma_semaphore, #tpu.memory_space<semaphore_mem>>
      %dma_start3A_59 = arith.constant 0 : i32
      %dma_start3A_60 = tpu.memref_slice %arg7[%run_scoped3A, %dma_start3A_59] : memref<2x80xi32, #tpu.memory_space<vmem>> -> memref<1x80xi32, #tpu.memory_space<vmem>>
      %dma_start3A_61 = tpu.memref_squeeze %dma_start3A_60 : memref<1x80xi32, #tpu.memory_space<vmem>> -> memref<80xi32, #tpu.memory_space<vmem>>
      %dma_start3A_62 = arith.constant 0 : i32
      %dma_start3A_63 = arith.constant 0 : i32
      %dma_start3A_64 = tpu.memref_slice %arg6[%dma_start3A_62, %dma_start3A_63] : memref<10000x128xf32, #tpu.memory_space<vmem_shared>> -> memref<10000x128xf32, #tpu.memory_space<vmem_shared>>
      tpu.enqueue_indirect_dma source(%arg9 : memref<80x128xf32, #tpu.memory_space<vmem>>) target(%dma_start3A_64 : memref<10000x128xf32, #tpu.memory_space<vmem_shared>>) offsets(%dma_start3A_61 : memref<80xi32, #tpu.memory_space<vmem>>) semaphore(%run_scoped3A_58 : memref<!tpu.dma_semaphore, #tpu.memory_space<semaphore_mem>>) {add = true}
      %dma_wait3A_65 = arith.constant 0 : i32
      %dma_wait3A_66 = tpu.memref_slice %arg7[%run_scoped3A, %dma_wait3A_65] : memref<2x80xi32, #tpu.memory_space<vmem>> -> memref<1x80xi32, #tpu.memory_space<vmem>>
      %dma_wait3A_67 = tpu.memref_squeeze %dma_wait3A_66 : memref<1x80xi32, #tpu.memory_space<vmem>> -> memref<80xi32, #tpu.memory_space<vmem>>
      %dma_wait3A_68 = arith.constant 0 : i32
      %dma_wait3A_69 = arith.constant 0 : i32
      %dma_wait3A_70 = tpu.memref_slice %arg6[%dma_wait3A_68, %dma_wait3A_69] : memref<10000x128xf32, #tpu.memory_space<vmem_shared>> -> memref<10000x128xf32, #tpu.memory_space<vmem_shared>>
      tpu.wait_indirect_dma semaphore(%run_scoped3A_58 : memref<!tpu.dma_semaphore, #tpu.memory_space<semaphore_mem>>) src(%arg9 : memref<80x128xf32, #tpu.memory_space<vmem>>) dst(%dma_wait3A_70 : memref<10000x128xf32, #tpu.memory_space<vmem_shared>>)
      tpu.yield
    }) : () -> ()
    %barrier3A_49 = arith.constant 0 : index
    tpu.barrier barrier_id(%barrier3A_49)
    %mul3A_50 = arith.constant 624 : i32
    %mul3A_51 = arith.muli %arg1, %mul3A_50 : i32
    %multiple_of3A_52 = tpu.assume_multiple %mul3A_51, 8 : i32
    "tpu.region"() ({
      %run_scoped3A_58 = tpu.sem_alloc : memref<!tpu.dma_semaphore, #tpu.memory_space<semaphore_mem>>
      %dma_start3A_59 = arith.constant 0 : i32
      %dma_start3A_60 = tpu.memref_slice %arg5[%arg0, %multiple_of3A_52, %dma_start3A_59] : memref<2x10000x128xf32, #tpu.memory_space<hbm>> -> memref<1x624x128xf32, #tpu.memory_space<hbm>>
      %dma_start3A_61 = tpu.memref_squeeze %dma_start3A_60 : memref<1x624x128xf32, #tpu.memory_space<hbm>> -> memref<624x128xf32, #tpu.memory_space<hbm>>
      %dma_start3A_62 = arith.constant 0 : i32
      %dma_start3A_63 = tpu.memref_slice %arg6[%multiple_of3A_52, %dma_start3A_62] : memref<10000x128xf32, #tpu.memory_space<vmem_shared>> -> memref<624x128xf32, #tpu.memory_space<vmem_shared>>
      tpu.enqueue_dma source(%dma_start3A_63 : memref<624x128xf32, #tpu.memory_space<vmem_shared>>) target(%dma_start3A_61 : memref<624x128xf32, #tpu.memory_space<hbm>>) target_semaphore(%run_scoped3A_58 : memref<!tpu.dma_semaphore, #tpu.memory_space<semaphore_mem>>)
      %dma_wait3A_64 = arith.constant 0 : i32
      %dma_wait3A_65 = tpu.memref_slice %arg5[%arg0, %multiple_of3A_52, %dma_wait3A_64] : memref<2x10000x128xf32, #tpu.memory_space<hbm>> -> memref<1x624x128xf32, #tpu.memory_space<hbm>>
      %dma_wait3A_66 = tpu.memref_squeeze %dma_wait3A_65 : memref<1x624x128xf32, #tpu.memory_space<hbm>> -> memref<624x128xf32, #tpu.memory_space<hbm>>
      %dma_wait3A_67 = arith.constant 0 : i32
      %dma_wait3A_68 = tpu.memref_slice %arg6[%multiple_of3A_52, %dma_wait3A_67] : memref<10000x128xf32, #tpu.memory_space<vmem_shared>> -> memref<624x128xf32, #tpu.memory_space<vmem_shared>>
      tpu.wait_dma2 semaphore(%run_scoped3A_58 : memref<!tpu.dma_semaphore, #tpu.memory_space<semaphore_mem>>) src(%dma_wait3A_68 : memref<624x128xf32, #tpu.memory_space<vmem_shared>>) dst(%dma_wait3A_66 : memref<624x128xf32, #tpu.memory_space<hbm>>)
      tpu.yield
    }) : () -> ()
    %eq3A_53 = arith.constant 15 : i32
    %eq3A_54 = arith.cmpi eq, %arg1, %eq3A_53 : i32
    %convert_element_type3A_55 = arith.extui %eq3A_54 : i1 to i32
    %cond3A_56 = arith.constant 0 : i32
    %cond3A_57 = arith.cmpi ne, %convert_element_type3A_55, %cond3A_56 : i32
    scf.if %cond3A_57 {
      "tpu.region"() ({
        %run_scoped3A_58 = tpu.sem_alloc : memref<!tpu.dma_semaphore, #tpu.memory_space<semaphore_mem>>
        %dma_start3A_59 = arith.constant 9984 : i32
        %dma_start3A_60 = arith.constant 0 : i32
        %dma_start3A_61 = tpu.memref_slice %arg5[%arg0, %dma_start3A_59, %dma_start3A_60] : memref<2x10000x128xf32, #tpu.memory_space<hbm>> -> memref<1x16x128xf32, #tpu.memory_space<hbm>>
        %dma_start3A_62 = tpu.memref_squeeze %dma_start3A_61 : memref<1x16x128xf32, #tpu.memory_space<hbm>> -> memref<16x128xf32, #tpu.memory_space<hbm>>
        %dma_start3A_63 = arith.constant 9984 : i32
        %dma_start3A_64 = arith.constant 0 : i32
        %dma_start3A_65 = tpu.memref_slice %arg6[%dma_start3A_63, %dma_start3A_64] : memref<10000x128xf32, #tpu.memory_space<vmem_shared>> -> memref<16x128xf32, #tpu.memory_space<vmem_shared>>
        tpu.enqueue_dma source(%dma_start3A_65 : memref<16x128xf32, #tpu.memory_space<vmem_shared>>) target(%dma_start3A_62 : memref<16x128xf32, #tpu.memory_space<hbm>>) target_semaphore(%run_scoped3A_58 : memref<!tpu.dma_semaphore, #tpu.memory_space<semaphore_mem>>)
        %dma_wait3A_66 = arith.constant 9984 : i32
        %dma_wait3A_67 = arith.constant 0 : i32
        %dma_wait3A_68 = tpu.memref_slice %arg5[%arg0, %dma_wait3A_66, %dma_wait3A_67] : memref<2x10000x128xf32, #tpu.memory_space<hbm>> -> memref<1x16x128xf32, #tpu.memory_space<hbm>>
        %dma_wait3A_69 = tpu.memref_squeeze %dma_wait3A_68 : memref<1x16x128xf32, #tpu.memory_space<hbm>> -> memref<16x128xf32, #tpu.memory_space<hbm>>
        %dma_wait3A_70 = arith.constant 9984 : i32
        %dma_wait3A_71 = arith.constant 0 : i32
        %dma_wait3A_72 = tpu.memref_slice %arg6[%dma_wait3A_70, %dma_wait3A_71] : memref<10000x128xf32, #tpu.memory_space<vmem_shared>> -> memref<16x128xf32, #tpu.memory_space<vmem_shared>>
        tpu.wait_dma2 semaphore(%run_scoped3A_58 : memref<!tpu.dma_semaphore, #tpu.memory_space<semaphore_mem>>) src(%dma_wait3A_72 : memref<16x128xf32, #tpu.memory_space<vmem_shared>>) dst(%dma_wait3A_69 : memref<16x128xf32, #tpu.memory_space<hbm>>)
        tpu.yield
      }) : () -> ()
    } else {
    }
    return
  }
}

#map = affine_map<(d0, d1) -> (0, 0, 0)>
#map1 = affine_map<(d0, d1) -> (0, 0)>
module attributes {stable_mosaic.version = 14 : i64} {
  func.func @_sc_degree_body(%arg0: i32, %arg1: i32, %arg2: memref<32x125x80xi32, #tpu.memory_space<hbm>>, %arg3: memref<80x16xf32, #tpu.memory_space<hbm>>, %arg4: memref<10000x16xf32, #tpu.memory_space<hbm>>, %arg5: memref<2x10000x16xf32, #tpu.memory_space<hbm>>, %arg6: memref<10000x16xf32, #tpu.memory_space<vmem_shared>>, %arg7: memref<125x80xi32, #tpu.memory_space<vmem>>, %arg8: memref<80x16xf32, #tpu.memory_space<vmem>>, %arg9: memref<!tpu.dma_semaphore, #tpu.memory_space<semaphore_mem>>) attributes {dimension_semantics = [#tpu.dimension_semantics<core_parallel>, #tpu.dimension_semantics<subcore_parallel>], iteration_bounds = array<i64: 2, 16>, scalar_prefetch = 0 : i64, scratch_operands = 4 : i64, tpu.core_type = #tpu.core_type<sc_vector_subcore>, window_params = [{transform_indices = #map}, {transform_indices = #map1}, {transform_indices = #map1}, {transform_indices = #map}]} {
    %mul3A = arith.constant 16 : i32
    %mul3A_0 = arith.muli %arg0, %mul3A : i32
    %add3A = arith.addi %mul3A_0, %arg1 : i32
    %mul3A_1 = arith.constant 624 : i32
    %mul3A_2 = arith.muli %arg1, %mul3A_1 : i32
    %multiple_of3A = tpu.assume_multiple %mul3A_2, 8 : i32
    "tpu.region"() ({
      %run_scoped3A = tpu.sem_alloc : memref<!tpu.dma_semaphore, #tpu.memory_space<semaphore_mem>>
      %dma_start3A = arith.constant 0 : i32
      %dma_start3A_25 = tpu.memref_slice %arg6[%multiple_of3A, %dma_start3A] : memref<10000x16xf32, #tpu.memory_space<vmem_shared>> -> memref<624x16xf32, #tpu.memory_space<vmem_shared>>
      %dma_start3A_26 = arith.constant 0 : i32
      %dma_start3A_27 = tpu.memref_slice %arg4[%multiple_of3A, %dma_start3A_26] : memref<10000x16xf32, #tpu.memory_space<hbm>> -> memref<624x16xf32, #tpu.memory_space<hbm>>
      tpu.enqueue_dma source(%dma_start3A_27 : memref<624x16xf32, #tpu.memory_space<hbm>>) target(%dma_start3A_25 : memref<624x16xf32, #tpu.memory_space<vmem_shared>>) target_semaphore(%run_scoped3A : memref<!tpu.dma_semaphore, #tpu.memory_space<semaphore_mem>>)
      %dma_wait3A = arith.constant 0 : i32
      %dma_wait3A_28 = tpu.memref_slice %arg6[%multiple_of3A, %dma_wait3A] : memref<10000x16xf32, #tpu.memory_space<vmem_shared>> -> memref<624x16xf32, #tpu.memory_space<vmem_shared>>
      %dma_wait3A_29 = arith.constant 0 : i32
      %dma_wait3A_30 = tpu.memref_slice %arg4[%multiple_of3A, %dma_wait3A_29] : memref<10000x16xf32, #tpu.memory_space<hbm>> -> memref<624x16xf32, #tpu.memory_space<hbm>>
      tpu.wait_dma2 semaphore(%run_scoped3A : memref<!tpu.dma_semaphore, #tpu.memory_space<semaphore_mem>>) src(%dma_wait3A_30 : memref<624x16xf32, #tpu.memory_space<hbm>>) dst(%dma_wait3A_28 : memref<624x16xf32, #tpu.memory_space<vmem_shared>>)
      tpu.yield
    }) : () -> ()
    %eq3A = arith.constant 15 : i32
    %eq3A_3 = arith.cmpi eq, %arg1, %eq3A : i32
    %convert_element_type3A = arith.extui %eq3A_3 : i1 to i32
    %cond3A = arith.constant 0 : i32
    %cond3A_4 = arith.cmpi ne, %convert_element_type3A, %cond3A : i32
    scf.if %cond3A_4 {
      "tpu.region"() ({
        %run_scoped3A = tpu.sem_alloc : memref<!tpu.dma_semaphore, #tpu.memory_space<semaphore_mem>>
        %dma_start3A = arith.constant 9984 : i32
        %dma_start3A_25 = arith.constant 0 : i32
        %dma_start3A_26 = tpu.memref_slice %arg6[%dma_start3A, %dma_start3A_25] : memref<10000x16xf32, #tpu.memory_space<vmem_shared>> -> memref<16x16xf32, #tpu.memory_space<vmem_shared>>
        %dma_start3A_27 = arith.constant 9984 : i32
        %dma_start3A_28 = arith.constant 0 : i32
        %dma_start3A_29 = tpu.memref_slice %arg4[%dma_start3A_27, %dma_start3A_28] : memref<10000x16xf32, #tpu.memory_space<hbm>> -> memref<16x16xf32, #tpu.memory_space<hbm>>
        tpu.enqueue_dma source(%dma_start3A_29 : memref<16x16xf32, #tpu.memory_space<hbm>>) target(%dma_start3A_26 : memref<16x16xf32, #tpu.memory_space<vmem_shared>>) target_semaphore(%run_scoped3A : memref<!tpu.dma_semaphore, #tpu.memory_space<semaphore_mem>>)
        %dma_wait3A = arith.constant 9984 : i32
        %dma_wait3A_30 = arith.constant 0 : i32
        %dma_wait3A_31 = tpu.memref_slice %arg6[%dma_wait3A, %dma_wait3A_30] : memref<10000x16xf32, #tpu.memory_space<vmem_shared>> -> memref<16x16xf32, #tpu.memory_space<vmem_shared>>
        %dma_wait3A_32 = arith.constant 9984 : i32
        %dma_wait3A_33 = arith.constant 0 : i32
        %dma_wait3A_34 = tpu.memref_slice %arg4[%dma_wait3A_32, %dma_wait3A_33] : memref<10000x16xf32, #tpu.memory_space<hbm>> -> memref<16x16xf32, #tpu.memory_space<hbm>>
        tpu.wait_dma2 semaphore(%run_scoped3A : memref<!tpu.dma_semaphore, #tpu.memory_space<semaphore_mem>>) src(%dma_wait3A_34 : memref<16x16xf32, #tpu.memory_space<hbm>>) dst(%dma_wait3A_31 : memref<16x16xf32, #tpu.memory_space<vmem_shared>>)
        tpu.yield
      }) : () -> ()
    } else {
    }
    "tpu.region"() ({
      %run_scoped3A = tpu.sem_alloc : memref<!tpu.dma_semaphore, #tpu.memory_space<semaphore_mem>>
      %dma_start3A = arith.constant 0 : i32
      %dma_start3A_25 = arith.constant 0 : i32
      %dma_start3A_26 = tpu.memref_slice %arg2[%add3A, %dma_start3A, %dma_start3A_25] : memref<32x125x80xi32, #tpu.memory_space<hbm>> -> memref<1x125x80xi32, #tpu.memory_space<hbm>>
      %dma_start3A_27 = tpu.memref_squeeze %dma_start3A_26 : memref<1x125x80xi32, #tpu.memory_space<hbm>> -> memref<125x80xi32, #tpu.memory_space<hbm>>
      %dma_start3A_28 = arith.constant 0 : i32
      %dma_start3A_29 = arith.constant 0 : i32
      %dma_start3A_30 = tpu.memref_slice %arg2[%add3A, %dma_start3A_28, %dma_start3A_29] : memref<32x125x80xi32, #tpu.memory_space<hbm>> -> memref<1x125x80xi32, #tpu.memory_space<hbm>>
      %dma_start3A_31 = tpu.memref_squeeze %dma_start3A_30 : memref<1x125x80xi32, #tpu.memory_space<hbm>> -> memref<125x80xi32, #tpu.memory_space<hbm>>
      tpu.enqueue_dma source(%dma_start3A_31 : memref<125x80xi32, #tpu.memory_space<hbm>>) target(%arg7 : memref<125x80xi32, #tpu.memory_space<vmem>>) target_semaphore(%run_scoped3A : memref<!tpu.dma_semaphore, #tpu.memory_space<semaphore_mem>>)
      %dma_wait3A = arith.constant 0 : i32
      %dma_wait3A_32 = arith.constant 0 : i32
      %dma_wait3A_33 = tpu.memref_slice %arg2[%add3A, %dma_wait3A, %dma_wait3A_32] : memref<32x125x80xi32, #tpu.memory_space<hbm>> -> memref<1x125x80xi32, #tpu.memory_space<hbm>>
      %dma_wait3A_34 = tpu.memref_squeeze %dma_wait3A_33 : memref<1x125x80xi32, #tpu.memory_space<hbm>> -> memref<125x80xi32, #tpu.memory_space<hbm>>
      %dma_wait3A_35 = arith.constant 0 : i32
      %dma_wait3A_36 = arith.constant 0 : i32
      %dma_wait3A_37 = tpu.memref_slice %arg2[%add3A, %dma_wait3A_35, %dma_wait3A_36] : memref<32x125x80xi32, #tpu.memory_space<hbm>> -> memref<1x125x80xi32, #tpu.memory_space<hbm>>
      %dma_wait3A_38 = tpu.memref_squeeze %dma_wait3A_37 : memref<1x125x80xi32, #tpu.memory_space<hbm>> -> memref<125x80xi32, #tpu.memory_space<hbm>>
      tpu.wait_dma2 semaphore(%run_scoped3A : memref<!tpu.dma_semaphore, #tpu.memory_space<semaphore_mem>>) src(%dma_wait3A_38 : memref<125x80xi32, #tpu.memory_space<hbm>>) dst(%arg7 : memref<125x80xi32, #tpu.memory_space<vmem>>)
      tpu.yield
    }) : () -> ()
    "tpu.region"() ({
      %run_scoped3A = tpu.sem_alloc : memref<!tpu.dma_semaphore, #tpu.memory_space<semaphore_mem>>
      tpu.enqueue_dma source(%arg3 : memref<80x16xf32, #tpu.memory_space<hbm>>) target(%arg8 : memref<80x16xf32, #tpu.memory_space<vmem>>) target_semaphore(%run_scoped3A : memref<!tpu.dma_semaphore, #tpu.memory_space<semaphore_mem>>)
      tpu.wait_dma2 semaphore(%run_scoped3A : memref<!tpu.dma_semaphore, #tpu.memory_space<semaphore_mem>>) src(%arg3 : memref<80x16xf32, #tpu.memory_space<hbm>>) dst(%arg8 : memref<80x16xf32, #tpu.memory_space<vmem>>)
      tpu.yield
    }) : () -> ()
    %barrier3A = arith.constant 0 : index
    tpu.barrier barrier_id(%barrier3A)
    %scan3A = arith.constant 0 : i32
    %scan3A_5 = arith.constant 0 : i32
    %scan3A_6 = arith.constant 125 : i32
    %scan3A_7 = arith.addi %scan3A_5, %scan3A_6 : i32
    %scan3A_8 = arith.constant 1 : i32
    scf.for %scan3A_25 = %scan3A_5 to %scan3A_7 step %scan3A_8  : i32 {
      %dma_start3A = arith.constant 0 : i32
      %dma_start3A_26 = tpu.memref_slice %arg7[%scan3A_25, %dma_start3A] : memref<125x80xi32, #tpu.memory_space<vmem>> -> memref<1x80xi32, #tpu.memory_space<vmem>>
      %dma_start3A_27 = tpu.memref_squeeze %dma_start3A_26 : memref<1x80xi32, #tpu.memory_space<vmem>> -> memref<80xi32, #tpu.memory_space<vmem>>
      %dma_start3A_28 = arith.constant 0 : i32
      %dma_start3A_29 = arith.constant 0 : i32
      %dma_start3A_30 = tpu.memref_slice %arg6[%dma_start3A_28, %dma_start3A_29] : memref<10000x16xf32, #tpu.memory_space<vmem_shared>> -> memref<10000x16xf32, #tpu.memory_space<vmem_shared>>
      tpu.enqueue_indirect_dma source(%arg8 : memref<80x16xf32, #tpu.memory_space<vmem>>) target(%dma_start3A_30 : memref<10000x16xf32, #tpu.memory_space<vmem_shared>>) offsets(%dma_start3A_27 : memref<80xi32, #tpu.memory_space<vmem>>) semaphore(%arg9 : memref<!tpu.dma_semaphore, #tpu.memory_space<semaphore_mem>>) {add = true}
    }
    %scan3A_9 = arith.constant 125 : i32
    %scan3A_10 = arith.constant 0 : i32
    %scan3A_11 = arith.constant 0 : i32
    %scan3A_12 = arith.constant 125 : i32
    %scan3A_13 = arith.addi %scan3A_11, %scan3A_12 : i32
    %scan3A_14 = arith.constant 1 : i32
    scf.for %scan3A_25 = %scan3A_11 to %scan3A_13 step %scan3A_14  : i32 {
      %dma_wait3A = arith.constant 0 : i32
      %dma_wait3A_26 = tpu.memref_slice %arg7[%scan3A_25, %dma_wait3A] : memref<125x80xi32, #tpu.memory_space<vmem>> -> memref<1x80xi32, #tpu.memory_space<vmem>>
      %dma_wait3A_27 = tpu.memref_squeeze %dma_wait3A_26 : memref<1x80xi32, #tpu.memory_space<vmem>> -> memref<80xi32, #tpu.memory_space<vmem>>
      %dma_wait3A_28 = arith.constant 0 : i32
      %dma_wait3A_29 = arith.constant 0 : i32
      %dma_wait3A_30 = tpu.memref_slice %arg6[%dma_wait3A_28, %dma_wait3A_29] : memref<10000x16xf32, #tpu.memory_space<vmem_shared>> -> memref<10000x16xf32, #tpu.memory_space<vmem_shared>>
      tpu.wait_indirect_dma semaphore(%arg9 : memref<!tpu.dma_semaphore, #tpu.memory_space<semaphore_mem>>) src(%arg8 : memref<80x16xf32, #tpu.memory_space<vmem>>) dst(%dma_wait3A_30 : memref<10000x16xf32, #tpu.memory_space<vmem_shared>>)
    }
    %scan3A_15 = arith.constant 125 : i32
    %barrier3A_16 = arith.constant 0 : index
    tpu.barrier barrier_id(%barrier3A_16)
    %mul3A_17 = arith.constant 624 : i32
    %mul3A_18 = arith.muli %arg1, %mul3A_17 : i32
    %multiple_of3A_19 = tpu.assume_multiple %mul3A_18, 8 : i32
    "tpu.region"() ({
      %run_scoped3A = tpu.sem_alloc : memref<!tpu.dma_semaphore, #tpu.memory_space<semaphore_mem>>
      %dma_start3A = arith.constant 0 : i32
      %dma_start3A_25 = tpu.memref_slice %arg5[%arg0, %multiple_of3A_19, %dma_start3A] : memref<2x10000x16xf32, #tpu.memory_space<hbm>> -> memref<1x624x16xf32, #tpu.memory_space<hbm>>
      %dma_start3A_26 = tpu.memref_squeeze %dma_start3A_25 : memref<1x624x16xf32, #tpu.memory_space<hbm>> -> memref<624x16xf32, #tpu.memory_space<hbm>>
      %dma_start3A_27 = arith.constant 0 : i32
      %dma_start3A_28 = tpu.memref_slice %arg6[%multiple_of3A_19, %dma_start3A_27] : memref<10000x16xf32, #tpu.memory_space<vmem_shared>> -> memref<624x16xf32, #tpu.memory_space<vmem_shared>>
      tpu.enqueue_dma source(%dma_start3A_28 : memref<624x16xf32, #tpu.memory_space<vmem_shared>>) target(%dma_start3A_26 : memref<624x16xf32, #tpu.memory_space<hbm>>) target_semaphore(%run_scoped3A : memref<!tpu.dma_semaphore, #tpu.memory_space<semaphore_mem>>)
      %dma_wait3A = arith.constant 0 : i32
      %dma_wait3A_29 = tpu.memref_slice %arg5[%arg0, %multiple_of3A_19, %dma_wait3A] : memref<2x10000x16xf32, #tpu.memory_space<hbm>> -> memref<1x624x16xf32, #tpu.memory_space<hbm>>
      %dma_wait3A_30 = tpu.memref_squeeze %dma_wait3A_29 : memref<1x624x16xf32, #tpu.memory_space<hbm>> -> memref<624x16xf32, #tpu.memory_space<hbm>>
      %dma_wait3A_31 = arith.constant 0 : i32
      %dma_wait3A_32 = tpu.memref_slice %arg6[%multiple_of3A_19, %dma_wait3A_31] : memref<10000x16xf32, #tpu.memory_space<vmem_shared>> -> memref<624x16xf32, #tpu.memory_space<vmem_shared>>
      tpu.wait_dma2 semaphore(%run_scoped3A : memref<!tpu.dma_semaphore, #tpu.memory_space<semaphore_mem>>) src(%dma_wait3A_32 : memref<624x16xf32, #tpu.memory_space<vmem_shared>>) dst(%dma_wait3A_30 : memref<624x16xf32, #tpu.memory_space<hbm>>)
      tpu.yield
    }) : () -> ()
    %eq3A_20 = arith.constant 15 : i32
    %eq3A_21 = arith.cmpi eq, %arg1, %eq3A_20 : i32
    %convert_element_type3A_22 = arith.extui %eq3A_21 : i1 to i32
    %cond3A_23 = arith.constant 0 : i32
    %cond3A_24 = arith.cmpi ne, %convert_element_type3A_22, %cond3A_23 : i32
    scf.if %cond3A_24 {
      "tpu.region"() ({
        %run_scoped3A = tpu.sem_alloc : memref<!tpu.dma_semaphore, #tpu.memory_space<semaphore_mem>>
        %dma_start3A = arith.constant 9984 : i32
        %dma_start3A_25 = arith.constant 0 : i32
        %dma_start3A_26 = tpu.memref_slice %arg5[%arg0, %dma_start3A, %dma_start3A_25] : memref<2x10000x16xf32, #tpu.memory_space<hbm>> -> memref<1x16x16xf32, #tpu.memory_space<hbm>>
        %dma_start3A_27 = tpu.memref_squeeze %dma_start3A_26 : memref<1x16x16xf32, #tpu.memory_space<hbm>> -> memref<16x16xf32, #tpu.memory_space<hbm>>
        %dma_start3A_28 = arith.constant 9984 : i32
        %dma_start3A_29 = arith.constant 0 : i32
        %dma_start3A_30 = tpu.memref_slice %arg6[%dma_start3A_28, %dma_start3A_29] : memref<10000x16xf32, #tpu.memory_space<vmem_shared>> -> memref<16x16xf32, #tpu.memory_space<vmem_shared>>
        tpu.enqueue_dma source(%dma_start3A_30 : memref<16x16xf32, #tpu.memory_space<vmem_shared>>) target(%dma_start3A_27 : memref<16x16xf32, #tpu.memory_space<hbm>>) target_semaphore(%run_scoped3A : memref<!tpu.dma_semaphore, #tpu.memory_space<semaphore_mem>>)
        %dma_wait3A = arith.constant 9984 : i32
        %dma_wait3A_31 = arith.constant 0 : i32
        %dma_wait3A_32 = tpu.memref_slice %arg5[%arg0, %dma_wait3A, %dma_wait3A_31] : memref<2x10000x16xf32, #tpu.memory_space<hbm>> -> memref<1x16x16xf32, #tpu.memory_space<hbm>>
        %dma_wait3A_33 = tpu.memref_squeeze %dma_wait3A_32 : memref<1x16x16xf32, #tpu.memory_space<hbm>> -> memref<16x16xf32, #tpu.memory_space<hbm>>
        %dma_wait3A_34 = arith.constant 9984 : i32
        %dma_wait3A_35 = arith.constant 0 : i32
        %dma_wait3A_36 = tpu.memref_slice %arg6[%dma_wait3A_34, %dma_wait3A_35] : memref<10000x16xf32, #tpu.memory_space<vmem_shared>> -> memref<16x16xf32, #tpu.memory_space<vmem_shared>>
        tpu.wait_dma2 semaphore(%run_scoped3A : memref<!tpu.dma_semaphore, #tpu.memory_space<semaphore_mem>>) src(%dma_wait3A_36 : memref<16x16xf32, #tpu.memory_space<vmem_shared>>) dst(%dma_wait3A_33 : memref<16x16xf32, #tpu.memory_space<hbm>>)
        tpu.yield
      }) : () -> ()
    } else {
    }
    return
  }
}

#map = affine_map<(d0, d1) -> (0, 0)>
#map1 = affine_map<(d0, d1) -> (0, 0, 0, 0)>
#map2 = affine_map<(d0, d1) -> (0, 0, 0)>
module attributes {stable_mosaic.version = 14 : i64} {
  func.func @_sc_scatter_body(%arg0: i32, %arg1: i32, %arg2: memref<10000x128xf32, #tpu.memory_space<hbm>>, %arg3: memref<32x125x2x80xi32, #tpu.memory_space<hbm>>, %arg4: memref<10000x128xf32, #tpu.memory_space<hbm>>, %arg5: memref<2x10000x128xf32, #tpu.memory_space<hbm>>, %arg6: memref<10000x128xf32, #tpu.memory_space<vmem_shared>>, %arg7: memref<2x80xi32, #tpu.memory_space<vmem>>, %arg8: memref<2x80xi32, #tpu.memory_space<vmem>>, %arg9: memref<80x128xf32, #tpu.memory_space<vmem>>, %arg10: memref<80x128xf32, #tpu.memory_space<vmem>>, %arg11: memref<!tpu.dma_semaphore, #tpu.memory_space<semaphore_mem>>, %arg12: memref<!tpu.dma_semaphore, #tpu.memory_space<semaphore_mem>>, %arg13: memref<!tpu.dma_semaphore, #tpu.memory_space<semaphore_mem>>, %arg14: memref<!tpu.dma_semaphore, #tpu.memory_space<semaphore_mem>>) attributes {dimension_semantics = [#tpu.dimension_semantics<core_parallel>, #tpu.dimension_semantics<subcore_parallel>], iteration_bounds = array<i64: 2, 16>, scalar_prefetch = 0 : i64, scratch_operands = 9 : i64, tpu.core_type = #tpu.core_type<sc_vector_subcore>, window_params = [{transform_indices = #map}, {transform_indices = #map1}, {transform_indices = #map}, {transform_indices = #map2}]} {
    %mul3A = arith.constant 16 : i32
    %mul3A_0 = arith.muli %arg0, %mul3A : i32
    %add3A = arith.addi %mul3A_0, %arg1 : i32
    %mul3A_1 = arith.constant 624 : i32
    %mul3A_2 = arith.muli %arg1, %mul3A_1 : i32
    %multiple_of3A = tpu.assume_multiple %mul3A_2, 8 : i32
    "tpu.region"() ({
      %run_scoped3A_58 = tpu.sem_alloc : memref<!tpu.dma_semaphore, #tpu.memory_space<semaphore_mem>>
      %dma_start3A_59 = arith.constant 0 : i32
      %dma_start3A_60 = tpu.memref_slice %arg6[%multiple_of3A, %dma_start3A_59] : memref<10000x128xf32, #tpu.memory_space<vmem_shared>> -> memref<624x128xf32, #tpu.memory_space<vmem_shared>>
      %dma_start3A_61 = arith.constant 0 : i32
      %dma_start3A_62 = tpu.memref_slice %arg4[%multiple_of3A, %dma_start3A_61] : memref<10000x128xf32, #tpu.memory_space<hbm>> -> memref<624x128xf32, #tpu.memory_space<hbm>>
      tpu.enqueue_dma source(%dma_start3A_62 : memref<624x128xf32, #tpu.memory_space<hbm>>) target(%dma_start3A_60 : memref<624x128xf32, #tpu.memory_space<vmem_shared>>) target_semaphore(%run_scoped3A_58 : memref<!tpu.dma_semaphore, #tpu.memory_space<semaphore_mem>>)
      %dma_wait3A_63 = arith.constant 0 : i32
      %dma_wait3A_64 = tpu.memref_slice %arg6[%multiple_of3A, %dma_wait3A_63] : memref<10000x128xf32, #tpu.memory_space<vmem_shared>> -> memref<624x128xf32, #tpu.memory_space<vmem_shared>>
      %dma_wait3A_65 = arith.constant 0 : i32
      %dma_wait3A_66 = tpu.memref_slice %arg4[%multiple_of3A, %dma_wait3A_65] : memref<10000x128xf32, #tpu.memory_space<hbm>> -> memref<624x128xf32, #tpu.memory_space<hbm>>
      tpu.wait_dma2 semaphore(%run_scoped3A_58 : memref<!tpu.dma_semaphore, #tpu.memory_space<semaphore_mem>>) src(%dma_wait3A_66 : memref<624x128xf32, #tpu.memory_space<hbm>>) dst(%dma_wait3A_64 : memref<624x128xf32, #tpu.memory_space<vmem_shared>>)
      tpu.yield
    }) : () -> ()
    %eq3A = arith.constant 15 : i32
    %eq3A_3 = arith.cmpi eq, %arg1, %eq3A : i32
    %convert_element_type3A = arith.extui %eq3A_3 : i1 to i32
    %cond3A = arith.constant 0 : i32
    %cond3A_4 = arith.cmpi ne, %convert_element_type3A, %cond3A : i32
    scf.if %cond3A_4 {
      "tpu.region"() ({
        %run_scoped3A_58 = tpu.sem_alloc : memref<!tpu.dma_semaphore, #tpu.memory_space<semaphore_mem>>
        %dma_start3A_59 = arith.constant 9984 : i32
        %dma_start3A_60 = arith.constant 0 : i32
        %dma_start3A_61 = tpu.memref_slice %arg6[%dma_start3A_59, %dma_start3A_60] : memref<10000x128xf32, #tpu.memory_space<vmem_shared>> -> memref<16x128xf32, #tpu.memory_space<vmem_shared>>
        %dma_start3A_62 = arith.constant 9984 : i32
        %dma_start3A_63 = arith.constant 0 : i32
        %dma_start3A_64 = tpu.memref_slice %arg4[%dma_start3A_62, %dma_start3A_63] : memref<10000x128xf32, #tpu.memory_space<hbm>> -> memref<16x128xf32, #tpu.memory_space<hbm>>
        tpu.enqueue_dma source(%dma_start3A_64 : memref<16x128xf32, #tpu.memory_space<hbm>>) target(%dma_start3A_61 : memref<16x128xf32, #tpu.memory_space<vmem_shared>>) target_semaphore(%run_scoped3A_58 : memref<!tpu.dma_semaphore, #tpu.memory_space<semaphore_mem>>)
        %dma_wait3A_65 = arith.constant 9984 : i32
        %dma_wait3A_66 = arith.constant 0 : i32
        %dma_wait3A_67 = tpu.memref_slice %arg6[%dma_wait3A_65, %dma_wait3A_66] : memref<10000x128xf32, #tpu.memory_space<vmem_shared>> -> memref<16x128xf32, #tpu.memory_space<vmem_shared>>
        %dma_wait3A_68 = arith.constant 9984 : i32
        %dma_wait3A_69 = arith.constant 0 : i32
        %dma_wait3A_70 = tpu.memref_slice %arg4[%dma_wait3A_68, %dma_wait3A_69] : memref<10000x128xf32, #tpu.memory_space<hbm>> -> memref<16x128xf32, #tpu.memory_space<hbm>>
        tpu.wait_dma2 semaphore(%run_scoped3A_58 : memref<!tpu.dma_semaphore, #tpu.memory_space<semaphore_mem>>) src(%dma_wait3A_70 : memref<16x128xf32, #tpu.memory_space<hbm>>) dst(%dma_wait3A_67 : memref<16x128xf32, #tpu.memory_space<vmem_shared>>)
        tpu.yield
      }) : () -> ()
    } else {
    }
    %dma_start3A = arith.constant 0 : i32
    %dma_start3A_5 = arith.constant 0 : i32
    %dma_start3A_6 = arith.constant 0 : i32
    %dma_start3A_7 = tpu.memref_slice %arg3[%add3A, %dma_start3A, %dma_start3A_5, %dma_start3A_6] : memref<32x125x2x80xi32, #tpu.memory_space<hbm>> -> memref<1x1x2x80xi32, #tpu.memory_space<hbm>>
    %dma_start3A_8 = tpu.memref_squeeze %dma_start3A_7 : memref<1x1x2x80xi32, #tpu.memory_space<hbm>> -> memref<2x80xi32, #tpu.memory_space<hbm>>
    %dma_start3A_9 = arith.constant 0 : i32
    %dma_start3A_10 = arith.constant 0 : i32
    %dma_start3A_11 = tpu.memref_slice %arg3[%add3A, %dma_start3A, %dma_start3A_9, %dma_start3A_10] : memref<32x125x2x80xi32, #tpu.memory_space<hbm>> -> memref<1x1x2x80xi32, #tpu.memory_space<hbm>>
    %dma_start3A_12 = tpu.memref_squeeze %dma_start3A_11 : memref<1x1x2x80xi32, #tpu.memory_space<hbm>> -> memref<2x80xi32, #tpu.memory_space<hbm>>
    tpu.enqueue_dma source(%dma_start3A_12 : memref<2x80xi32, #tpu.memory_space<hbm>>) target(%arg7 : memref<2x80xi32, #tpu.memory_space<vmem>>) target_semaphore(%arg11 : memref<!tpu.dma_semaphore, #tpu.memory_space<semaphore_mem>>)
    %dma_start3A_13 = arith.constant 1 : i32
    %dma_start3A_14 = arith.constant 0 : i32
    %dma_start3A_15 = arith.constant 0 : i32
    %dma_start3A_16 = tpu.memref_slice %arg3[%add3A, %dma_start3A_13, %dma_start3A_14, %dma_start3A_15] : memref<32x125x2x80xi32, #tpu.memory_space<hbm>> -> memref<1x1x2x80xi32, #tpu.memory_space<hbm>>
    %dma_start3A_17 = tpu.memref_squeeze %dma_start3A_16 : memref<1x1x2x80xi32, #tpu.memory_space<hbm>> -> memref<2x80xi32, #tpu.memory_space<hbm>>
    %dma_start3A_18 = arith.constant 0 : i32
    %dma_start3A_19 = arith.constant 0 : i32
    %dma_start3A_20 = tpu.memref_slice %arg3[%add3A, %dma_start3A_13, %dma_start3A_18, %dma_start3A_19] : memref<32x125x2x80xi32, #tpu.memory_space<hbm>> -> memref<1x1x2x80xi32, #tpu.memory_space<hbm>>
    %dma_start3A_21 = tpu.memref_squeeze %dma_start3A_20 : memref<1x1x2x80xi32, #tpu.memory_space<hbm>> -> memref<2x80xi32, #tpu.memory_space<hbm>>
    tpu.enqueue_dma source(%dma_start3A_21 : memref<2x80xi32, #tpu.memory_space<hbm>>) target(%arg8 : memref<2x80xi32, #tpu.memory_space<vmem>>) target_semaphore(%arg12 : memref<!tpu.dma_semaphore, #tpu.memory_space<semaphore_mem>>)
    %barrier3A = arith.constant 0 : index
    tpu.barrier barrier_id(%barrier3A)
    %dma_wait3A = arith.constant 0 : i32
    %dma_wait3A_22 = arith.constant 0 : i32
    %dma_wait3A_23 = arith.constant 0 : i32
    %dma_wait3A_24 = tpu.memref_slice %arg3[%add3A, %dma_wait3A, %dma_wait3A_22, %dma_wait3A_23] : memref<32x125x2x80xi32, #tpu.memory_space<hbm>> -> memref<1x1x2x80xi32, #tpu.memory_space<hbm>>
    %dma_wait3A_25 = tpu.memref_squeeze %dma_wait3A_24 : memref<1x1x2x80xi32, #tpu.memory_space<hbm>> -> memref<2x80xi32, #tpu.memory_space<hbm>>
    %dma_wait3A_26 = arith.constant 0 : i32
    %dma_wait3A_27 = arith.constant 0 : i32
    %dma_wait3A_28 = tpu.memref_slice %arg3[%add3A, %dma_wait3A, %dma_wait3A_26, %dma_wait3A_27] : memref<32x125x2x80xi32, #tpu.memory_space<hbm>> -> memref<1x1x2x80xi32, #tpu.memory_space<hbm>>
    %dma_wait3A_29 = tpu.memref_squeeze %dma_wait3A_28 : memref<1x1x2x80xi32, #tpu.memory_space<hbm>> -> memref<2x80xi32, #tpu.memory_space<hbm>>
    tpu.wait_dma2 semaphore(%arg11 : memref<!tpu.dma_semaphore, #tpu.memory_space<semaphore_mem>>) src(%dma_wait3A_29 : memref<2x80xi32, #tpu.memory_space<hbm>>) dst(%arg7 : memref<2x80xi32, #tpu.memory_space<vmem>>)
    %dma_start3A_30 = arith.constant 0 : i32
    %dma_start3A_31 = arith.constant 0 : i32
    %dma_start3A_32 = tpu.memref_slice %arg7[%dma_start3A_30, %dma_start3A_31] : memref<2x80xi32, #tpu.memory_space<vmem>> -> memref<1x80xi32, #tpu.memory_space<vmem>>
    %dma_start3A_33 = tpu.memref_squeeze %dma_start3A_32 : memref<1x80xi32, #tpu.memory_space<vmem>> -> memref<80xi32, #tpu.memory_space<vmem>>
    %dma_start3A_34 = arith.constant 0 : i32
    %dma_start3A_35 = arith.constant 0 : i32
    %dma_start3A_36 = tpu.memref_slice %arg2[%dma_start3A_34, %dma_start3A_35] : memref<10000x128xf32, #tpu.memory_space<hbm>> -> memref<10000x128xf32, #tpu.memory_space<hbm>>
    tpu.enqueue_indirect_dma source(%dma_start3A_36 : memref<10000x128xf32, #tpu.memory_space<hbm>>) target(%arg9 : memref<80x128xf32, #tpu.memory_space<vmem>>) offsets(%dma_start3A_33 : memref<80xi32, #tpu.memory_space<vmem>>) semaphore(%arg13 : memref<!tpu.dma_semaphore, #tpu.memory_space<semaphore_mem>>)
    %scan3A = arith.constant 0 : i32
    %scan3A_37 = arith.constant 0 : i32
    %scan3A_38 = arith.constant 62 : i32
    %scan3A_39 = arith.addi %scan3A_37, %scan3A_38 : i32
    %scan3A_40 = arith.constant 1 : i32
    scf.for %scan3A_58 = %scan3A_37 to %scan3A_39 step %scan3A_40  : i32 {
      %mul3A_59 = arith.constant 2 : i32
      %mul3A_60 = arith.muli %mul3A_59, %scan3A_58 : i32
      %add3A_61 = arith.constant 2 : i32
      %add3A_62 = arith.addi %mul3A_60, %add3A_61 : i32
      %mul3A_63 = arith.constant 2 : i32
      %mul3A_64 = arith.muli %mul3A_63, %scan3A_58 : i32
      %add3A_65 = arith.constant 1 : i32
      %add3A_66 = arith.addi %mul3A_64, %add3A_65 : i32
      %dma_wait3A_67 = arith.constant 0 : i32
      %dma_wait3A_68 = arith.constant 0 : i32
      %dma_wait3A_69 = tpu.memref_slice %arg3[%add3A, %add3A_66, %dma_wait3A_67, %dma_wait3A_68] : memref<32x125x2x80xi32, #tpu.memory_space<hbm>> -> memref<1x1x2x80xi32, #tpu.memory_space<hbm>>
      %dma_wait3A_70 = tpu.memref_squeeze %dma_wait3A_69 : memref<1x1x2x80xi32, #tpu.memory_space<hbm>> -> memref<2x80xi32, #tpu.memory_space<hbm>>
      %dma_wait3A_71 = arith.constant 0 : i32
      %dma_wait3A_72 = arith.constant 0 : i32
      %dma_wait3A_73 = tpu.memref_slice %arg3[%add3A, %add3A_66, %dma_wait3A_71, %dma_wait3A_72] : memref<32x125x2x80xi32, #tpu.memory_space<hbm>> -> memref<1x1x2x80xi32, #tpu.memory_space<hbm>>
      %dma_wait3A_74 = tpu.memref_squeeze %dma_wait3A_73 : memref<1x1x2x80xi32, #tpu.memory_space<hbm>> -> memref<2x80xi32, #tpu.memory_space<hbm>>
      tpu.wait_dma2 semaphore(%arg12 : memref<!tpu.dma_semaphore, #tpu.memory_space<semaphore_mem>>) src(%dma_wait3A_74 : memref<2x80xi32, #tpu.memory_space<hbm>>) dst(%arg8 : memref<2x80xi32, #tpu.memory_space<vmem>>)
      %dma_start3A_75 = arith.constant 0 : i32
      %dma_start3A_76 = arith.constant 0 : i32
      %dma_start3A_77 = tpu.memref_slice %arg8[%dma_start3A_75, %dma_start3A_76] : memref<2x80xi32, #tpu.memory_space<vmem>> -> memref<1x80xi32, #tpu.memory_space<vmem>>
      %dma_start3A_78 = tpu.memref_squeeze %dma_start3A_77 : memref<1x80xi32, #tpu.memory_space<vmem>> -> memref<80xi32, #tpu.memory_space<vmem>>
      %dma_start3A_79 = arith.constant 0 : i32
      %dma_start3A_80 = arith.constant 0 : i32
      %dma_start3A_81 = tpu.memref_slice %arg2[%dma_start3A_79, %dma_start3A_80] : memref<10000x128xf32, #tpu.memory_space<hbm>> -> memref<10000x128xf32, #tpu.memory_space<hbm>>
      tpu.enqueue_indirect_dma source(%dma_start3A_81 : memref<10000x128xf32, #tpu.memory_space<hbm>>) target(%arg10 : memref<80x128xf32, #tpu.memory_space<vmem>>) offsets(%dma_start3A_78 : memref<80xi32, #tpu.memory_space<vmem>>) semaphore(%arg14 : memref<!tpu.dma_semaphore, #tpu.memory_space<semaphore_mem>>)
      %dma_wait3A_82 = arith.constant 0 : i32
      %dma_wait3A_83 = arith.constant 0 : i32
      %dma_wait3A_84 = tpu.memref_slice %arg7[%dma_wait3A_82, %dma_wait3A_83] : memref<2x80xi32, #tpu.memory_space<vmem>> -> memref<1x80xi32, #tpu.memory_space<vmem>>
      %dma_wait3A_85 = tpu.memref_squeeze %dma_wait3A_84 : memref<1x80xi32, #tpu.memory_space<vmem>> -> memref<80xi32, #tpu.memory_space<vmem>>
      %dma_wait3A_86 = arith.constant 0 : i32
      %dma_wait3A_87 = arith.constant 0 : i32
      %dma_wait3A_88 = tpu.memref_slice %arg2[%dma_wait3A_86, %dma_wait3A_87] : memref<10000x128xf32, #tpu.memory_space<hbm>> -> memref<10000x128xf32, #tpu.memory_space<hbm>>
      tpu.wait_indirect_dma semaphore(%arg13 : memref<!tpu.dma_semaphore, #tpu.memory_space<semaphore_mem>>) src(%dma_wait3A_88 : memref<10000x128xf32, #tpu.memory_space<hbm>>) dst(%arg9 : memref<80x128xf32, #tpu.memory_space<vmem>>)
      %run_scoped3A_89 = arith.constant 1 : i32
      "tpu.region"() ({
        %run_scoped3A_127 = tpu.sem_alloc : memref<!tpu.dma_semaphore, #tpu.memory_space<semaphore_mem>>
        %dma_start3A_128 = arith.constant 0 : i32
        %dma_start3A_129 = tpu.memref_slice %arg7[%run_scoped3A_89, %dma_start3A_128] : memref<2x80xi32, #tpu.memory_space<vmem>> -> memref<1x80xi32, #tpu.memory_space<vmem>>
        %dma_start3A_130 = tpu.memref_squeeze %dma_start3A_129 : memref<1x80xi32, #tpu.memory_space<vmem>> -> memref<80xi32, #tpu.memory_space<vmem>>
        %dma_start3A_131 = arith.constant 0 : i32
        %dma_start3A_132 = arith.constant 0 : i32
        %dma_start3A_133 = tpu.memref_slice %arg6[%dma_start3A_131, %dma_start3A_132] : memref<10000x128xf32, #tpu.memory_space<vmem_shared>> -> memref<10000x128xf32, #tpu.memory_space<vmem_shared>>
        tpu.enqueue_indirect_dma source(%arg9 : memref<80x128xf32, #tpu.memory_space<vmem>>) target(%dma_start3A_133 : memref<10000x128xf32, #tpu.memory_space<vmem_shared>>) offsets(%dma_start3A_130 : memref<80xi32, #tpu.memory_space<vmem>>) semaphore(%run_scoped3A_127 : memref<!tpu.dma_semaphore, #tpu.memory_space<semaphore_mem>>) {add = true}
        %dma_wait3A_134 = arith.constant 0 : i32
        %dma_wait3A_135 = tpu.memref_slice %arg7[%run_scoped3A_89, %dma_wait3A_134] : memref<2x80xi32, #tpu.memory_space<vmem>> -> memref<1x80xi32, #tpu.memory_space<vmem>>
        %dma_wait3A_136 = tpu.memref_squeeze %dma_wait3A_135 : memref<1x80xi32, #tpu.memory_space<vmem>> -> memref<80xi32, #tpu.memory_space<vmem>>
        %dma_wait3A_137 = arith.constant 0 : i32
        %dma_wait3A_138 = arith.constant 0 : i32
        %dma_wait3A_139 = tpu.memref_slice %arg6[%dma_wait3A_137, %dma_wait3A_138] : memref<10000x128xf32, #tpu.memory_space<vmem_shared>> -> memref<10000x128xf32, #tpu.memory_space<vmem_shared>>
        tpu.wait_indirect_dma semaphore(%run_scoped3A_127 : memref<!tpu.dma_semaphore, #tpu.memory_space<semaphore_mem>>) src(%arg9 : memref<80x128xf32, #tpu.memory_space<vmem>>) dst(%dma_wait3A_139 : memref<10000x128xf32, #tpu.memory_space<vmem_shared>>)
        tpu.yield
      }) : () -> ()
      %dma_start3A_90 = arith.constant 0 : i32
      %dma_start3A_91 = arith.constant 0 : i32
      %dma_start3A_92 = tpu.memref_slice %arg3[%add3A, %add3A_62, %dma_start3A_90, %dma_start3A_91] : memref<32x125x2x80xi32, #tpu.memory_space<hbm>> -> memref<1x1x2x80xi32, #tpu.memory_space<hbm>>
      %dma_start3A_93 = tpu.memref_squeeze %dma_start3A_92 : memref<1x1x2x80xi32, #tpu.memory_space<hbm>> -> memref<2x80xi32, #tpu.memory_space<hbm>>
      %dma_start3A_94 = arith.constant 0 : i32
      %dma_start3A_95 = arith.constant 0 : i32
      %dma_start3A_96 = tpu.memref_slice %arg3[%add3A, %add3A_62, %dma_start3A_94, %dma_start3A_95] : memref<32x125x2x80xi32, #tpu.memory_space<hbm>> -> memref<1x1x2x80xi32, #tpu.memory_space<hbm>>
      %dma_start3A_97 = tpu.memref_squeeze %dma_start3A_96 : memref<1x1x2x80xi32, #tpu.memory_space<hbm>> -> memref<2x80xi32, #tpu.memory_space<hbm>>
      tpu.enqueue_dma source(%dma_start3A_97 : memref<2x80xi32, #tpu.memory_space<hbm>>) target(%arg7 : memref<2x80xi32, #tpu.memory_space<vmem>>) target_semaphore(%arg11 : memref<!tpu.dma_semaphore, #tpu.memory_space<semaphore_mem>>)
      %dma_wait3A_98 = arith.constant 0 : i32
      %dma_wait3A_99 = arith.constant 0 : i32
      %dma_wait3A_100 = tpu.memref_slice %arg3[%add3A, %add3A_62, %dma_wait3A_98, %dma_wait3A_99] : memref<32x125x2x80xi32, #tpu.memory_space<hbm>> -> memref<1x1x2x80xi32, #tpu.memory_space<hbm>>
      %dma_wait3A_101 = tpu.memref_squeeze %dma_wait3A_100 : memref<1x1x2x80xi32, #tpu.memory_space<hbm>> -> memref<2x80xi32, #tpu.memory_space<hbm>>
      %dma_wait3A_102 = arith.constant 0 : i32
      %dma_wait3A_103 = arith.constant 0 : i32
      %dma_wait3A_104 = tpu.memref_slice %arg3[%add3A, %add3A_62, %dma_wait3A_102, %dma_wait3A_103] : memref<32x125x2x80xi32, #tpu.memory_space<hbm>> -> memref<1x1x2x80xi32, #tpu.memory_space<hbm>>
      %dma_wait3A_105 = tpu.memref_squeeze %dma_wait3A_104 : memref<1x1x2x80xi32, #tpu.memory_space<hbm>> -> memref<2x80xi32, #tpu.memory_space<hbm>>
      tpu.wait_dma2 semaphore(%arg11 : memref<!tpu.dma_semaphore, #tpu.memory_space<semaphore_mem>>) src(%dma_wait3A_105 : memref<2x80xi32, #tpu.memory_space<hbm>>) dst(%arg7 : memref<2x80xi32, #tpu.memory_space<vmem>>)
      %dma_start3A_106 = arith.constant 0 : i32
      %dma_start3A_107 = arith.constant 0 : i32
      %dma_start3A_108 = tpu.memref_slice %arg7[%dma_start3A_106, %dma_start3A_107] : memref<2x80xi32, #tpu.memory_space<vmem>> -> memref<1x80xi32, #tpu.memory_space<vmem>>
      %dma_start3A_109 = tpu.memref_squeeze %dma_start3A_108 : memref<1x80xi32, #tpu.memory_space<vmem>> -> memref<80xi32, #tpu.memory_space<vmem>>
      %dma_start3A_110 = arith.constant 0 : i32
      %dma_start3A_111 = arith.constant 0 : i32
      %dma_start3A_112 = tpu.memref_slice %arg2[%dma_start3A_110, %dma_start3A_111] : memref<10000x128xf32, #tpu.memory_space<hbm>> -> memref<10000x128xf32, #tpu.memory_space<hbm>>
      tpu.enqueue_indirect_dma source(%dma_start3A_112 : memref<10000x128xf32, #tpu.memory_space<hbm>>) target(%arg9 : memref<80x128xf32, #tpu.memory_space<vmem>>) offsets(%dma_start3A_109 : memref<80xi32, #tpu.memory_space<vmem>>) semaphore(%arg13 : memref<!tpu.dma_semaphore, #tpu.memory_space<semaphore_mem>>)
      %dma_wait3A_113 = arith.constant 0 : i32
      %dma_wait3A_114 = arith.constant 0 : i32
      %dma_wait3A_115 = tpu.memref_slice %arg8[%dma_wait3A_113, %dma_wait3A_114] : memref<2x80xi32, #tpu.memory_space<vmem>> -> memref<1x80xi32, #tpu.memory_space<vmem>>
      %dma_wait3A_116 = tpu.memref_squeeze %dma_wait3A_115 : memref<1x80xi32, #tpu.memory_space<vmem>> -> memref<80xi32, #tpu.memory_space<vmem>>
      %dma_wait3A_117 = arith.constant 0 : i32
      %dma_wait3A_118 = arith.constant 0 : i32
      %dma_wait3A_119 = tpu.memref_slice %arg2[%dma_wait3A_117, %dma_wait3A_118] : memref<10000x128xf32, #tpu.memory_space<hbm>> -> memref<10000x128xf32, #tpu.memory_space<hbm>>
      tpu.wait_indirect_dma semaphore(%arg14 : memref<!tpu.dma_semaphore, #tpu.memory_space<semaphore_mem>>) src(%dma_wait3A_119 : memref<10000x128xf32, #tpu.memory_space<hbm>>) dst(%arg10 : memref<80x128xf32, #tpu.memory_space<vmem>>)
      %run_scoped3A_120 = arith.constant 1 : i32
      "tpu.region"() ({
        %run_scoped3A_127 = tpu.sem_alloc : memref<!tpu.dma_semaphore, #tpu.memory_space<semaphore_mem>>
        %dma_start3A_128 = arith.constant 0 : i32
        %dma_start3A_129 = tpu.memref_slice %arg8[%run_scoped3A_120, %dma_start3A_128] : memref<2x80xi32, #tpu.memory_space<vmem>> -> memref<1x80xi32, #tpu.memory_space<vmem>>
        %dma_start3A_130 = tpu.memref_squeeze %dma_start3A_129 : memref<1x80xi32, #tpu.memory_space<vmem>> -> memref<80xi32, #tpu.memory_space<vmem>>
        %dma_start3A_131 = arith.constant 0 : i32
        %dma_start3A_132 = arith.constant 0 : i32
        %dma_start3A_133 = tpu.memref_slice %arg6[%dma_start3A_131, %dma_start3A_132] : memref<10000x128xf32, #tpu.memory_space<vmem_shared>> -> memref<10000x128xf32, #tpu.memory_space<vmem_shared>>
        tpu.enqueue_indirect_dma source(%arg10 : memref<80x128xf32, #tpu.memory_space<vmem>>) target(%dma_start3A_133 : memref<10000x128xf32, #tpu.memory_space<vmem_shared>>) offsets(%dma_start3A_130 : memref<80xi32, #tpu.memory_space<vmem>>) semaphore(%run_scoped3A_127 : memref<!tpu.dma_semaphore, #tpu.memory_space<semaphore_mem>>) {add = true}
        %dma_wait3A_134 = arith.constant 0 : i32
        %dma_wait3A_135 = tpu.memref_slice %arg8[%run_scoped3A_120, %dma_wait3A_134] : memref<2x80xi32, #tpu.memory_space<vmem>> -> memref<1x80xi32, #tpu.memory_space<vmem>>
        %dma_wait3A_136 = tpu.memref_squeeze %dma_wait3A_135 : memref<1x80xi32, #tpu.memory_space<vmem>> -> memref<80xi32, #tpu.memory_space<vmem>>
        %dma_wait3A_137 = arith.constant 0 : i32
        %dma_wait3A_138 = arith.constant 0 : i32
        %dma_wait3A_139 = tpu.memref_slice %arg6[%dma_wait3A_137, %dma_wait3A_138] : memref<10000x128xf32, #tpu.memory_space<vmem_shared>> -> memref<10000x128xf32, #tpu.memory_space<vmem_shared>>
        tpu.wait_indirect_dma semaphore(%run_scoped3A_127 : memref<!tpu.dma_semaphore, #tpu.memory_space<semaphore_mem>>) src(%arg10 : memref<80x128xf32, #tpu.memory_space<vmem>>) dst(%dma_wait3A_139 : memref<10000x128xf32, #tpu.memory_space<vmem_shared>>)
        tpu.yield
      }) : () -> ()
      %add3A_121 = arith.constant 1 : i32
      %add3A_122 = arith.addi %add3A_62, %add3A_121 : i32
      %lt3A = arith.constant 125 : i32
      %lt3A_123 = arith.cmpi slt, %add3A_122, %lt3A : i32
      %convert_element_type3A_124 = arith.extui %lt3A_123 : i1 to i32
      %cond3A_125 = arith.constant 0 : i32
      %cond3A_126 = arith.cmpi ne, %convert_element_type3A_124, %cond3A_125 : i32
      scf.if %cond3A_126 {
        %add3A_127 = arith.constant 1 : i32
        %add3A_128 = arith.addi %add3A_62, %add3A_127 : i32
        %dma_start3A_129 = arith.constant 0 : i32
        %dma_start3A_130 = arith.constant 0 : i32
        %dma_start3A_131 = tpu.memref_slice %arg3[%add3A, %add3A_128, %dma_start3A_129, %dma_start3A_130] : memref<32x125x2x80xi32, #tpu.memory_space<hbm>> -> memref<1x1x2x80xi32, #tpu.memory_space<hbm>>
        %dma_start3A_132 = tpu.memref_squeeze %dma_start3A_131 : memref<1x1x2x80xi32, #tpu.memory_space<hbm>> -> memref<2x80xi32, #tpu.memory_space<hbm>>
        %dma_start3A_133 = arith.constant 0 : i32
        %dma_start3A_134 = arith.constant 0 : i32
        %dma_start3A_135 = tpu.memref_slice %arg3[%add3A, %add3A_128, %dma_start3A_133, %dma_start3A_134] : memref<32x125x2x80xi32, #tpu.memory_space<hbm>> -> memref<1x1x2x80xi32, #tpu.memory_space<hbm>>
        %dma_start3A_136 = tpu.memref_squeeze %dma_start3A_135 : memref<1x1x2x80xi32, #tpu.memory_space<hbm>> -> memref<2x80xi32, #tpu.memory_space<hbm>>
        tpu.enqueue_dma source(%dma_start3A_136 : memref<2x80xi32, #tpu.memory_space<hbm>>) target(%arg8 : memref<2x80xi32, #tpu.memory_space<vmem>>) target_semaphore(%arg12 : memref<!tpu.dma_semaphore, #tpu.memory_space<semaphore_mem>>)
      } else {
      }
    }
    %scan3A_41 = arith.constant 62 : i32
    %dma_wait3A_42 = arith.constant 0 : i32
    %dma_wait3A_43 = arith.constant 0 : i32
    %dma_wait3A_44 = tpu.memref_slice %arg7[%dma_wait3A_42, %dma_wait3A_43] : memref<2x80xi32, #tpu.memory_space<vmem>> -> memref<1x80xi32, #tpu.memory_space<vmem>>
    %dma_wait3A_45 = tpu.memref_squeeze %dma_wait3A_44 : memref<1x80xi32, #tpu.memory_space<vmem>> -> memref<80xi32, #tpu.memory_space<vmem>>
    %dma_wait3A_46 = arith.constant 0 : i32
    %dma_wait3A_47 = arith.constant 0 : i32
    %dma_wait3A_48 = tpu.memref_slice %arg2[%dma_wait3A_46, %dma_wait3A_47] : memref<10000x128xf32, #tpu.memory_space<hbm>> -> memref<10000x128xf32, #tpu.memory_space<hbm>>
    tpu.wait_indirect_dma semaphore(%arg13 : memref<!tpu.dma_semaphore, #tpu.memory_space<semaphore_mem>>) src(%dma_wait3A_48 : memref<10000x128xf32, #tpu.memory_space<hbm>>) dst(%arg9 : memref<80x128xf32, #tpu.memory_space<vmem>>)
    %run_scoped3A = arith.constant 1 : i32
    "tpu.region"() ({
      %run_scoped3A_58 = tpu.sem_alloc : memref<!tpu.dma_semaphore, #tpu.memory_space<semaphore_mem>>
      %dma_start3A_59 = arith.constant 0 : i32
      %dma_start3A_60 = tpu.memref_slice %arg7[%run_scoped3A, %dma_start3A_59] : memref<2x80xi32, #tpu.memory_space<vmem>> -> memref<1x80xi32, #tpu.memory_space<vmem>>
      %dma_start3A_61 = tpu.memref_squeeze %dma_start3A_60 : memref<1x80xi32, #tpu.memory_space<vmem>> -> memref<80xi32, #tpu.memory_space<vmem>>
      %dma_start3A_62 = arith.constant 0 : i32
      %dma_start3A_63 = arith.constant 0 : i32
      %dma_start3A_64 = tpu.memref_slice %arg6[%dma_start3A_62, %dma_start3A_63] : memref<10000x128xf32, #tpu.memory_space<vmem_shared>> -> memref<10000x128xf32, #tpu.memory_space<vmem_shared>>
      tpu.enqueue_indirect_dma source(%arg9 : memref<80x128xf32, #tpu.memory_space<vmem>>) target(%dma_start3A_64 : memref<10000x128xf32, #tpu.memory_space<vmem_shared>>) offsets(%dma_start3A_61 : memref<80xi32, #tpu.memory_space<vmem>>) semaphore(%run_scoped3A_58 : memref<!tpu.dma_semaphore, #tpu.memory_space<semaphore_mem>>) {add = true}
      %dma_wait3A_65 = arith.constant 0 : i32
      %dma_wait3A_66 = tpu.memref_slice %arg7[%run_scoped3A, %dma_wait3A_65] : memref<2x80xi32, #tpu.memory_space<vmem>> -> memref<1x80xi32, #tpu.memory_space<vmem>>
      %dma_wait3A_67 = tpu.memref_squeeze %dma_wait3A_66 : memref<1x80xi32, #tpu.memory_space<vmem>> -> memref<80xi32, #tpu.memory_space<vmem>>
      %dma_wait3A_68 = arith.constant 0 : i32
      %dma_wait3A_69 = arith.constant 0 : i32
      %dma_wait3A_70 = tpu.memref_slice %arg6[%dma_wait3A_68, %dma_wait3A_69] : memref<10000x128xf32, #tpu.memory_space<vmem_shared>> -> memref<10000x128xf32, #tpu.memory_space<vmem_shared>>
      tpu.wait_indirect_dma semaphore(%run_scoped3A_58 : memref<!tpu.dma_semaphore, #tpu.memory_space<semaphore_mem>>) src(%arg9 : memref<80x128xf32, #tpu.memory_space<vmem>>) dst(%dma_wait3A_70 : memref<10000x128xf32, #tpu.memory_space<vmem_shared>>)
      tpu.yield
    }) : () -> ()
    %barrier3A_49 = arith.constant 0 : index
    tpu.barrier barrier_id(%barrier3A_49)
    %mul3A_50 = arith.constant 624 : i32
    %mul3A_51 = arith.muli %arg1, %mul3A_50 : i32
    %multiple_of3A_52 = tpu.assume_multiple %mul3A_51, 8 : i32
    "tpu.region"() ({
      %run_scoped3A_58 = tpu.sem_alloc : memref<!tpu.dma_semaphore, #tpu.memory_space<semaphore_mem>>
      %dma_start3A_59 = arith.constant 0 : i32
      %dma_start3A_60 = tpu.memref_slice %arg5[%arg0, %multiple_of3A_52, %dma_start3A_59] : memref<2x10000x128xf32, #tpu.memory_space<hbm>> -> memref<1x624x128xf32, #tpu.memory_space<hbm>>
      %dma_start3A_61 = tpu.memref_squeeze %dma_start3A_60 : memref<1x624x128xf32, #tpu.memory_space<hbm>> -> memref<624x128xf32, #tpu.memory_space<hbm>>
      %dma_start3A_62 = arith.constant 0 : i32
      %dma_start3A_63 = tpu.memref_slice %arg6[%multiple_of3A_52, %dma_start3A_62] : memref<10000x128xf32, #tpu.memory_space<vmem_shared>> -> memref<624x128xf32, #tpu.memory_space<vmem_shared>>
      tpu.enqueue_dma source(%dma_start3A_63 : memref<624x128xf32, #tpu.memory_space<vmem_shared>>) target(%dma_start3A_61 : memref<624x128xf32, #tpu.memory_space<hbm>>) target_semaphore(%run_scoped3A_58 : memref<!tpu.dma_semaphore, #tpu.memory_space<semaphore_mem>>)
      %dma_wait3A_64 = arith.constant 0 : i32
      %dma_wait3A_65 = tpu.memref_slice %arg5[%arg0, %multiple_of3A_52, %dma_wait3A_64] : memref<2x10000x128xf32, #tpu.memory_space<hbm>> -> memref<1x624x128xf32, #tpu.memory_space<hbm>>
      %dma_wait3A_66 = tpu.memref_squeeze %dma_wait3A_65 : memref<1x624x128xf32, #tpu.memory_space<hbm>> -> memref<624x128xf32, #tpu.memory_space<hbm>>
      %dma_wait3A_67 = arith.constant 0 : i32
      %dma_wait3A_68 = tpu.memref_slice %arg6[%multiple_of3A_52, %dma_wait3A_67] : memref<10000x128xf32, #tpu.memory_space<vmem_shared>> -> memref<624x128xf32, #tpu.memory_space<vmem_shared>>
      tpu.wait_dma2 semaphore(%run_scoped3A_58 : memref<!tpu.dma_semaphore, #tpu.memory_space<semaphore_mem>>) src(%dma_wait3A_68 : memref<624x128xf32, #tpu.memory_space<vmem_shared>>) dst(%dma_wait3A_66 : memref<624x128xf32, #tpu.memory_space<hbm>>)
      tpu.yield
    }) : () -> ()
    %eq3A_53 = arith.constant 15 : i32
    %eq3A_54 = arith.cmpi eq, %arg1, %eq3A_53 : i32
    %convert_element_type3A_55 = arith.extui %eq3A_54 : i1 to i32
    %cond3A_56 = arith.constant 0 : i32
    %cond3A_57 = arith.cmpi ne, %convert_element_type3A_55, %cond3A_56 : i32
    scf.if %cond3A_57 {
      "tpu.region"() ({
        %run_scoped3A_58 = tpu.sem_alloc : memref<!tpu.dma_semaphore, #tpu.memory_space<semaphore_mem>>
        %dma_start3A_59 = arith.constant 9984 : i32
        %dma_start3A_60 = arith.constant 0 : i32
        %dma_start3A_61 = tpu.memref_slice %arg5[%arg0, %dma_start3A_59, %dma_start3A_60] : memref<2x10000x128xf32, #tpu.memory_space<hbm>> -> memref<1x16x128xf32, #tpu.memory_space<hbm>>
        %dma_start3A_62 = tpu.memref_squeeze %dma_start3A_61 : memref<1x16x128xf32, #tpu.memory_space<hbm>> -> memref<16x128xf32, #tpu.memory_space<hbm>>
        %dma_start3A_63 = arith.constant 9984 : i32
        %dma_start3A_64 = arith.constant 0 : i32
        %dma_start3A_65 = tpu.memref_slice %arg6[%dma_start3A_63, %dma_start3A_64] : memref<10000x128xf32, #tpu.memory_space<vmem_shared>> -> memref<16x128xf32, #tpu.memory_space<vmem_shared>>
        tpu.enqueue_dma source(%dma_start3A_65 : memref<16x128xf32, #tpu.memory_space<vmem_shared>>) target(%dma_start3A_62 : memref<16x128xf32, #tpu.memory_space<hbm>>) target_semaphore(%run_scoped3A_58 : memref<!tpu.dma_semaphore, #tpu.memory_space<semaphore_mem>>)
        %dma_wait3A_66 = arith.constant 9984 : i32
        %dma_wait3A_67 = arith.constant 0 : i32
        %dma_wait3A_68 = tpu.memref_slice %arg5[%arg0, %dma_wait3A_66, %dma_wait3A_67] : memref<2x10000x128xf32, #tpu.memory_space<hbm>> -> memref<1x16x128xf32, #tpu.memory_space<hbm>>
        %dma_wait3A_69 = tpu.memref_squeeze %dma_wait3A_68 : memref<1x16x128xf32, #tpu.memory_space<hbm>> -> memref<16x128xf32, #tpu.memory_space<hbm>>
        %dma_wait3A_70 = arith.constant 9984 : i32
        %dma_wait3A_71 = arith.constant 0 : i32
        %dma_wait3A_72 = tpu.memref_slice %arg6[%dma_wait3A_70, %dma_wait3A_71] : memref<10000x128xf32, #tpu.memory_space<vmem_shared>> -> memref<16x128xf32, #tpu.memory_space<vmem_shared>>
        tpu.wait_dma2 semaphore(%run_scoped3A_58 : memref<!tpu.dma_semaphore, #tpu.memory_space<semaphore_mem>>) src(%dma_wait3A_72 : memref<16x128xf32, #tpu.memory_space<vmem_shared>>) dst(%dma_wait3A_69 : memref<16x128xf32, #tpu.memory_space<hbm>>)
        tpu.yield
      }) : () -> ()
    } else {
    }
    return
  }
}

#map = affine_map<(d0, d1) -> (0, 0)>
#map1 = affine_map<(d0, d1) -> (0, 0, 0, 0)>
#map2 = affine_map<(d0, d1) -> (0, 0, 0)>
module attributes {stable_mosaic.version = 14 : i64} {
  func.func @_sc_scatter_body(%arg0: i32, %arg1: i32, %arg2: memref<10000x128xf32, #tpu.memory_space<hbm>>, %arg3: memref<32x125x2x80xi32, #tpu.memory_space<hbm>>, %arg4: memref<10000x128xf32, #tpu.memory_space<hbm>>, %arg5: memref<2x10000x128xf32, #tpu.memory_space<hbm>>, %arg6: memref<10000x128xf32, #tpu.memory_space<vmem_shared>>, %arg7: memref<2x80xi32, #tpu.memory_space<vmem>>, %arg8: memref<2x80xi32, #tpu.memory_space<vmem>>, %arg9: memref<80x128xf32, #tpu.memory_space<vmem>>, %arg10: memref<80x128xf32, #tpu.memory_space<vmem>>, %arg11: memref<!tpu.dma_semaphore, #tpu.memory_space<semaphore_mem>>, %arg12: memref<!tpu.dma_semaphore, #tpu.memory_space<semaphore_mem>>, %arg13: memref<!tpu.dma_semaphore, #tpu.memory_space<semaphore_mem>>, %arg14: memref<!tpu.dma_semaphore, #tpu.memory_space<semaphore_mem>>) attributes {dimension_semantics = [#tpu.dimension_semantics<core_parallel>, #tpu.dimension_semantics<subcore_parallel>], iteration_bounds = array<i64: 2, 16>, scalar_prefetch = 0 : i64, scratch_operands = 9 : i64, tpu.core_type = #tpu.core_type<sc_vector_subcore>, window_params = [{transform_indices = #map}, {transform_indices = #map1}, {transform_indices = #map}, {transform_indices = #map2}]} {
    %mul3A = arith.constant 16 : i32
    %mul3A_0 = arith.muli %arg0, %mul3A : i32
    %add3A = arith.addi %mul3A_0, %arg1 : i32
    %mul3A_1 = arith.constant 624 : i32
    %mul3A_2 = arith.muli %arg1, %mul3A_1 : i32
    %multiple_of3A = tpu.assume_multiple %mul3A_2, 8 : i32
    "tpu.region"() ({
      %run_scoped3A_58 = tpu.sem_alloc : memref<!tpu.dma_semaphore, #tpu.memory_space<semaphore_mem>>
      %dma_start3A_59 = arith.constant 0 : i32
      %dma_start3A_60 = tpu.memref_slice %arg6[%multiple_of3A, %dma_start3A_59] : memref<10000x128xf32, #tpu.memory_space<vmem_shared>> -> memref<624x128xf32, #tpu.memory_space<vmem_shared>>
      %dma_start3A_61 = arith.constant 0 : i32
      %dma_start3A_62 = tpu.memref_slice %arg4[%multiple_of3A, %dma_start3A_61] : memref<10000x128xf32, #tpu.memory_space<hbm>> -> memref<624x128xf32, #tpu.memory_space<hbm>>
      tpu.enqueue_dma source(%dma_start3A_62 : memref<624x128xf32, #tpu.memory_space<hbm>>) target(%dma_start3A_60 : memref<624x128xf32, #tpu.memory_space<vmem_shared>>) target_semaphore(%run_scoped3A_58 : memref<!tpu.dma_semaphore, #tpu.memory_space<semaphore_mem>>)
      %dma_wait3A_63 = arith.constant 0 : i32
      %dma_wait3A_64 = tpu.memref_slice %arg6[%multiple_of3A, %dma_wait3A_63] : memref<10000x128xf32, #tpu.memory_space<vmem_shared>> -> memref<624x128xf32, #tpu.memory_space<vmem_shared>>
      %dma_wait3A_65 = arith.constant 0 : i32
      %dma_wait3A_66 = tpu.memref_slice %arg4[%multiple_of3A, %dma_wait3A_65] : memref<10000x128xf32, #tpu.memory_space<hbm>> -> memref<624x128xf32, #tpu.memory_space<hbm>>
      tpu.wait_dma2 semaphore(%run_scoped3A_58 : memref<!tpu.dma_semaphore, #tpu.memory_space<semaphore_mem>>) src(%dma_wait3A_66 : memref<624x128xf32, #tpu.memory_space<hbm>>) dst(%dma_wait3A_64 : memref<624x128xf32, #tpu.memory_space<vmem_shared>>)
      tpu.yield
    }) : () -> ()
    %eq3A = arith.constant 15 : i32
    %eq3A_3 = arith.cmpi eq, %arg1, %eq3A : i32
    %convert_element_type3A = arith.extui %eq3A_3 : i1 to i32
    %cond3A = arith.constant 0 : i32
    %cond3A_4 = arith.cmpi ne, %convert_element_type3A, %cond3A : i32
    scf.if %cond3A_4 {
      "tpu.region"() ({
        %run_scoped3A_58 = tpu.sem_alloc : memref<!tpu.dma_semaphore, #tpu.memory_space<semaphore_mem>>
        %dma_start3A_59 = arith.constant 9984 : i32
        %dma_start3A_60 = arith.constant 0 : i32
        %dma_start3A_61 = tpu.memref_slice %arg6[%dma_start3A_59, %dma_start3A_60] : memref<10000x128xf32, #tpu.memory_space<vmem_shared>> -> memref<16x128xf32, #tpu.memory_space<vmem_shared>>
        %dma_start3A_62 = arith.constant 9984 : i32
        %dma_start3A_63 = arith.constant 0 : i32
        %dma_start3A_64 = tpu.memref_slice %arg4[%dma_start3A_62, %dma_start3A_63] : memref<10000x128xf32, #tpu.memory_space<hbm>> -> memref<16x128xf32, #tpu.memory_space<hbm>>
        tpu.enqueue_dma source(%dma_start3A_64 : memref<16x128xf32, #tpu.memory_space<hbm>>) target(%dma_start3A_61 : memref<16x128xf32, #tpu.memory_space<vmem_shared>>) target_semaphore(%run_scoped3A_58 : memref<!tpu.dma_semaphore, #tpu.memory_space<semaphore_mem>>)
        %dma_wait3A_65 = arith.constant 9984 : i32
        %dma_wait3A_66 = arith.constant 0 : i32
        %dma_wait3A_67 = tpu.memref_slice %arg6[%dma_wait3A_65, %dma_wait3A_66] : memref<10000x128xf32, #tpu.memory_space<vmem_shared>> -> memref<16x128xf32, #tpu.memory_space<vmem_shared>>
        %dma_wait3A_68 = arith.constant 9984 : i32
        %dma_wait3A_69 = arith.constant 0 : i32
        %dma_wait3A_70 = tpu.memref_slice %arg4[%dma_wait3A_68, %dma_wait3A_69] : memref<10000x128xf32, #tpu.memory_space<hbm>> -> memref<16x128xf32, #tpu.memory_space<hbm>>
        tpu.wait_dma2 semaphore(%run_scoped3A_58 : memref<!tpu.dma_semaphore, #tpu.memory_space<semaphore_mem>>) src(%dma_wait3A_70 : memref<16x128xf32, #tpu.memory_space<hbm>>) dst(%dma_wait3A_67 : memref<16x128xf32, #tpu.memory_space<vmem_shared>>)
        tpu.yield
      }) : () -> ()
    } else {
    }
    %dma_start3A = arith.constant 0 : i32
    %dma_start3A_5 = arith.constant 0 : i32
    %dma_start3A_6 = arith.constant 0 : i32
    %dma_start3A_7 = tpu.memref_slice %arg3[%add3A, %dma_start3A, %dma_start3A_5, %dma_start3A_6] : memref<32x125x2x80xi32, #tpu.memory_space<hbm>> -> memref<1x1x2x80xi32, #tpu.memory_space<hbm>>
    %dma_start3A_8 = tpu.memref_squeeze %dma_start3A_7 : memref<1x1x2x80xi32, #tpu.memory_space<hbm>> -> memref<2x80xi32, #tpu.memory_space<hbm>>
    %dma_start3A_9 = arith.constant 0 : i32
    %dma_start3A_10 = arith.constant 0 : i32
    %dma_start3A_11 = tpu.memref_slice %arg3[%add3A, %dma_start3A, %dma_start3A_9, %dma_start3A_10] : memref<32x125x2x80xi32, #tpu.memory_space<hbm>> -> memref<1x1x2x80xi32, #tpu.memory_space<hbm>>
    %dma_start3A_12 = tpu.memref_squeeze %dma_start3A_11 : memref<1x1x2x80xi32, #tpu.memory_space<hbm>> -> memref<2x80xi32, #tpu.memory_space<hbm>>
    tpu.enqueue_dma source(%dma_start3A_12 : memref<2x80xi32, #tpu.memory_space<hbm>>) target(%arg7 : memref<2x80xi32, #tpu.memory_space<vmem>>) target_semaphore(%arg11 : memref<!tpu.dma_semaphore, #tpu.memory_space<semaphore_mem>>)
    %dma_start3A_13 = arith.constant 1 : i32
    %dma_start3A_14 = arith.constant 0 : i32
    %dma_start3A_15 = arith.constant 0 : i32
    %dma_start3A_16 = tpu.memref_slice %arg3[%add3A, %dma_start3A_13, %dma_start3A_14, %dma_start3A_15] : memref<32x125x2x80xi32, #tpu.memory_space<hbm>> -> memref<1x1x2x80xi32, #tpu.memory_space<hbm>>
    %dma_start3A_17 = tpu.memref_squeeze %dma_start3A_16 : memref<1x1x2x80xi32, #tpu.memory_space<hbm>> -> memref<2x80xi32, #tpu.memory_space<hbm>>
    %dma_start3A_18 = arith.constant 0 : i32
    %dma_start3A_19 = arith.constant 0 : i32
    %dma_start3A_20 = tpu.memref_slice %arg3[%add3A, %dma_start3A_13, %dma_start3A_18, %dma_start3A_19] : memref<32x125x2x80xi32, #tpu.memory_space<hbm>> -> memref<1x1x2x80xi32, #tpu.memory_space<hbm>>
    %dma_start3A_21 = tpu.memref_squeeze %dma_start3A_20 : memref<1x1x2x80xi32, #tpu.memory_space<hbm>> -> memref<2x80xi32, #tpu.memory_space<hbm>>
    tpu.enqueue_dma source(%dma_start3A_21 : memref<2x80xi32, #tpu.memory_space<hbm>>) target(%arg8 : memref<2x80xi32, #tpu.memory_space<vmem>>) target_semaphore(%arg12 : memref<!tpu.dma_semaphore, #tpu.memory_space<semaphore_mem>>)
    %barrier3A = arith.constant 0 : index
    tpu.barrier barrier_id(%barrier3A)
    %dma_wait3A = arith.constant 0 : i32
    %dma_wait3A_22 = arith.constant 0 : i32
    %dma_wait3A_23 = arith.constant 0 : i32
    %dma_wait3A_24 = tpu.memref_slice %arg3[%add3A, %dma_wait3A, %dma_wait3A_22, %dma_wait3A_23] : memref<32x125x2x80xi32, #tpu.memory_space<hbm>> -> memref<1x1x2x80xi32, #tpu.memory_space<hbm>>
    %dma_wait3A_25 = tpu.memref_squeeze %dma_wait3A_24 : memref<1x1x2x80xi32, #tpu.memory_space<hbm>> -> memref<2x80xi32, #tpu.memory_space<hbm>>
    %dma_wait3A_26 = arith.constant 0 : i32
    %dma_wait3A_27 = arith.constant 0 : i32
    %dma_wait3A_28 = tpu.memref_slice %arg3[%add3A, %dma_wait3A, %dma_wait3A_26, %dma_wait3A_27] : memref<32x125x2x80xi32, #tpu.memory_space<hbm>> -> memref<1x1x2x80xi32, #tpu.memory_space<hbm>>
    %dma_wait3A_29 = tpu.memref_squeeze %dma_wait3A_28 : memref<1x1x2x80xi32, #tpu.memory_space<hbm>> -> memref<2x80xi32, #tpu.memory_space<hbm>>
    tpu.wait_dma2 semaphore(%arg11 : memref<!tpu.dma_semaphore, #tpu.memory_space<semaphore_mem>>) src(%dma_wait3A_29 : memref<2x80xi32, #tpu.memory_space<hbm>>) dst(%arg7 : memref<2x80xi32, #tpu.memory_space<vmem>>)
    %dma_start3A_30 = arith.constant 0 : i32
    %dma_start3A_31 = arith.constant 0 : i32
    %dma_start3A_32 = tpu.memref_slice %arg7[%dma_start3A_30, %dma_start3A_31] : memref<2x80xi32, #tpu.memory_space<vmem>> -> memref<1x80xi32, #tpu.memory_space<vmem>>
    %dma_start3A_33 = tpu.memref_squeeze %dma_start3A_32 : memref<1x80xi32, #tpu.memory_space<vmem>> -> memref<80xi32, #tpu.memory_space<vmem>>
    %dma_start3A_34 = arith.constant 0 : i32
    %dma_start3A_35 = arith.constant 0 : i32
    %dma_start3A_36 = tpu.memref_slice %arg2[%dma_start3A_34, %dma_start3A_35] : memref<10000x128xf32, #tpu.memory_space<hbm>> -> memref<10000x128xf32, #tpu.memory_space<hbm>>
    tpu.enqueue_indirect_dma source(%dma_start3A_36 : memref<10000x128xf32, #tpu.memory_space<hbm>>) target(%arg9 : memref<80x128xf32, #tpu.memory_space<vmem>>) offsets(%dma_start3A_33 : memref<80xi32, #tpu.memory_space<vmem>>) semaphore(%arg13 : memref<!tpu.dma_semaphore, #tpu.memory_space<semaphore_mem>>)
    %scan3A = arith.constant 0 : i32
    %scan3A_37 = arith.constant 0 : i32
    %scan3A_38 = arith.constant 62 : i32
    %scan3A_39 = arith.addi %scan3A_37, %scan3A_38 : i32
    %scan3A_40 = arith.constant 1 : i32
    scf.for %scan3A_58 = %scan3A_37 to %scan3A_39 step %scan3A_40  : i32 {
      %mul3A_59 = arith.constant 2 : i32
      %mul3A_60 = arith.muli %mul3A_59, %scan3A_58 : i32
      %add3A_61 = arith.constant 2 : i32
      %add3A_62 = arith.addi %mul3A_60, %add3A_61 : i32
      %mul3A_63 = arith.constant 2 : i32
      %mul3A_64 = arith.muli %mul3A_63, %scan3A_58 : i32
      %add3A_65 = arith.constant 1 : i32
      %add3A_66 = arith.addi %mul3A_64, %add3A_65 : i32
      %dma_wait3A_67 = arith.constant 0 : i32
      %dma_wait3A_68 = arith.constant 0 : i32
      %dma_wait3A_69 = tpu.memref_slice %arg3[%add3A, %add3A_66, %dma_wait3A_67, %dma_wait3A_68] : memref<32x125x2x80xi32, #tpu.memory_space<hbm>> -> memref<1x1x2x80xi32, #tpu.memory_space<hbm>>
      %dma_wait3A_70 = tpu.memref_squeeze %dma_wait3A_69 : memref<1x1x2x80xi32, #tpu.memory_space<hbm>> -> memref<2x80xi32, #tpu.memory_space<hbm>>
      %dma_wait3A_71 = arith.constant 0 : i32
      %dma_wait3A_72 = arith.constant 0 : i32
      %dma_wait3A_73 = tpu.memref_slice %arg3[%add3A, %add3A_66, %dma_wait3A_71, %dma_wait3A_72] : memref<32x125x2x80xi32, #tpu.memory_space<hbm>> -> memref<1x1x2x80xi32, #tpu.memory_space<hbm>>
      %dma_wait3A_74 = tpu.memref_squeeze %dma_wait3A_73 : memref<1x1x2x80xi32, #tpu.memory_space<hbm>> -> memref<2x80xi32, #tpu.memory_space<hbm>>
      tpu.wait_dma2 semaphore(%arg12 : memref<!tpu.dma_semaphore, #tpu.memory_space<semaphore_mem>>) src(%dma_wait3A_74 : memref<2x80xi32, #tpu.memory_space<hbm>>) dst(%arg8 : memref<2x80xi32, #tpu.memory_space<vmem>>)
      %dma_start3A_75 = arith.constant 0 : i32
      %dma_start3A_76 = arith.constant 0 : i32
      %dma_start3A_77 = tpu.memref_slice %arg8[%dma_start3A_75, %dma_start3A_76] : memref<2x80xi32, #tpu.memory_space<vmem>> -> memref<1x80xi32, #tpu.memory_space<vmem>>
      %dma_start3A_78 = tpu.memref_squeeze %dma_start3A_77 : memref<1x80xi32, #tpu.memory_space<vmem>> -> memref<80xi32, #tpu.memory_space<vmem>>
      %dma_start3A_79 = arith.constant 0 : i32
      %dma_start3A_80 = arith.constant 0 : i32
      %dma_start3A_81 = tpu.memref_slice %arg2[%dma_start3A_79, %dma_start3A_80] : memref<10000x128xf32, #tpu.memory_space<hbm>> -> memref<10000x128xf32, #tpu.memory_space<hbm>>
      tpu.enqueue_indirect_dma source(%dma_start3A_81 : memref<10000x128xf32, #tpu.memory_space<hbm>>) target(%arg10 : memref<80x128xf32, #tpu.memory_space<vmem>>) offsets(%dma_start3A_78 : memref<80xi32, #tpu.memory_space<vmem>>) semaphore(%arg14 : memref<!tpu.dma_semaphore, #tpu.memory_space<semaphore_mem>>)
      %dma_wait3A_82 = arith.constant 0 : i32
      %dma_wait3A_83 = arith.constant 0 : i32
      %dma_wait3A_84 = tpu.memref_slice %arg7[%dma_wait3A_82, %dma_wait3A_83] : memref<2x80xi32, #tpu.memory_space<vmem>> -> memref<1x80xi32, #tpu.memory_space<vmem>>
      %dma_wait3A_85 = tpu.memref_squeeze %dma_wait3A_84 : memref<1x80xi32, #tpu.memory_space<vmem>> -> memref<80xi32, #tpu.memory_space<vmem>>
      %dma_wait3A_86 = arith.constant 0 : i32
      %dma_wait3A_87 = arith.constant 0 : i32
      %dma_wait3A_88 = tpu.memref_slice %arg2[%dma_wait3A_86, %dma_wait3A_87] : memref<10000x128xf32, #tpu.memory_space<hbm>> -> memref<10000x128xf32, #tpu.memory_space<hbm>>
      tpu.wait_indirect_dma semaphore(%arg13 : memref<!tpu.dma_semaphore, #tpu.memory_space<semaphore_mem>>) src(%dma_wait3A_88 : memref<10000x128xf32, #tpu.memory_space<hbm>>) dst(%arg9 : memref<80x128xf32, #tpu.memory_space<vmem>>)
      %run_scoped3A_89 = arith.constant 1 : i32
      "tpu.region"() ({
        %run_scoped3A_127 = tpu.sem_alloc : memref<!tpu.dma_semaphore, #tpu.memory_space<semaphore_mem>>
        %dma_start3A_128 = arith.constant 0 : i32
        %dma_start3A_129 = tpu.memref_slice %arg7[%run_scoped3A_89, %dma_start3A_128] : memref<2x80xi32, #tpu.memory_space<vmem>> -> memref<1x80xi32, #tpu.memory_space<vmem>>
        %dma_start3A_130 = tpu.memref_squeeze %dma_start3A_129 : memref<1x80xi32, #tpu.memory_space<vmem>> -> memref<80xi32, #tpu.memory_space<vmem>>
        %dma_start3A_131 = arith.constant 0 : i32
        %dma_start3A_132 = arith.constant 0 : i32
        %dma_start3A_133 = tpu.memref_slice %arg6[%dma_start3A_131, %dma_start3A_132] : memref<10000x128xf32, #tpu.memory_space<vmem_shared>> -> memref<10000x128xf32, #tpu.memory_space<vmem_shared>>
        tpu.enqueue_indirect_dma source(%arg9 : memref<80x128xf32, #tpu.memory_space<vmem>>) target(%dma_start3A_133 : memref<10000x128xf32, #tpu.memory_space<vmem_shared>>) offsets(%dma_start3A_130 : memref<80xi32, #tpu.memory_space<vmem>>) semaphore(%run_scoped3A_127 : memref<!tpu.dma_semaphore, #tpu.memory_space<semaphore_mem>>) {add = true}
        %dma_wait3A_134 = arith.constant 0 : i32
        %dma_wait3A_135 = tpu.memref_slice %arg7[%run_scoped3A_89, %dma_wait3A_134] : memref<2x80xi32, #tpu.memory_space<vmem>> -> memref<1x80xi32, #tpu.memory_space<vmem>>
        %dma_wait3A_136 = tpu.memref_squeeze %dma_wait3A_135 : memref<1x80xi32, #tpu.memory_space<vmem>> -> memref<80xi32, #tpu.memory_space<vmem>>
        %dma_wait3A_137 = arith.constant 0 : i32
        %dma_wait3A_138 = arith.constant 0 : i32
        %dma_wait3A_139 = tpu.memref_slice %arg6[%dma_wait3A_137, %dma_wait3A_138] : memref<10000x128xf32, #tpu.memory_space<vmem_shared>> -> memref<10000x128xf32, #tpu.memory_space<vmem_shared>>
        tpu.wait_indirect_dma semaphore(%run_scoped3A_127 : memref<!tpu.dma_semaphore, #tpu.memory_space<semaphore_mem>>) src(%arg9 : memref<80x128xf32, #tpu.memory_space<vmem>>) dst(%dma_wait3A_139 : memref<10000x128xf32, #tpu.memory_space<vmem_shared>>)
        tpu.yield
      }) : () -> ()
      %dma_start3A_90 = arith.constant 0 : i32
      %dma_start3A_91 = arith.constant 0 : i32
      %dma_start3A_92 = tpu.memref_slice %arg3[%add3A, %add3A_62, %dma_start3A_90, %dma_start3A_91] : memref<32x125x2x80xi32, #tpu.memory_space<hbm>> -> memref<1x1x2x80xi32, #tpu.memory_space<hbm>>
      %dma_start3A_93 = tpu.memref_squeeze %dma_start3A_92 : memref<1x1x2x80xi32, #tpu.memory_space<hbm>> -> memref<2x80xi32, #tpu.memory_space<hbm>>
      %dma_start3A_94 = arith.constant 0 : i32
      %dma_start3A_95 = arith.constant 0 : i32
      %dma_start3A_96 = tpu.memref_slice %arg3[%add3A, %add3A_62, %dma_start3A_94, %dma_start3A_95] : memref<32x125x2x80xi32, #tpu.memory_space<hbm>> -> memref<1x1x2x80xi32, #tpu.memory_space<hbm>>
      %dma_start3A_97 = tpu.memref_squeeze %dma_start3A_96 : memref<1x1x2x80xi32, #tpu.memory_space<hbm>> -> memref<2x80xi32, #tpu.memory_space<hbm>>
      tpu.enqueue_dma source(%dma_start3A_97 : memref<2x80xi32, #tpu.memory_space<hbm>>) target(%arg7 : memref<2x80xi32, #tpu.memory_space<vmem>>) target_semaphore(%arg11 : memref<!tpu.dma_semaphore, #tpu.memory_space<semaphore_mem>>)
      %dma_wait3A_98 = arith.constant 0 : i32
      %dma_wait3A_99 = arith.constant 0 : i32
      %dma_wait3A_100 = tpu.memref_slice %arg3[%add3A, %add3A_62, %dma_wait3A_98, %dma_wait3A_99] : memref<32x125x2x80xi32, #tpu.memory_space<hbm>> -> memref<1x1x2x80xi32, #tpu.memory_space<hbm>>
      %dma_wait3A_101 = tpu.memref_squeeze %dma_wait3A_100 : memref<1x1x2x80xi32, #tpu.memory_space<hbm>> -> memref<2x80xi32, #tpu.memory_space<hbm>>
      %dma_wait3A_102 = arith.constant 0 : i32
      %dma_wait3A_103 = arith.constant 0 : i32
      %dma_wait3A_104 = tpu.memref_slice %arg3[%add3A, %add3A_62, %dma_wait3A_102, %dma_wait3A_103] : memref<32x125x2x80xi32, #tpu.memory_space<hbm>> -> memref<1x1x2x80xi32, #tpu.memory_space<hbm>>
      %dma_wait3A_105 = tpu.memref_squeeze %dma_wait3A_104 : memref<1x1x2x80xi32, #tpu.memory_space<hbm>> -> memref<2x80xi32, #tpu.memory_space<hbm>>
      tpu.wait_dma2 semaphore(%arg11 : memref<!tpu.dma_semaphore, #tpu.memory_space<semaphore_mem>>) src(%dma_wait3A_105 : memref<2x80xi32, #tpu.memory_space<hbm>>) dst(%arg7 : memref<2x80xi32, #tpu.memory_space<vmem>>)
      %dma_start3A_106 = arith.constant 0 : i32
      %dma_start3A_107 = arith.constant 0 : i32
      %dma_start3A_108 = tpu.memref_slice %arg7[%dma_start3A_106, %dma_start3A_107] : memref<2x80xi32, #tpu.memory_space<vmem>> -> memref<1x80xi32, #tpu.memory_space<vmem>>
      %dma_start3A_109 = tpu.memref_squeeze %dma_start3A_108 : memref<1x80xi32, #tpu.memory_space<vmem>> -> memref<80xi32, #tpu.memory_space<vmem>>
      %dma_start3A_110 = arith.constant 0 : i32
      %dma_start3A_111 = arith.constant 0 : i32
      %dma_start3A_112 = tpu.memref_slice %arg2[%dma_start3A_110, %dma_start3A_111] : memref<10000x128xf32, #tpu.memory_space<hbm>> -> memref<10000x128xf32, #tpu.memory_space<hbm>>
      tpu.enqueue_indirect_dma source(%dma_start3A_112 : memref<10000x128xf32, #tpu.memory_space<hbm>>) target(%arg9 : memref<80x128xf32, #tpu.memory_space<vmem>>) offsets(%dma_start3A_109 : memref<80xi32, #tpu.memory_space<vmem>>) semaphore(%arg13 : memref<!tpu.dma_semaphore, #tpu.memory_space<semaphore_mem>>)
      %dma_wait3A_113 = arith.constant 0 : i32
      %dma_wait3A_114 = arith.constant 0 : i32
      %dma_wait3A_115 = tpu.memref_slice %arg8[%dma_wait3A_113, %dma_wait3A_114] : memref<2x80xi32, #tpu.memory_space<vmem>> -> memref<1x80xi32, #tpu.memory_space<vmem>>
      %dma_wait3A_116 = tpu.memref_squeeze %dma_wait3A_115 : memref<1x80xi32, #tpu.memory_space<vmem>> -> memref<80xi32, #tpu.memory_space<vmem>>
      %dma_wait3A_117 = arith.constant 0 : i32
      %dma_wait3A_118 = arith.constant 0 : i32
      %dma_wait3A_119 = tpu.memref_slice %arg2[%dma_wait3A_117, %dma_wait3A_118] : memref<10000x128xf32, #tpu.memory_space<hbm>> -> memref<10000x128xf32, #tpu.memory_space<hbm>>
      tpu.wait_indirect_dma semaphore(%arg14 : memref<!tpu.dma_semaphore, #tpu.memory_space<semaphore_mem>>) src(%dma_wait3A_119 : memref<10000x128xf32, #tpu.memory_space<hbm>>) dst(%arg10 : memref<80x128xf32, #tpu.memory_space<vmem>>)
      %run_scoped3A_120 = arith.constant 1 : i32
      "tpu.region"() ({
        %run_scoped3A_127 = tpu.sem_alloc : memref<!tpu.dma_semaphore, #tpu.memory_space<semaphore_mem>>
        %dma_start3A_128 = arith.constant 0 : i32
        %dma_start3A_129 = tpu.memref_slice %arg8[%run_scoped3A_120, %dma_start3A_128] : memref<2x80xi32, #tpu.memory_space<vmem>> -> memref<1x80xi32, #tpu.memory_space<vmem>>
        %dma_start3A_130 = tpu.memref_squeeze %dma_start3A_129 : memref<1x80xi32, #tpu.memory_space<vmem>> -> memref<80xi32, #tpu.memory_space<vmem>>
        %dma_start3A_131 = arith.constant 0 : i32
        %dma_start3A_132 = arith.constant 0 : i32
        %dma_start3A_133 = tpu.memref_slice %arg6[%dma_start3A_131, %dma_start3A_132] : memref<10000x128xf32, #tpu.memory_space<vmem_shared>> -> memref<10000x128xf32, #tpu.memory_space<vmem_shared>>
        tpu.enqueue_indirect_dma source(%arg10 : memref<80x128xf32, #tpu.memory_space<vmem>>) target(%dma_start3A_133 : memref<10000x128xf32, #tpu.memory_space<vmem_shared>>) offsets(%dma_start3A_130 : memref<80xi32, #tpu.memory_space<vmem>>) semaphore(%run_scoped3A_127 : memref<!tpu.dma_semaphore, #tpu.memory_space<semaphore_mem>>) {add = true}
        %dma_wait3A_134 = arith.constant 0 : i32
        %dma_wait3A_135 = tpu.memref_slice %arg8[%run_scoped3A_120, %dma_wait3A_134] : memref<2x80xi32, #tpu.memory_space<vmem>> -> memref<1x80xi32, #tpu.memory_space<vmem>>
        %dma_wait3A_136 = tpu.memref_squeeze %dma_wait3A_135 : memref<1x80xi32, #tpu.memory_space<vmem>> -> memref<80xi32, #tpu.memory_space<vmem>>
        %dma_wait3A_137 = arith.constant 0 : i32
        %dma_wait3A_138 = arith.constant 0 : i32
        %dma_wait3A_139 = tpu.memref_slice %arg6[%dma_wait3A_137, %dma_wait3A_138] : memref<10000x128xf32, #tpu.memory_space<vmem_shared>> -> memref<10000x128xf32, #tpu.memory_space<vmem_shared>>
        tpu.wait_indirect_dma semaphore(%run_scoped3A_127 : memref<!tpu.dma_semaphore, #tpu.memory_space<semaphore_mem>>) src(%arg10 : memref<80x128xf32, #tpu.memory_space<vmem>>) dst(%dma_wait3A_139 : memref<10000x128xf32, #tpu.memory_space<vmem_shared>>)
        tpu.yield
      }) : () -> ()
      %add3A_121 = arith.constant 1 : i32
      %add3A_122 = arith.addi %add3A_62, %add3A_121 : i32
      %lt3A = arith.constant 125 : i32
      %lt3A_123 = arith.cmpi slt, %add3A_122, %lt3A : i32
      %convert_element_type3A_124 = arith.extui %lt3A_123 : i1 to i32
      %cond3A_125 = arith.constant 0 : i32
      %cond3A_126 = arith.cmpi ne, %convert_element_type3A_124, %cond3A_125 : i32
      scf.if %cond3A_126 {
        %add3A_127 = arith.constant 1 : i32
        %add3A_128 = arith.addi %add3A_62, %add3A_127 : i32
        %dma_start3A_129 = arith.constant 0 : i32
        %dma_start3A_130 = arith.constant 0 : i32
        %dma_start3A_131 = tpu.memref_slice %arg3[%add3A, %add3A_128, %dma_start3A_129, %dma_start3A_130] : memref<32x125x2x80xi32, #tpu.memory_space<hbm>> -> memref<1x1x2x80xi32, #tpu.memory_space<hbm>>
        %dma_start3A_132 = tpu.memref_squeeze %dma_start3A_131 : memref<1x1x2x80xi32, #tpu.memory_space<hbm>> -> memref<2x80xi32, #tpu.memory_space<hbm>>
        %dma_start3A_133 = arith.constant 0 : i32
        %dma_start3A_134 = arith.constant 0 : i32
        %dma_start3A_135 = tpu.memref_slice %arg3[%add3A, %add3A_128, %dma_start3A_133, %dma_start3A_134] : memref<32x125x2x80xi32, #tpu.memory_space<hbm>> -> memref<1x1x2x80xi32, #tpu.memory_space<hbm>>
        %dma_start3A_136 = tpu.memref_squeeze %dma_start3A_135 : memref<1x1x2x80xi32, #tpu.memory_space<hbm>> -> memref<2x80xi32, #tpu.memory_space<hbm>>
        tpu.enqueue_dma source(%dma_start3A_136 : memref<2x80xi32, #tpu.memory_space<hbm>>) target(%arg8 : memref<2x80xi32, #tpu.memory_space<vmem>>) target_semaphore(%arg12 : memref<!tpu.dma_semaphore, #tpu.memory_space<semaphore_mem>>)
      } else {
      }
    }
    %scan3A_41 = arith.constant 62 : i32
    %dma_wait3A_42 = arith.constant 0 : i32
    %dma_wait3A_43 = arith.constant 0 : i32
    %dma_wait3A_44 = tpu.memref_slice %arg7[%dma_wait3A_42, %dma_wait3A_43] : memref<2x80xi32, #tpu.memory_space<vmem>> -> memref<1x80xi32, #tpu.memory_space<vmem>>
    %dma_wait3A_45 = tpu.memref_squeeze %dma_wait3A_44 : memref<1x80xi32, #tpu.memory_space<vmem>> -> memref<80xi32, #tpu.memory_space<vmem>>
    %dma_wait3A_46 = arith.constant 0 : i32
    %dma_wait3A_47 = arith.constant 0 : i32
    %dma_wait3A_48 = tpu.memref_slice %arg2[%dma_wait3A_46, %dma_wait3A_47] : memref<10000x128xf32, #tpu.memory_space<hbm>> -> memref<10000x128xf32, #tpu.memory_space<hbm>>
    tpu.wait_indirect_dma semaphore(%arg13 : memref<!tpu.dma_semaphore, #tpu.memory_space<semaphore_mem>>) src(%dma_wait3A_48 : memref<10000x128xf32, #tpu.memory_space<hbm>>) dst(%arg9 : memref<80x128xf32, #tpu.memory_space<vmem>>)
    %run_scoped3A = arith.constant 1 : i32
    "tpu.region"() ({
      %run_scoped3A_58 = tpu.sem_alloc : memref<!tpu.dma_semaphore, #tpu.memory_space<semaphore_mem>>
      %dma_start3A_59 = arith.constant 0 : i32
      %dma_start3A_60 = tpu.memref_slice %arg7[%run_scoped3A, %dma_start3A_59] : memref<2x80xi32, #tpu.memory_space<vmem>> -> memref<1x80xi32, #tpu.memory_space<vmem>>
      %dma_start3A_61 = tpu.memref_squeeze %dma_start3A_60 : memref<1x80xi32, #tpu.memory_space<vmem>> -> memref<80xi32, #tpu.memory_space<vmem>>
      %dma_start3A_62 = arith.constant 0 : i32
      %dma_start3A_63 = arith.constant 0 : i32
      %dma_start3A_64 = tpu.memref_slice %arg6[%dma_start3A_62, %dma_start3A_63] : memref<10000x128xf32, #tpu.memory_space<vmem_shared>> -> memref<10000x128xf32, #tpu.memory_space<vmem_shared>>
      tpu.enqueue_indirect_dma source(%arg9 : memref<80x128xf32, #tpu.memory_space<vmem>>) target(%dma_start3A_64 : memref<10000x128xf32, #tpu.memory_space<vmem_shared>>) offsets(%dma_start3A_61 : memref<80xi32, #tpu.memory_space<vmem>>) semaphore(%run_scoped3A_58 : memref<!tpu.dma_semaphore, #tpu.memory_space<semaphore_mem>>) {add = true}
      %dma_wait3A_65 = arith.constant 0 : i32
      %dma_wait3A_66 = tpu.memref_slice %arg7[%run_scoped3A, %dma_wait3A_65] : memref<2x80xi32, #tpu.memory_space<vmem>> -> memref<1x80xi32, #tpu.memory_space<vmem>>
      %dma_wait3A_67 = tpu.memref_squeeze %dma_wait3A_66 : memref<1x80xi32, #tpu.memory_space<vmem>> -> memref<80xi32, #tpu.memory_space<vmem>>
      %dma_wait3A_68 = arith.constant 0 : i32
      %dma_wait3A_69 = arith.constant 0 : i32
      %dma_wait3A_70 = tpu.memref_slice %arg6[%dma_wait3A_68, %dma_wait3A_69] : memref<10000x128xf32, #tpu.memory_space<vmem_shared>> -> memref<10000x128xf32, #tpu.memory_space<vmem_shared>>
      tpu.wait_indirect_dma semaphore(%run_scoped3A_58 : memref<!tpu.dma_semaphore, #tpu.memory_space<semaphore_mem>>) src(%arg9 : memref<80x128xf32, #tpu.memory_space<vmem>>) dst(%dma_wait3A_70 : memref<10000x128xf32, #tpu.memory_space<vmem_shared>>)
      tpu.yield
    }) : () -> ()
    %barrier3A_49 = arith.constant 0 : index
    tpu.barrier barrier_id(%barrier3A_49)
    %mul3A_50 = arith.constant 624 : i32
    %mul3A_51 = arith.muli %arg1, %mul3A_50 : i32
    %multiple_of3A_52 = tpu.assume_multiple %mul3A_51, 8 : i32
    "tpu.region"() ({
      %run_scoped3A_58 = tpu.sem_alloc : memref<!tpu.dma_semaphore, #tpu.memory_space<semaphore_mem>>
      %dma_start3A_59 = arith.constant 0 : i32
      %dma_start3A_60 = tpu.memref_slice %arg5[%arg0, %multiple_of3A_52, %dma_start3A_59] : memref<2x10000x128xf32, #tpu.memory_space<hbm>> -> memref<1x624x128xf32, #tpu.memory_space<hbm>>
      %dma_start3A_61 = tpu.memref_squeeze %dma_start3A_60 : memref<1x624x128xf32, #tpu.memory_space<hbm>> -> memref<624x128xf32, #tpu.memory_space<hbm>>
      %dma_start3A_62 = arith.constant 0 : i32
      %dma_start3A_63 = tpu.memref_slice %arg6[%multiple_of3A_52, %dma_start3A_62] : memref<10000x128xf32, #tpu.memory_space<vmem_shared>> -> memref<624x128xf32, #tpu.memory_space<vmem_shared>>
      tpu.enqueue_dma source(%dma_start3A_63 : memref<624x128xf32, #tpu.memory_space<vmem_shared>>) target(%dma_start3A_61 : memref<624x128xf32, #tpu.memory_space<hbm>>) target_semaphore(%run_scoped3A_58 : memref<!tpu.dma_semaphore, #tpu.memory_space<semaphore_mem>>)
      %dma_wait3A_64 = arith.constant 0 : i32
      %dma_wait3A_65 = tpu.memref_slice %arg5[%arg0, %multiple_of3A_52, %dma_wait3A_64] : memref<2x10000x128xf32, #tpu.memory_space<hbm>> -> memref<1x624x128xf32, #tpu.memory_space<hbm>>
      %dma_wait3A_66 = tpu.memref_squeeze %dma_wait3A_65 : memref<1x624x128xf32, #tpu.memory_space<hbm>> -> memref<624x128xf32, #tpu.memory_space<hbm>>
      %dma_wait3A_67 = arith.constant 0 : i32
      %dma_wait3A_68 = tpu.memref_slice %arg6[%multiple_of3A_52, %dma_wait3A_67] : memref<10000x128xf32, #tpu.memory_space<vmem_shared>> -> memref<624x128xf32, #tpu.memory_space<vmem_shared>>
      tpu.wait_dma2 semaphore(%run_scoped3A_58 : memref<!tpu.dma_semaphore, #tpu.memory_space<semaphore_mem>>) src(%dma_wait3A_68 : memref<624x128xf32, #tpu.memory_space<vmem_shared>>) dst(%dma_wait3A_66 : memref<624x128xf32, #tpu.memory_space<hbm>>)
      tpu.yield
    }) : () -> ()
    %eq3A_53 = arith.constant 15 : i32
    %eq3A_54 = arith.cmpi eq, %arg1, %eq3A_53 : i32
    %convert_element_type3A_55 = arith.extui %eq3A_54 : i1 to i32
    %cond3A_56 = arith.constant 0 : i32
    %cond3A_57 = arith.cmpi ne, %convert_element_type3A_55, %cond3A_56 : i32
    scf.if %cond3A_57 {
      "tpu.region"() ({
        %run_scoped3A_58 = tpu.sem_alloc : memref<!tpu.dma_semaphore, #tpu.memory_space<semaphore_mem>>
        %dma_start3A_59 = arith.constant 9984 : i32
        %dma_start3A_60 = arith.constant 0 : i32
        %dma_start3A_61 = tpu.memref_slice %arg5[%arg0, %dma_start3A_59, %dma_start3A_60] : memref<2x10000x128xf32, #tpu.memory_space<hbm>> -> memref<1x16x128xf32, #tpu.memory_space<hbm>>
        %dma_start3A_62 = tpu.memref_squeeze %dma_start3A_61 : memref<1x16x128xf32, #tpu.memory_space<hbm>> -> memref<16x128xf32, #tpu.memory_space<hbm>>
        %dma_start3A_63 = arith.constant 9984 : i32
        %dma_start3A_64 = arith.constant 0 : i32
        %dma_start3A_65 = tpu.memref_slice %arg6[%dma_start3A_63, %dma_start3A_64] : memref<10000x128xf32, #tpu.memory_space<vmem_shared>> -> memref<16x128xf32, #tpu.memory_space<vmem_shared>>
        tpu.enqueue_dma source(%dma_start3A_65 : memref<16x128xf32, #tpu.memory_space<vmem_shared>>) target(%dma_start3A_62 : memref<16x128xf32, #tpu.memory_space<hbm>>) target_semaphore(%run_scoped3A_58 : memref<!tpu.dma_semaphore, #tpu.memory_space<semaphore_mem>>)
        %dma_wait3A_66 = arith.constant 9984 : i32
        %dma_wait3A_67 = arith.constant 0 : i32
        %dma_wait3A_68 = tpu.memref_slice %arg5[%arg0, %dma_wait3A_66, %dma_wait3A_67] : memref<2x10000x128xf32, #tpu.memory_space<hbm>> -> memref<1x16x128xf32, #tpu.memory_space<hbm>>
        %dma_wait3A_69 = tpu.memref_squeeze %dma_wait3A_68 : memref<1x16x128xf32, #tpu.memory_space<hbm>> -> memref<16x128xf32, #tpu.memory_space<hbm>>
        %dma_wait3A_70 = arith.constant 9984 : i32
        %dma_wait3A_71 = arith.constant 0 : i32
        %dma_wait3A_72 = tpu.memref_slice %arg6[%dma_wait3A_70, %dma_wait3A_71] : memref<10000x128xf32, #tpu.memory_space<vmem_shared>> -> memref<16x128xf32, #tpu.memory_space<vmem_shared>>
        tpu.wait_dma2 semaphore(%run_scoped3A_58 : memref<!tpu.dma_semaphore, #tpu.memory_space<semaphore_mem>>) src(%dma_wait3A_72 : memref<16x128xf32, #tpu.memory_space<vmem_shared>>) dst(%dma_wait3A_69 : memref<16x128xf32, #tpu.memory_space<hbm>>)
        tpu.yield
      }) : () -> ()
    } else {
    }
    return
  }
}

module attributes {stable_mosaic.version = 14 : i64} {
  func.func @_tc1_body(%arg0: i32, %arg1: memref<1000x128xf32, #tpu.memory_space<vmem>>, %arg2: memref<128x128xf32, #tpu.memory_space<vmem>>, %arg3: memref<1000x16xf32, #tpu.memory_space<vmem>>, %arg4: memref<1000x16xf32, #tpu.memory_space<vmem>>, %arg5: memref<1000x128xf32, #tpu.memory_space<vmem>>) attributes {dimension_semantics = [#tpu.dimension_semantics<arbitrary>], iteration_bounds = array<i64: 10>, scalar_prefetch = 0 : i64, scratch_operands = 0 : i64, tpu.core_type = #tpu.core_type<tc>, window_params = [{transform_indices = @transform_0, window_bounds = array<i64: 1000, 128>}, {pipeline_mode = #tpu.pipeline_mode<synchronous>, transform_indices = @transform_1, window_bounds = array<i64: 128, 128>}, {transform_indices = @transform_2, window_bounds = array<i64: 1000, 16>}, {transform_indices = @transform_3, window_bounds = array<i64: 1000, 16>}, {transform_indices = @transform_4, window_bounds = array<i64: 1000, 128>}]} {
    %get3A = arith.constant 0 : index
    %get3A_0 = arith.constant 0 : index
    %get3A_1 = vector.load %arg3[%get3A, %get3A_0] : memref<1000x16xf32, #tpu.memory_space<vmem>>, vector<1000x16xf32>
    %get3A_2 = arith.constant 0 : index
    %get3A_3 = arith.constant 0 : index
    %get3A_4 = vector.load %arg4[%get3A_2, %get3A_3] : memref<1000x16xf32, #tpu.memory_space<vmem>>, vector<1000x16xf32>
    %slice3A = vector.extract_strided_slice %get3A_1 {offsets = [0, 0], sizes = [1000, 1], strides = [1, 1]} : vector<1000x16xf32> to vector<1000x1xf32>
    %slice3A_5 = vector.extract_strided_slice %get3A_4 {offsets = [0, 0], sizes = [1000, 1], strides = [1, 1]} : vector<1000x16xf32> to vector<1000x1xf32>
    %add3A = arith.addf %slice3A, %slice3A_5 : vector<1000x1xf32>
    %add3A_6 = arith.constant 1.000000e+00 : f32
    %add3A_7 = vector.broadcast %add3A_6 : f32 to vector<1000x1xf32>
    %add3A_8 = arith.addf %add3A, %add3A_7 : vector<1000x1xf32>
    %rsqrt3A = math.rsqrt %add3A_8 : vector<1000x1xf32>
    %get3A_9 = arith.constant 0 : index
    %get3A_10 = arith.constant 0 : index
    %get3A_11 = vector.load %arg1[%get3A_9, %get3A_10] : memref<1000x128xf32, #tpu.memory_space<vmem>>, vector<1000x128xf32>
    %get3A_12 = arith.constant 0 : index
    %get3A_13 = arith.constant 0 : index
    %get3A_14 = vector.load %arg2[%get3A_12, %get3A_13] : memref<128x128xf32, #tpu.memory_space<vmem>>, vector<128x128xf32>
    %dot_general3A = arith.constant dense<0.000000e+00> : vector<1000x128xf32>
    %dot_general3A_15 = tpu.matmul %get3A_11, %get3A_14, %dot_general3A {dimension_numbers = #tpu.dot_dimension_numbers<[1], [1], [0], [0], [0, 0, 1, 0], [], []>, transpose_lhs_hint = false} : vector<1000x128xf32>, vector<128x128xf32>, vector<1000x128xf32> -> vector<1000x128xf32>
    %mul3A = vector.broadcast %rsqrt3A : vector<1000x1xf32> to vector<1000x128xf32>
    %mul3A_16 = arith.mulf %dot_general3A_15, %mul3A : vector<1000x128xf32>
    %swap3A = arith.constant 0 : index
    %swap3A_17 = arith.constant 0 : index
    %swap3A_18 = vector.load %arg5[%swap3A, %swap3A_17] : memref<1000x128xf32, #tpu.memory_space<vmem>>, vector<1000x128xf32>
    tpu.vector_store %arg5[%swap3A, %swap3A_17], %mul3A_16 {strides = array<i32>} : memref<1000x128xf32, #tpu.memory_space<vmem>>, vector<1000x128xf32>,
    return
  }
  func.func @transform_0(%arg0: i32) -> (i32, i32) {
    %c0_i32 = arith.constant 0 : i32
    %c0_i32_0 = arith.constant 0 : i32
    return %arg0, %c0_i32 : i32, i32
  }
  func.func @transform_1(%arg0: i32) -> (i32, i32) {
    %c0_i32 = arith.constant 0 : i32
    %c0_i32_0 = arith.constant 0 : i32
    %c0_i32_1 = arith.constant 0 : i32
    return %c0_i32, %c0_i32_0 : i32, i32
  }
  func.func @transform_2(%arg0: i32) -> (i32, i32) {
    %c0_i32 = arith.constant 0 : i32
    %c0_i32_0 = arith.constant 0 : i32
    return %arg0, %c0_i32 : i32, i32
  }
  func.func @transform_3(%arg0: i32) -> (i32, i32) {
    %c0_i32 = arith.constant 0 : i32
    %c0_i32_0 = arith.constant 0 : i32
    return %arg0, %c0_i32 : i32, i32
  }
  func.func @transform_4(%arg0: i32) -> (i32, i32) {
    %c0_i32 = arith.constant 0 : i32
    %c0_i32_0 = arith.constant 0 : i32
    return %arg0, %c0_i32 : i32, i32
  }
}

module attributes {stable_mosaic.version = 14 : i64} {
  func.func @_tc2_body(%arg0: i32, %arg1: memref<1000x128xf32, #tpu.memory_space<vmem>>, %arg2: memref<1000x128xf32, #tpu.memory_space<vmem>>, %arg3: memref<1000x128xf32, #tpu.memory_space<vmem>>, %arg4: memref<1000x16xf32, #tpu.memory_space<vmem>>, %arg5: memref<1000x16xf32, #tpu.memory_space<vmem>>, %arg6: memref<1x128xf32, #tpu.memory_space<vmem>>, %arg7: memref<128x128xf32, #tpu.memory_space<vmem>>, %arg8: memref<1000x128xf32, #tpu.memory_space<vmem>>) attributes {dimension_semantics = [#tpu.dimension_semantics<arbitrary>], iteration_bounds = array<i64: 10>, scalar_prefetch = 0 : i64, scratch_operands = 0 : i64, tpu.core_type = #tpu.core_type<tc>, window_params = [{transform_indices = @transform_0, window_bounds = array<i64: 1000, 128>}, {transform_indices = @transform_1, window_bounds = array<i64: 1000, 128>}, {transform_indices = @transform_2, window_bounds = array<i64: 1000, 128>}, {transform_indices = @transform_3, window_bounds = array<i64: 1000, 16>}, {transform_indices = @transform_4, window_bounds = array<i64: 1000, 16>}, {pipeline_mode = #tpu.pipeline_mode<synchronous>, transform_indices = @transform_5, window_bounds = array<i64: 1, 128>}, {pipeline_mode = #tpu.pipeline_mode<synchronous>, transform_indices = @transform_6, window_bounds = array<i64: 128, 128>}, {transform_indices = @transform_7, window_bounds = array<i64: 1000, 128>}]} {
    %get3A = arith.constant 0 : index
    %get3A_0 = arith.constant 0 : index
    %get3A_1 = vector.load %arg4[%get3A, %get3A_0] : memref<1000x16xf32, #tpu.memory_space<vmem>>, vector<1000x16xf32>
    %get3A_2 = arith.constant 0 : index
    %get3A_3 = arith.constant 0 : index
    %get3A_4 = vector.load %arg5[%get3A_2, %get3A_3] : memref<1000x16xf32, #tpu.memory_space<vmem>>, vector<1000x16xf32>
    %slice3A = vector.extract_strided_slice %get3A_1 {offsets = [0, 0], sizes = [1000, 1], strides = [1, 1]} : vector<1000x16xf32> to vector<1000x1xf32>
    %slice3A_5 = vector.extract_strided_slice %get3A_4 {offsets = [0, 0], sizes = [1000, 1], strides = [1, 1]} : vector<1000x16xf32> to vector<1000x1xf32>
    %add3A = arith.addf %slice3A, %slice3A_5 : vector<1000x1xf32>
    %add3A_6 = arith.constant 1.000000e+00 : f32
    %add3A_7 = vector.broadcast %add3A_6 : f32 to vector<1000x1xf32>
    %add3A_8 = arith.addf %add3A, %add3A_7 : vector<1000x1xf32>
    %rsqrt3A = math.rsqrt %add3A_8 : vector<1000x1xf32>
    %get3A_9 = arith.constant 0 : index
    %get3A_10 = arith.constant 0 : index
    %get3A_11 = vector.load %arg1[%get3A_9, %get3A_10] : memref<1000x128xf32, #tpu.memory_space<vmem>>, vector<1000x128xf32>
    %get3A_12 = arith.constant 0 : index
    %get3A_13 = arith.constant 0 : index
    %get3A_14 = vector.load %arg2[%get3A_12, %get3A_13] : memref<1000x128xf32, #tpu.memory_space<vmem>>, vector<1000x128xf32>
    %add3A_15 = arith.addf %get3A_11, %get3A_14 : vector<1000x128xf32>
    %get3A_16 = arith.constant 0 : index
    %get3A_17 = arith.constant 0 : index
    %get3A_18 = vector.load %arg3[%get3A_16, %get3A_17] : memref<1000x128xf32, #tpu.memory_space<vmem>>, vector<1000x128xf32>
    %add3A_19 = arith.addf %add3A_15, %get3A_18 : vector<1000x128xf32>
    %mul3A = vector.broadcast %rsqrt3A : vector<1000x1xf32> to vector<1000x128xf32>
    %mul3A_20 = arith.mulf %mul3A, %add3A_19 : vector<1000x128xf32>
    %get3A_21 = arith.constant 0 : index
    %get3A_22 = arith.constant 0 : index
    %get3A_23 = vector.load %arg6[%get3A_21, %get3A_22] : memref<1x128xf32, #tpu.memory_space<vmem>>, vector<1x128xf32>
    %add3A_24 = vector.broadcast %get3A_23 : vector<1x128xf32> to vector<1000x128xf32>
    %add3A_25 = arith.addf %mul3A_20, %add3A_24 : vector<1000x128xf32>
    %max3A = arith.constant 0.000000e+00 : f32
    %max3A_26 = vector.broadcast %max3A : f32 to vector<1000x128xf32>
    %max3A_27 = arith.maximumf %add3A_25, %max3A_26 : vector<1000x128xf32>
    %get3A_28 = arith.constant 0 : index
    %get3A_29 = arith.constant 0 : index
    %get3A_30 = vector.load %arg7[%get3A_28, %get3A_29] : memref<128x128xf32, #tpu.memory_space<vmem>>, vector<128x128xf32>
    %dot_general3A = arith.constant dense<0.000000e+00> : vector<1000x128xf32>
    %dot_general3A_31 = tpu.matmul %max3A_27, %get3A_30, %dot_general3A {dimension_numbers = #tpu.dot_dimension_numbers<[1], [1], [0], [0], [0, 0, 1, 0], [], []>, transpose_lhs_hint = false} : vector<1000x128xf32>, vector<128x128xf32>, vector<1000x128xf32> -> vector<1000x128xf32>
    %mul3A_32 = vector.broadcast %rsqrt3A : vector<1000x1xf32> to vector<1000x128xf32>
    %mul3A_33 = arith.mulf %dot_general3A_31, %mul3A_32 : vector<1000x128xf32>
    %swap3A = arith.constant 0 : index
    %swap3A_34 = arith.constant 0 : index
    %swap3A_35 = vector.load %arg8[%swap3A, %swap3A_34] : memref<1000x128xf32, #tpu.memory_space<vmem>>, vector<1000x128xf32>
    tpu.vector_store %arg8[%swap3A, %swap3A_34], %mul3A_33 {strides = array<i32>} : memref<1000x128xf32, #tpu.memory_space<vmem>>, vector<1000x128xf32>,
    return
  }
  func.func @transform_0(%arg0: i32) -> (i32, i32) {
    %c0_i32 = arith.constant 0 : i32
    %c0_i32_0 = arith.constant 0 : i32
    return %arg0, %c0_i32 : i32, i32
  }
  func.func @transform_1(%arg0: i32) -> (i32, i32) {
    %c0_i32 = arith.constant 0 : i32
    %c0_i32_0 = arith.constant 0 : i32
    return %arg0, %c0_i32 : i32, i32
  }
  func.func @transform_2(%arg0: i32) -> (i32, i32) {
    %c0_i32 = arith.constant 0 : i32
    %c0_i32_0 = arith.constant 0 : i32
    return %arg0, %c0_i32 : i32, i32
  }
  func.func @transform_3(%arg0: i32) -> (i32, i32) {
    %c0_i32 = arith.constant 0 : i32
    %c0_i32_0 = arith.constant 0 : i32
    return %arg0, %c0_i32 : i32, i32
  }
  func.func @transform_4(%arg0: i32) -> (i32, i32) {
    %c0_i32 = arith.constant 0 : i32
    %c0_i32_0 = arith.constant 0 : i32
    return %arg0, %c0_i32 : i32, i32
  }
  func.func @transform_5(%arg0: i32) -> (i32, i32) {
    %c0_i32 = arith.constant 0 : i32
    %c0_i32_0 = arith.constant 0 : i32
    %c0_i32_1 = arith.constant 0 : i32
    return %c0_i32, %c0_i32_0 : i32, i32
  }
  func.func @transform_6(%arg0: i32) -> (i32, i32) {
    %c0_i32 = arith.constant 0 : i32
    %c0_i32_0 = arith.constant 0 : i32
    %c0_i32_1 = arith.constant 0 : i32
    return %c0_i32, %c0_i32_0 : i32, i32
  }
  func.func @transform_7(%arg0: i32) -> (i32, i32) {
    %c0_i32 = arith.constant 0 : i32
    %c0_i32_0 = arith.constant 0 : i32
    return %arg0, %c0_i32 : i32, i32
  }
}

module attributes {stable_mosaic.version = 14 : i64} {
  func.func @_tcf_body(%arg0: i32, %arg1: memref<1000x128xf32, #tpu.memory_space<vmem>>, %arg2: memref<1000x128xf32, #tpu.memory_space<vmem>>, %arg3: memref<1000x128xf32, #tpu.memory_space<vmem>>, %arg4: memref<1000x16xf32, #tpu.memory_space<vmem>>, %arg5: memref<1000x16xf32, #tpu.memory_space<vmem>>, %arg6: memref<1x128xf32, #tpu.memory_space<vmem>>, %arg7: memref<1x1x1000xi32, #tpu.memory_space<vmem>>, %arg8: memref<10x128xf32, #tpu.memory_space<vmem>>, %arg9: memref<1x10xf32, #tpu.memory_space<vmem>>, %arg10: memref<64x10xf32, #tpu.memory_space<vmem>>, %arg11: memref<64x128xf32, #tpu.memory_space<vmem>>, %arg12: memref<64x128xf32, #tpu.memory_space<vmem>>) attributes {dimension_semantics = [#tpu.dimension_semantics<arbitrary>], iteration_bounds = array<i64: 10>, scalar_prefetch = 0 : i64, scratch_operands = 2 : i64, tpu.core_type = #tpu.core_type<tc>, window_params = [{transform_indices = @transform_0, window_bounds = array<i64: 1000, 128>}, {transform_indices = @transform_1, window_bounds = array<i64: 1000, 128>}, {transform_indices = @transform_2, window_bounds = array<i64: 1000, 128>}, {transform_indices = @transform_3, window_bounds = array<i64: 1000, 16>}, {transform_indices = @transform_4, window_bounds = array<i64: 1000, 16>}, {pipeline_mode = #tpu.pipeline_mode<synchronous>, transform_indices = @transform_5, window_bounds = array<i64: 1, 128>}, {transform_indices = @transform_6, window_bounds = array<i64: 1, 1, 1000>}, {pipeline_mode = #tpu.pipeline_mode<synchronous>, transform_indices = @transform_7, window_bounds = array<i64: 10, 128>}, {pipeline_mode = #tpu.pipeline_mode<synchronous>, transform_indices = @transform_8, window_bounds = array<i64: 1, 10>}, {pipeline_mode = #tpu.pipeline_mode<synchronous>, transform_indices = @transform_9, window_bounds = array<i64: 64, 10>}]} {
    %eq3A = arith.constant 0 : i32
    %eq3A_0 = arith.cmpi eq, %arg0, %eq3A : i32
    %convert_element_type3A = arith.extui %eq3A_0 : i1 to i32
    %cond3A = arith.constant 0 : i32
    %cond3A_1 = arith.cmpi ne, %convert_element_type3A, %cond3A : i32
    scf.if %cond3A_1 {
      %broadcast_in_dim3A_62 = arith.constant 0.000000e+00 : f32
      %broadcast_in_dim3A_63 = vector.broadcast %broadcast_in_dim3A_62 : f32 to vector<64x128xf32>
      %swap3A_64 = arith.constant 0 : index
      %swap3A_65 = arith.constant 0 : index
      %swap3A_66 = vector.load %arg11[%swap3A_64, %swap3A_65] : memref<64x128xf32, #tpu.memory_space<vmem>>, vector<64x128xf32>
      tpu.vector_store %arg11[%swap3A_64, %swap3A_65], %broadcast_in_dim3A_63 {strides = array<i32>} : memref<64x128xf32, #tpu.memory_space<vmem>>, vector<64x128xf32>,
      %broadcast_in_dim3A_67 = arith.constant 0.000000e+00 : f32
      %broadcast_in_dim3A_68 = vector.broadcast %broadcast_in_dim3A_67 : f32 to vector<64x128xf32>
      %swap3A_69 = arith.constant 0 : index
      %swap3A_70 = arith.constant 0 : index
      %swap3A_71 = vector.load %arg12[%swap3A_69, %swap3A_70] : memref<64x128xf32, #tpu.memory_space<vmem>>, vector<64x128xf32>
      tpu.vector_store %arg12[%swap3A_69, %swap3A_70], %broadcast_in_dim3A_68 {strides = array<i32>} : memref<64x128xf32, #tpu.memory_space<vmem>>, vector<64x128xf32>,
    } else {
    }
    %get3A = arith.constant 0 : index
    %get3A_2 = arith.constant 0 : index
    %get3A_3 = vector.load %arg4[%get3A, %get3A_2] : memref<1000x16xf32, #tpu.memory_space<vmem>>, vector<1000x16xf32>
    %get3A_4 = arith.constant 0 : index
    %get3A_5 = arith.constant 0 : index
    %get3A_6 = vector.load %arg5[%get3A_4, %get3A_5] : memref<1000x16xf32, #tpu.memory_space<vmem>>, vector<1000x16xf32>
    %slice3A = vector.extract_strided_slice %get3A_3 {offsets = [0, 0], sizes = [1000, 1], strides = [1, 1]} : vector<1000x16xf32> to vector<1000x1xf32>
    %slice3A_7 = vector.extract_strided_slice %get3A_6 {offsets = [0, 0], sizes = [1000, 1], strides = [1, 1]} : vector<1000x16xf32> to vector<1000x1xf32>
    %add3A = arith.addf %slice3A, %slice3A_7 : vector<1000x1xf32>
    %add3A_8 = arith.constant 1.000000e+00 : f32
    %add3A_9 = vector.broadcast %add3A_8 : f32 to vector<1000x1xf32>
    %add3A_10 = arith.addf %add3A, %add3A_9 : vector<1000x1xf32>
    %rsqrt3A = math.rsqrt %add3A_10 : vector<1000x1xf32>
    %get3A_11 = arith.constant 0 : index
    %get3A_12 = arith.constant 0 : index
    %get3A_13 = vector.load %arg1[%get3A_11, %get3A_12] : memref<1000x128xf32, #tpu.memory_space<vmem>>, vector<1000x128xf32>
    %get3A_14 = arith.constant 0 : index
    %get3A_15 = arith.constant 0 : index
    %get3A_16 = vector.load %arg2[%get3A_14, %get3A_15] : memref<1000x128xf32, #tpu.memory_space<vmem>>, vector<1000x128xf32>
    %add3A_17 = arith.addf %get3A_13, %get3A_16 : vector<1000x128xf32>
    %get3A_18 = arith.constant 0 : index
    %get3A_19 = arith.constant 0 : index
    %get3A_20 = vector.load %arg3[%get3A_18, %get3A_19] : memref<1000x128xf32, #tpu.memory_space<vmem>>, vector<1000x128xf32>
    %add3A_21 = arith.addf %add3A_17, %get3A_20 : vector<1000x128xf32>
    %mul3A = vector.broadcast %rsqrt3A : vector<1000x1xf32> to vector<1000x128xf32>
    %mul3A_22 = arith.mulf %mul3A, %add3A_21 : vector<1000x128xf32>
    %get3A_23 = arith.constant 0 : index
    %get3A_24 = arith.constant 0 : index
    %get3A_25 = vector.load %arg6[%get3A_23, %get3A_24] : memref<1x128xf32, #tpu.memory_space<vmem>>, vector<1x128xf32>
    %add3A_26 = vector.broadcast %get3A_25 : vector<1x128xf32> to vector<1000x128xf32>
    %add3A_27 = arith.addf %mul3A_22, %add3A_26 : vector<1000x128xf32>
    %max3A = arith.constant 0.000000e+00 : f32
    %max3A_28 = vector.broadcast %max3A : f32 to vector<1000x128xf32>
    %max3A_29 = arith.maximumf %add3A_27, %max3A_28 : vector<1000x128xf32>
    %get3A_30 = arith.constant 0 : index
    %get3A_31 = arith.constant 0 : index
    %get3A_32 = arith.constant 0 : index
    %get3A_33 = vector.load %arg7[%get3A_30, %get3A_31, %get3A_32] : memref<1x1x1000xi32, #tpu.memory_space<vmem>>, vector<1x1x1000xi32>
    %get3A_34 = vector.shape_cast %get3A_33 : vector<1x1x1000xi32> to vector<1000xi32>
    %iota3A = tpu.iota {dimensions = array<i32: 0>} : vector<64x1000xi32>
    %broadcast_in_dim3A = vector.shape_cast %get3A_34 : vector<1000xi32> to vector<1x1000xi32>
    %eq3A_35 = vector.broadcast %broadcast_in_dim3A : vector<1x1000xi32> to vector<64x1000xi32>
    %eq3A_36 = arith.cmpi eq, %iota3A, %eq3A_35 : vector<64x1000xi32>
    %convert_element_type3A_37 = arith.extui %eq3A_36 : vector<64x1000xi1> to vector<64x1000xi32>
    %convert_element_type3A_38 = arith.sitofp %convert_element_type3A_37 : vector<64x1000xi32> to vector<64x1000xf32>
    %get3A_39 = arith.constant 0 : index
    %get3A_40 = arith.constant 0 : index
    %get3A_41 = vector.load %arg11[%get3A_39, %get3A_40] : memref<64x128xf32, #tpu.memory_space<vmem>>, vector<64x128xf32>
    %dot_general3A = arith.constant dense<0.000000e+00> : vector<64x128xf32>
    %dot_general3A_42 = tpu.matmul %convert_element_type3A_38, %max3A_29, %dot_general3A {dimension_numbers = #tpu.dot_dimension_numbers<[1], [0], [0], [1], [0, 0, 1, 1], [], []>, transpose_lhs_hint = false} : vector<64x1000xf32>, vector<1000x128xf32>, vector<64x128xf32> -> vector<64x128xf32>
    %add3A_43 = arith.addf %get3A_41, %dot_general3A_42 : vector<64x128xf32>
    %swap3A = arith.constant 0 : index
    %swap3A_44 = arith.constant 0 : index
    %swap3A_45 = vector.load %arg11[%swap3A, %swap3A_44] : memref<64x128xf32, #tpu.memory_space<vmem>>, vector<64x128xf32>
    tpu.vector_store %arg11[%swap3A, %swap3A_44], %add3A_43 {strides = array<i32>} : memref<64x128xf32, #tpu.memory_space<vmem>>, vector<64x128xf32>,
    %get3A_46 = arith.constant 0 : index
    %get3A_47 = arith.constant 0 : index
    %get3A_48 = vector.load %arg12[%get3A_46, %get3A_47] : memref<64x128xf32, #tpu.memory_space<vmem>>, vector<64x128xf32>
    %broadcast_in_dim3A_49 = arith.constant 1.000000e+00 : f32
    %broadcast_in_dim3A_50 = vector.broadcast %broadcast_in_dim3A_49 : f32 to vector<1000x128xf32>
    %dot_general3A_51 = arith.constant dense<0.000000e+00> : vector<64x128xf32>
    %dot_general3A_52 = tpu.matmul %convert_element_type3A_38, %broadcast_in_dim3A_50, %dot_general3A_51 {dimension_numbers = #tpu.dot_dimension_numbers<[1], [0], [0], [1], [0, 0, 1, 1], [], []>, transpose_lhs_hint = false} : vector<64x1000xf32>, vector<1000x128xf32>, vector<64x128xf32> -> vector<64x128xf32>
    %add3A_53 = arith.addf %get3A_48, %dot_general3A_52 : vector<64x128xf32>
    %swap3A_54 = arith.constant 0 : index
    %swap3A_55 = arith.constant 0 : index
    %swap3A_56 = vector.load %arg12[%swap3A_54, %swap3A_55] : memref<64x128xf32, #tpu.memory_space<vmem>>, vector<64x128xf32>
    tpu.vector_store %arg12[%swap3A_54, %swap3A_55], %add3A_53 {strides = array<i32>} : memref<64x128xf32, #tpu.memory_space<vmem>>, vector<64x128xf32>,
    %eq3A_57 = arith.constant 9 : i32
    %eq3A_58 = arith.cmpi eq, %arg0, %eq3A_57 : i32
    %convert_element_type3A_59 = arith.extui %eq3A_58 : i1 to i32
    %cond3A_60 = arith.constant 0 : i32
    %cond3A_61 = arith.cmpi ne, %convert_element_type3A_59, %cond3A_60 : i32
    scf.if %cond3A_61 {
      %get3A_62 = arith.constant 0 : index
      %get3A_63 = arith.constant 0 : index
      %get3A_64 = vector.load %arg11[%get3A_62, %get3A_63] : memref<64x128xf32, #tpu.memory_space<vmem>>, vector<64x128xf32>
      %get3A_65 = arith.constant 0 : index
      %get3A_66 = arith.constant 0 : index
      %get3A_67 = vector.load %arg12[%get3A_65, %get3A_66] : memref<64x128xf32, #tpu.memory_space<vmem>>, vector<64x128xf32>
      %max3A_68 = arith.constant 1.000000e+00 : f32
      %max3A_69 = vector.broadcast %max3A_68 : f32 to vector<64x128xf32>
      %max3A_70 = arith.maximumf %get3A_67, %max3A_69 : vector<64x128xf32>
      %div3A = arith.divf %get3A_64, %max3A_70 : vector<64x128xf32>
      %get3A_71 = arith.constant 0 : index
      %get3A_72 = arith.constant 0 : index
      %get3A_73 = vector.load %arg8[%get3A_71, %get3A_72] : memref<10x128xf32, #tpu.memory_space<vmem>>, vector<10x128xf32>
      %dot_general3A_74 = arith.constant dense<0.000000e+00> : vector<64x10xf32>
      %dot_general3A_75 = tpu.matmul %div3A, %get3A_73, %dot_general3A_74 {dimension_numbers = #tpu.dot_dimension_numbers<[1], [1], [0], [0], [0, 0, 1, 0], [], []>, transpose_lhs_hint = false} : vector<64x128xf32>, vector<10x128xf32>, vector<64x10xf32> -> vector<64x10xf32>
      %get3A_76 = arith.constant 0 : index
      %get3A_77 = arith.constant 0 : index
      %get3A_78 = vector.load %arg9[%get3A_76, %get3A_77] : memref<1x10xf32, #tpu.memory_space<vmem>>, vector<1x10xf32>
      %add3A_79 = vector.broadcast %get3A_78 : vector<1x10xf32> to vector<64x10xf32>
      %add3A_80 = arith.addf %dot_general3A_75, %add3A_79 : vector<64x10xf32>
      %swap3A_81 = arith.constant 0 : index
      %swap3A_82 = arith.constant 0 : index
      %swap3A_83 = vector.load %arg10[%swap3A_81, %swap3A_82] : memref<64x10xf32, #tpu.memory_space<vmem>>, vector<64x10xf32>
      tpu.vector_store %arg10[%swap3A_81, %swap3A_82], %add3A_80 {strides = array<i32>} : memref<64x10xf32, #tpu.memory_space<vmem>>, vector<64x10xf32>,
    } else {
    }
    return
  }
  func.func @transform_0(%arg0: i32) -> (i32, i32) {
    %c0_i32 = arith.constant 0 : i32
    %c0_i32_0 = arith.constant 0 : i32
    return %arg0, %c0_i32 : i32, i32
  }
  func.func @transform_1(%arg0: i32) -> (i32, i32) {
    %c0_i32 = arith.constant 0 : i32
    %c0_i32_0 = arith.constant 0 : i32
    return %arg0, %c0_i32 : i32, i32
  }
  func.func @transform_2(%arg0: i32) -> (i32, i32) {
    %c0_i32 = arith.constant 0 : i32
    %c0_i32_0 = arith.constant 0 : i32
    return %arg0, %c0_i32 : i32, i32
  }
  func.func @transform_3(%arg0: i32) -> (i32, i32) {
    %c0_i32 = arith.constant 0 : i32
    %c0_i32_0 = arith.constant 0 : i32
    return %arg0, %c0_i32 : i32, i32
  }
  func.func @transform_4(%arg0: i32) -> (i32, i32) {
    %c0_i32 = arith.constant 0 : i32
    %c0_i32_0 = arith.constant 0 : i32
    return %arg0, %c0_i32 : i32, i32
  }
  func.func @transform_5(%arg0: i32) -> (i32, i32) {
    %c0_i32 = arith.constant 0 : i32
    %c0_i32_0 = arith.constant 0 : i32
    %c0_i32_1 = arith.constant 0 : i32
    return %c0_i32, %c0_i32_0 : i32, i32
  }
  func.func @transform_6(%arg0: i32) -> (i32, i32, i32) {
    %c0_i32 = arith.constant 0 : i32
    %c0_i32_0 = arith.constant 0 : i32
    %c0_i32_1 = arith.constant 0 : i32
    return %arg0, %c0_i32, %c0_i32_0 : i32, i32, i32
  }
  func.func @transform_7(%arg0: i32) -> (i32, i32) {
    %c0_i32 = arith.constant 0 : i32
    %c0_i32_0 = arith.constant 0 : i32
    %c0_i32_1 = arith.constant 0 : i32
    return %c0_i32, %c0_i32_0 : i32, i32
  }
  func.func @transform_8(%arg0: i32) -> (i32, i32) {
    %c0_i32 = arith.constant 0 : i32
    %c0_i32_0 = arith.constant 0 : i32
    %c0_i32_1 = arith.constant 0 : i32
    return %c0_i32, %c0_i32_0 : i32, i32
  }
  func.func @transform_9(%arg0: i32) -> (i32, i32) {
    %c0_i32 = arith.constant 0 : i32
    %c0_i32_0 = arith.constant 0 : i32
    %c0_i32_1 = arith.constant 0 : i32
    return %c0_i32, %c0_i32_0 : i32, i32
  }
}

</mosaic_0001>

<sc_bundles>
// kernel: kernel.10.cloned.1.call-start
scs
__scs_entry_jumppad:
0x0: {  	(pc) =	sbr.rel $0x88, $3  }
0x1: {  	(tag) =	ssettag $0x0;
	lr =	simm.s32 $0x1  }
0x2: {  	[smem:$0x3F96] =	sst lr;
	_ =	strace $0xD0000000  }
0x3: {  	_ = 	snop  }
0x4: {  	_ = 	snop  }
0x5: {  	_ = 	snop  }
0x6: {  	_ = 	snop  }
0x7: {  	_ = 	snop  }
__scs_overlays_trampoline_lowered:
0x8: {  	[smem:$0x3FA5] =	sst s0  }
0x9: {  	[smem:$0x3FA6] =	sst s1  }
0xa: {  	[smem:$0x3FA7] =	sst s2  }
0xb: {  	[smem:$0x3FA8] =	sst s3  }
0xc: {  	[smem:$0x3FA9] =	sst s4  }
0xd: {  	[smem:$0x3FAA] =	sst s5  }
0xe: {  	[smem:$0x3FAB] =	sst s6  }
0xf: {  	[smem:$0x3FAC] =	sst s7  }
0x10: {  	[smem:$0x3FAD] =	sst s8  }
0x11: {  	[smem:$0x3FAE] =	sst s9;
	s0 =	simm.s32 @!p0 $0x0  }
0x12: {  	s1 =	sld [smem:$0x3F94];
	s0 =	simm.s32 @p0 $0x1  }
0x13: {  	[smem:$0x3FAF] =	sst s0;
	s0 =	simm.s32 @!p1 $0x0  }
0x14: {  	s2 =	sld [smem:$0x3F93];
	s0 =	simm.s32 @p1 $0x1  }
0x15: {  	[smem:$0x3FB0] =	sst s0;
	s0 =	simm.s32 @!p2 $0x0  }
0x16: {  	s3 =	sld [smem:$0x3FDB];
	s0 =	simm.s32 @p2 $0x1  }
0x17: {  	s4 =	simm.s32 $0x1BF5;
	[smem:$0x3FB2] =	sst s0  }
0x18: {  	s0 =	sld [smem:$0x3F95];
	_ =	swait.ge [sflag:s4], $0x0  }
0x19: {  	s7 =	sld [smem:$0x3F96]  }
0x1a: {  	s8 =	sadd.s32 $0xFFFFE003, lr  }
0x1b: {  	s9 =	sadd.s32 $0xFFFFFEF7, lr;
	s5 =	simm.s32 $0xFFFFFFFF;
	p2 =	slt.u32 s8, $0xFFFFF086  }
0x1c: {  	p1 =	slt.u32 s9, $0xF7A;
	s5 =	simm.s32 @!p2 $0x0  }
0x1d: {  	s5 =	simm.s32 @p1 $0x1;
	p0 =	seq.s32 s7, s2  }
0x1e: {  	s7 =	smul.u32 @!p0 $0xF7A, s2;
	p2 =	seq.s32 @!p0 s5, $0x0  }
0x1f: {  	s9 =	smul.u32 $0xF7A, s1;
	s8 =	simm.s32 @!p0 $0x1BF5;
	p2 =	por !p2, p0  }
0x20: {  	[sflag:s8] =	ssyncset.s32 @!p0 $0xFFFFF086;
	s6 =	sadd.s32 @!p0 s3, s7;
	s7 =	simm.s32 @!p0 $0x108  }
0x21: {  	s3 =	sadd.s32 s3, s9;
	s6 =	sadd.s32 @!p0 $0x88, s6;
	s7 =	simm.s32 @p2 $0x1082  }
0x22: {  	[simem:s7], [sflag:s8] =	dma.local @!p0 [hbm:s6], $0xF7A  }
0x23: {  	s9 =	sor.u32 $0xD0000000, s2;
	s6 =	simm.s32 $0x108;
	_ =	swait.ge @!p0 [sflag:s8], $0x0  }
0x24: {  	s3 =	sadd.s32 $0x88, s3;
	s6 =	simm.s32 @!p1 $0x1082;
	[sflag:s4] =	ssyncset.s32 $0xFFFFF086  }
0x25: {  	[simem:s6], [sflag:s4] =	dma.local [hbm:s3], $0xF7A  }
0x26: {  	[smem:$0x3F96] =	sst s1;
	(tag) =	ssettag s2;
	_ =	strace s9  }
0x27: {  	s1 =	sld [smem:$0x3FA6]  }
0x28: {  	s2 =	sld [smem:$0x3FA7]  }
0x29: {  	s4 =	sld [smem:$0x3FA9]  }
0x2a: {  	p0 =	seq.s32 s5, $0x0;
	s5 =	sld [smem:$0x3FAA]  }
0x2b: {  	s6 =	sld [smem:$0x3FAB]  }
0x2c: {  	s7 =	sld [smem:$0x3FAC]  }
0x2d: {  	s3 =	simm.s32 $0x108;
	s8 =	sld [smem:$0x3FAD]  }
0x2e: {  	s3 =	simm.s32 @!p0 $0x1082;
	s9 =	sld [smem:$0x3FAE]  }
0x2f: {  	lr =	sadd.s32 s0, s3;
	s0 =	sld [smem:$0x3FA5]  }
0x30: {  	s3 =	sld [smem:$0x3FA8]  }
0x31: {  	[smem:$0x3FB1] =	sst s10  }
0x32: {  	s10 =	sld [smem:$0x3FAF];
	_ =	sdelay $0x3  }
0x33: {  	p0 =	seq.s32 s10, $0x1;
	s10 =	sld [smem:$0x3FB1];
	_ =	sdelay $0x3  }
0x34: {  	[smem:$0x3FB1] =	sst s10  }
0x35: {  	s10 =	sld [smem:$0x3FB0];
	_ =	sdelay $0x3  }
0x36: {  	p1 =	seq.s32 s10, $0x1;
	s10 =	sld [smem:$0x3FB1];
	_ =	sdelay $0x3  }
0x37: {  	[smem:$0x3FB1] =	sst s10  }
0x38: {  	s10 =	sld [smem:$0x3FB2]  }
0x39: {  	_ = 	snop;
	(pc) =	sbr.ind lr, $3  }
0x3a: {  	_ = 	snop  }
0x3b: {  	_ = 	snop  }
0x3c: {  	p2 =	seq.s32 s10, $0x1;
	s10 =	sld [smem:$0x3FB1]  }
0x3d: {  	_ =	shalt  }
0x3e: {  	_ =	shalt  }
0x3f: {  	_ =	shalt  }
0x40: {  	_ =	shalt  }
0x41: {  	_ =	shalt  }
0x42: {  	_ =	shalt  }
0x43: {  	_ =	shalt  }
0x44: {  	_ =	shalt  }
0x45: {  	_ =	shalt  }
0x46: {  	_ =	shalt  }
0x47: {  	_ =	shalt  }
0x48: {  	_ =	shalt  }
0x49: {  	_ =	shalt  }
0x4a: {  	_ =	shalt  }
0x4b: {  	_ =	shalt  }
0x4c: {  	_ =	shalt  }
0x4d: {  	_ =	shalt  }
0x4e: {  	_ =	shalt  }
0x4f: {  	_ =	shalt  }
0x50: {  	_ =	shalt  }
0x51: {  	_ =	shalt  }
0x52: {  	_ =	shalt  }
0x53: {  	_ =	shalt  }
0x54: {  	_ =	shalt  }
0x55: {  	_ =	shalt  }
0x56: {  	_ =	shalt  }
0x57: {  	_ =	shalt  }
0x58: {  	_ =	shalt  }
0x59: {  	_ =	shalt  }
0x5a: {  	_ =	shalt  }
0x5b: {  	_ =	shalt  }
0x5c: {  	_ =	shalt  }
0x5d: {  	_ =	shalt  }
0x5e: {  	_ =	shalt  }
0x5f: {  	_ =	shalt  }
0x60: {  	_ =	shalt  }
0x61: {  	_ =	shalt  }
0x62: {  	_ =	shalt  }
0x63: {  	_ =	shalt  }
0x64: {  	_ =	shalt  }
0x65: {  	_ =	shalt  }
0x66: {  	_ =	shalt  }
0x67: {  	_ =	shalt  }
0x68: {  	_ =	shalt  }
0x69: {  	_ =	shalt  }
0x6a: {  	_ =	shalt  }
0x6b: {  	_ =	shalt  }
0x6c: {  	_ =	shalt  }
0x6d: {  	_ =	shalt  }
0x6e: {  	_ =	shalt  }
0x6f: {  	_ =	shalt  }
0x70: {  	_ =	shalt  }
0x71: {  	_ =	shalt  }
0x72: {  	_ =	shalt  }
0x73: {  	_ =	shalt  }
0x74: {  	_ =	shalt  }
0x75: {  	_ =	shalt  }
0x76: {  	_ =	shalt  }
0x77: {  	_ =	shalt  }
0x78: {  	_ =	shalt  }
0x79: {  	_ =	shalt  }
0x7a: {  	_ =	shalt  }
0x7b: {  	_ =	shalt  }
0x7c: {  	_ =	shalt  }
0x7d: {  	_ =	shalt  }
0x7e: {  	_ =	shalt  }
0x7f: {  	_ =	shalt  }
0x80: {  	_ =	shalt  }
0x81: {  	_ =	shalt  }
0x82: {  	_ =	shalt  }
0x83: {  	_ =	shalt  }
0x84: {  	_ =	shalt  }
0x85: {  	_ =	shalt  }
0x86: {  	_ =	shalt  }
0x87: {  	_ =	shalt  }
.Lfunc_end0:
.L_simem_size_0:
called_computation_lowered:
.L_overlay_start_0:
0x88: {  	s2 =	sld [smem:$0x3FD9]  }
0x89: {  	s3 =	sld [smem:$0x3FFE];
	_ =	sdelay $0x1  }
0x8a: {  	s1 =	srdreg.scid  }
0x8b: {  	s0 =	sand.u32 $0x1, s1  }
0x8c: {  	s16 =	sshll.u32 s0, $0xA;
	s2 =	sadd.s32 s3, s2  }
0x8d: {  	s2 =	sadd.s32 s2, s16  }
0x8e: {  	[smem:$0x3FBD] =	sst s2  }
0x8f: {  	_ = 	snop  }
0x90: {  	(tm) =	ssettm $0x1  }
0x91: {  	s17 =	sld [smem:$0x3FFB];
	_ =	sdelay $0x3  }
0x92: {  	_ =	strace s17  }
0x93: {  	s2 =	sld [smem:$0x3FFC];
	_ =	sdelay $0x3  }
0x94: {  	_ =	strace s2  }
0x95: {  	s2 =	sld [smem:$0x3FFD];
	_ =	sdelay $0x3  }
0x96: {  	_ =	strace s2  }
0x97: {  	_ =	strace $0x8FFFFFFF  }
0x98: {  	s18 =	sld [smem:$0x3FDB];
	_ =	sdelay $0x1  }
0x99: {  	s19 =	simm.s32 $_scs_section_size  }
0x9a: {  	s4 =	simm.s32 $_size__tile_overlayer_lowered;
	s5 =	simm.s32 $_tile_overlayer_lowered  }
0x9b: {  	s22 =	simm.s32 $0x1BFF;
	s21 =	sshll.u32 s5, $0x1;
	s2 =	sadd.s32 s19, s18  }
0x9c: {  	s6 =	simm.s32 $0x0;
	s20 =	sshll.u32 s4, $0x1;
	s4 =	sadd.s32 s21, s2  }
0x9d: {  	[timem:s6], [sflag:s22] =	dma.local [hbm:s4], s20  }
0x9e: {  	_ =	swait.ge [sflag:s22], s20  }
0x9f: {  	s3 =	ssub.s32 $0x0, s20;
	[sflag:s22] =	ssyncset.done $0x0  }
0xa0: {  	[sflag:s22] =	ssyncadd.s32 s3;
	_ =	sdelay $0x1  }
0xa1: {  	s23 =	simm.s32 $0x1B8B  }
0xa2: {  	_ =	swait.ge [sflag:s23], $0x1  }
0xa3: {  	[sflag:s23] =	ssyncset.done $0x0  }
0xa4: {  	s25 =	simm.s32 $0x1B8E;
	s24 =	sld [smem:$0x3FFE];
	[sflag:s23] =	ssyncadd.s32 $0xFFFFFFFF  }
0xa5: {  	s26 =	simm.s32 $execute0_lowered;
	[smem:$0x3FD2] =	sst s25  }
0xa6: {  	s4 =	sshll.u32 s26, $0x1;
	_ =	strace $0x80000046;
	[dreg:$0x1] =	wrdreg $0xFFFFFFFF  }
0xa7: {  	s28 =	simm.s32 $_size_execute0_lowered;
	s2 =	sadd.s32 s2, s4;
	[dreg:$0x0] =	wrdreg $0x0  }
0xa8: {  	s4 =	sshll.u32 s28, $0x1;
	[dreg:$0x2] =	wrdreg s2  }
0xa9: {  	[dreg:$0x3] =	wrdreg s4  }
0xaa: {  	[dreg:$0x4] =	wrdreg $0xC0  }
0xab: {  	_ =	task [dreg:s6], $0x5FFFF  }
0xac: {  	[dreg:$0x1] =	wrdreg $0xFFFFFFFF  }
0xad: {  	[dreg:$0x0] =	wrdreg $0x60  }
0xae: {  	[dreg:$0x2] =	wrdreg s24  }
0xaf: {  	[dreg:$0x3] =	wrdreg $0x0  }
0xb0: {  	[dreg:$0x4] =	wrdreg $0x9  }
0xb1: {  	_ =	task.clear_ibuf [dreg:s6], $0x5FFFF;
	_ =	strace $0x90000046  }
0xb2: {  	s29 =	simm.s32 $0x9;
	_ =	strace $0x80000048  }
0xb3: {  	_ =	swait.ge [sflag:s29], $0x1  }
0xb4: {  	[sflag:s29] =	ssyncadd.s32 $0xFFFFFFFF  }
0xb5: {  	_ =	strace $0x90000048  }
0xb6: {  	_ =	sfence  }
0xb7: {  	s30 =	sld [smem:$0x0];
	_ =	sdelay $0x2  }
0xb8: {  	s31 =	sshll.u32 s1, $0xD;
	s1 =	sshrl.u32 s1, $0x2  }
0xb9: {  	s3 =	sand.u32 $0x4000, s31;
	s1 =	sadd.s32 s1, s30  }
0xba: {  	s0 =	sor.u32 s3, s0;
	s1 =	sshll.u32 s1, $0x11  }
0xbb: {  	s0 =	sor.u32 s1, s0  }
0xbc: {  	s0 =	sadd.s32 $0x8F2B, s0  }
0xbd: {  	[sflag:s0] =	ssyncadd.remote.s32 $0x1  }
0xbe: {  	_ =	sfence.sel $0xFFFF  }
0xbf: {  	[dreg:$0x0] =	wrdreg $0xFFFFFFFF;
	(pc) =	sbr.abs _section_cstart, $3  }
0xc0: {  	[dreg:$0x1] =	wrdreg $0xFFFFFFFF  }
0xc1: {  	_ =	task.clear_ibuf [dreg:s6], $0x2FFFF;
	_ =	strace $0x9FFFFFFF  }
0xc2: {  	(tm) =	ssettm $0x7FFFFFFF  }
0xc3: {  	_ =	shalt  }
tec
execute0_lowered:
.L_overlay_start_1:
0x0: {  	(tag) =	ssettag $0x1  }
0x1: {  	s7 =	rddreg [dreg:$0x0]  }
0x2: {  	s2 =	rddreg [dreg:$0x1]  }
0x3: {  	s0 =	rddreg [dreg:$0x2];
	s3 =	simm.s32 $0x0;
	s1 =	stileid.u32  }
0x4: {  	s25 =	srdreg.scid;
	s16 =	simm.s32 $0x6710;
	s17 =	simm.s32 $0x50  }
0x5: {  	s18 =	simm.s32 $0x1;
	s19 =	simm.s32 $0x0;
	[smem:$0x7FF] =	sst s3  }
0x6: {  	s4 =	sshll.u32 s1, $0xB;
	s8 =	smul.u32 $0x13800, s1;
	s10 =	sand.u32 $0x1, s25  }
0x7: {  	s6 =	smul.u32 $0x4E000, s1;
	s12 =	sadd.s32 $0x3CC00, s7;
	s28 =	sshll.u32 s1, $0x6  }
0x8: {  	s15 =	sadd.s32 $0x138000, s2;
	p0 =	sne.s32 s1, $0xF;
	_ =	strace $0x80000047  }
0x9: {  	s9 =	sadd.s32 s4, s7;
	s4 =	sadd.s32 $0x3C600, s7;
	s11 =	ssub.s32 $0x2, s10  }
0xa: {  	s14 =	smul.u32 $0x138800, s10;
	s10 =	sshll.u32 s10, $0xF;
	s5 =	sshrl.u32 s8, $0x3  }
0xb: {  	s13 =	sshrl.u32 s11, $0x1;
	s6 =	sshrl.u32 s6, $0x2;
	s9 =	sadd.s32 s10, s9  }
0xc: {  	s5 =	sadd.s32 s5, s7;
	s11 =	ssub.s32 s11, s13;
	s26 =	sadd.s32 s6, s2  }
0xd: {  	s6 =	sor.u32 $0x1C02, s28;
	s7 =	sadd.s32 $0x3C400, s7;
	s29 =	sadd.s32 s8, s14  }
0xe: {  	s14 =	sshrl.u32 s14, $0x3;
	s8 =	sadd.s32 $0x5400, s9;
	s13 =	simm.s32 $0x2  }
0xf: {  	s5 =	sadd.s32 $0x15400, s5;
	s30 =	sshrl.u32 s29, $0x3;
	s31 =	sadd.s32 s12, s14  }
0x10: {  	s11 =	smax.u32 s11, $0x1;
	s14 =	sshrl.u32 @!p0 s15, $0x3;
	s15 =	simm.s32 $0x2710  }
0x11: {  	s9 =	sadd.s32 s12, s30;
	s10 =	sadd.s32 $0x27000, s31;
	s12 =	sshrl.u32 s26, $0x3  }
.LBB2_1:
0x12: {  	[spmem:s12], [sflag:s6] =	dma.local [hbm:s5], $0x2700  }
0x13: {  	_ =	swait.ge [sflag:s13], $0x2700  }
0x14: {  	[sflag:s13] =	ssyncset.done $0x0  }
0x15: {  	s20 =	simm.s32 @!p0 $0x2;
	[sflag:s13] =	ssyncadd.s32 $0xFFFFD900  }
0x16: {  	[spmem:s14], [sflag:s6] =	dma.local @!p0 [hbm:s7], $0x100  }
0x17: {  	_ =	swait.ge @!p0 [sflag:s20], $0x100  }
0x18: {  	[sflag:s20] =	ssyncset.done @!p0 $0x0  }
0x19: {  	[sflag:s20] =	ssyncadd.s32 @!p0 $0xFFFFFF00  }
0x1a: {  	[tilespmem:s15], [sflag:$0x2] =	stream.linear.gather [hbm4b:s8+s3], $0x3E80, $0x38;
	[tilespmem:$0x8F10] =	vst v63  }
0x1b: {  	_ =	swait.ge [sflag:s13], $0x3E80  }
0x1c: {  	[sflag:s13] =	ssyncset.done $0x0  }
0x1d: {  	[sflag:s13] =	ssyncadd.s32 $0xFFFFC180  }
0x1e: {  	[tilespmem:s16], [sflag:$0x2] =	stream.linear.gather [hbm4b:s4+s3], $0x2800, $0x38;
	[tilespmem:$0x8F10] =	vst v63  }
0x1f: {  	_ =	swait.ge [sflag:s13], $0x2800  }
0x20: {  	[sflag:s13] =	ssyncset.done $0x0  }
0x21: {  	[sflag:s13] =	ssyncadd.s32 $0xFFFFD800  }
0x22: {  	s20 =	simm.s32 $0x0;
	[bflag:$0x0] =	sbarrier.arrive $0xFFFF  }
.LBB2_2:
0x23: {  	p1 =	sne.s32 s20, $0xF800  }
.Ltmp0:
0x24: {  	_ = 	snop;
	(pc) =	sbr.rel @p1 .LBB2_2-.Ltmp0, $4  }
0x25: {  	_ = 	snop  }
0x26: {  	s21 =	sshra.s32 s20, $0x2  }
0x27: {  	s20 =	sadd.s32 $0x200, s20;
	s21 =	sadd.s32 $0x2710, s21  }
0x28: {  	[spmem:s2] =	stream.indirect.scatter.add.f32 [tilespmem:s16], [sflag:$0x1], $0x10, s21, s17, $0xb8;
	[tilespmem:$0x8F10] =	vst v63  }
0x29: {  	_ =	swait.ge [sflag:s18], $0x500  }
0x2a: {  	s20 =	simm.s32 $0x7C;
	[sflag:s18] =	ssyncset.done $0x0  }
.LBB2_4:
0x2b: {  	p1 =	sne.s32 s20, $0x1;
	s20 =	sadd.s32 $0xFFFFFFFF, s20;
	[sflag:s18] =	ssyncadd.s32 $0xFFFFFB00  }
.Ltmp1:
0x2c: {  	(pc) =	sbr.rel @p1 .LBB2_4-.Ltmp1, $3  }
0x2d: {  	_ =	sdelay $0x1  }
0x2e: {  	_ =	swait.ge [sflag:s18], $0x500  }
0x2f: {  	[sflag:s18] =	ssyncset.done $0x0  }
0x30: {  	[sflag:s18] =	ssyncadd.s32 $0xFFFFFB00  }
0x31: {  	[bflag:$0x0] =	sbarrier.arrive $0xFFFF  }
0x32: {  	[hbm:s9], [sflag:s6] =	dma.local [spmem:s12], $0x2700  }
0x33: {  	s19 =	sadd.s32 $0x1, s19;
	_ =	swait.ge [sflag:s13], $0x2700  }
0x34: {  	p1 =	sne.s32 s19, s11;
	[sflag:s13] =	ssyncset.done $0x0  }
.Ltmp2:
0x35: {  	s20 =	simm.s32 @!p0 $0x2;
	[sflag:s13] =	ssyncadd.s32 $0xFFFFD900;
	(pc) =	sbr.rel @p1 .LBB2_1-.Ltmp2, $4  }
0x36: {  	[hbm:s10], [sflag:s6] =	dma.local @!p0 [spmem:s14], $0x100  }
0x37: {  	_ =	swait.ge @!p0 [sflag:s20], $0x100  }
0x38: {  	[sflag:s20] =	ssyncset.done @!p0 $0x0  }
0x39: {  	[sflag:s20] =	ssyncadd.s32 @!p0 $0xFFFFFF00  }
0x3a: {  	_ =	sfence.sel $0x180000  }
0x3b: {  	[bflag:$0x0] =	sbarrier.arrive $0xFFFF  }
0x3c: {  	p0 =	sne.s32 s1, $0x0;
	_ =	strace $0x90000047  }
0x3d: {  	s0 =	sadd.s32 @!p0 $0x100000, s0;
	[bflag:$0x2] =	sbarrier.arrive $0xFFFF  }
0x3e: {  	[sflag:s0] =	ssyncadd.tile.s32 @!p0 $0x1;
	_ =	shalt  }
.Lfunc_end2:
_tile_overlayer_lowered:
.L_overlay_start_2:
0x3f: {  	(tag) =	ssettag $0x2  }
0x40: {  	s0 =	rddreg [dreg:$0x0];
	s2 =	stileid.u32  }
0x41: {  	s1 =	rddreg [dreg:$0x1];
	p0 =	sne.s32 s2, $0x0  }
0x42: {  	s3 =	rddreg [dreg:$0x2];
	[bflag:$0x3] =	sbarrier.arrive $0xFFFF;
	s2 =	simm.s32 @!p0 $0x1C02  }
0x43: {  	[timem:s3], [sflag:s2] =	dma.local @!p0 [hbm:s0], s1  }
0x44: {  	s0 =	simm.s32 @!p0 $0x2  }
0x45: {  	_ =	swait.ge @!p0 [sflag:s0], s1  }
0x46: {  	s1 =	ssub.s32 @!p0 $0x0, s1;
	[sflag:s0] =	ssyncset.done @!p0 $0x0  }
0x47: {  	[sflag:s0] =	ssyncadd.s32 @!p0 s1  }
0x48: {  	[bflag:$0x3] =	sbarrier.arrive $0xFFFF  }
0x49: {  	_ =	shalt  }

// kernel: kernel.13.cloned.1.call-start
scs
__scs_entry_jumppad:
0x0: {  	(pc) =	sbr.rel $0x88, $3  }
0x1: {  	(tag) =	ssettag $0x0;
	lr =	simm.s32 $0x1  }
0x2: {  	[smem:$0x3F96] =	sst lr;
	_ =	strace $0xD0000000  }
0x3: {  	_ = 	snop  }
0x4: {  	_ = 	snop  }
0x5: {  	_ = 	snop  }
0x6: {  	_ = 	snop  }
0x7: {  	_ = 	snop  }
__scs_overlays_trampoline_lowered:
0x8: {  	[smem:$0x3FA5] =	sst s0  }
0x9: {  	[smem:$0x3FA6] =	sst s1  }
0xa: {  	[smem:$0x3FA7] =	sst s2  }
0xb: {  	[smem:$0x3FA8] =	sst s3  }
0xc: {  	[smem:$0x3FA9] =	sst s4  }
0xd: {  	[smem:$0x3FAA] =	sst s5  }
0xe: {  	[smem:$0x3FAB] =	sst s6  }
0xf: {  	[smem:$0x3FAC] =	sst s7  }
0x10: {  	[smem:$0x3FAD] =	sst s8  }
0x11: {  	[smem:$0x3FAE] =	sst s9;
	s0 =	simm.s32 @!p0 $0x0  }
0x12: {  	s1 =	sld [smem:$0x3F94];
	s0 =	simm.s32 @p0 $0x1  }
0x13: {  	[smem:$0x3FAF] =	sst s0;
	s0 =	simm.s32 @!p1 $0x0  }
0x14: {  	s2 =	sld [smem:$0x3F93];
	s0 =	simm.s32 @p1 $0x1  }
0x15: {  	[smem:$0x3FB0] =	sst s0;
	s0 =	simm.s32 @!p2 $0x0  }
0x16: {  	s3 =	sld [smem:$0x3FDB];
	s0 =	simm.s32 @p2 $0x1  }
0x17: {  	s4 =	simm.s32 $0x1BF5;
	[smem:$0x3FB2] =	sst s0  }
0x18: {  	s0 =	sld [smem:$0x3F95];
	_ =	swait.ge [sflag:s4], $0x0  }
0x19: {  	s7 =	sld [smem:$0x3F96]  }
0x1a: {  	s8 =	sadd.s32 $0xFFFFE003, lr  }
0x1b: {  	s9 =	sadd.s32 $0xFFFFFEF7, lr;
	s5 =	simm.s32 $0xFFFFFFFF;
	p2 =	slt.u32 s8, $0xFFFFF086  }
0x1c: {  	p1 =	slt.u32 s9, $0xF7A;
	s5 =	simm.s32 @!p2 $0x0  }
0x1d: {  	s5 =	simm.s32 @p1 $0x1;
	p0 =	seq.s32 s7, s2  }
0x1e: {  	s7 =	smul.u32 @!p0 $0xF7A, s2;
	p2 =	seq.s32 @!p0 s5, $0x0  }
0x1f: {  	s9 =	smul.u32 $0xF7A, s1;
	s8 =	simm.s32 @!p0 $0x1BF5;
	p2 =	por !p2, p0  }
0x20: {  	[sflag:s8] =	ssyncset.s32 @!p0 $0xFFFFF086;
	s6 =	sadd.s32 @!p0 s3, s7;
	s7 =	simm.s32 @!p0 $0x108  }
0x21: {  	s3 =	sadd.s32 s3, s9;
	s6 =	sadd.s32 @!p0 $0x88, s6;
	s7 =	simm.s32 @p2 $0x1082  }
0x22: {  	[simem:s7], [sflag:s8] =	dma.local @!p0 [hbm:s6], $0xF7A  }
0x23: {  	s9 =	sor.u32 $0xD0000000, s2;
	s6 =	simm.s32 $0x108;
	_ =	swait.ge @!p0 [sflag:s8], $0x0  }
0x24: {  	s3 =	sadd.s32 $0x88, s3;
	s6 =	simm.s32 @!p1 $0x1082;
	[sflag:s4] =	ssyncset.s32 $0xFFFFF086  }
0x25: {  	[simem:s6], [sflag:s4] =	dma.local [hbm:s3], $0xF7A  }
0x26: {  	[smem:$0x3F96] =	sst s1;
	(tag) =	ssettag s2;
	_ =	strace s9  }
0x27: {  	s1 =	sld [smem:$0x3FA6]  }
0x28: {  	s2 =	sld [smem:$0x3FA7]  }
0x29: {  	s4 =	sld [smem:$0x3FA9]  }
0x2a: {  	p0 =	seq.s32 s5, $0x0;
	s5 =	sld [smem:$0x3FAA]  }
0x2b: {  	s6 =	sld [smem:$0x3FAB]  }
0x2c: {  	s7 =	sld [smem:$0x3FAC]  }
0x2d: {  	s3 =	simm.s32 $0x108;
	s8 =	sld [smem:$0x3FAD]  }
0x2e: {  	s3 =	simm.s32 @!p0 $0x1082;
	s9 =	sld [smem:$0x3FAE]  }
0x2f: {  	lr =	sadd.s32 s0, s3;
	s0 =	sld [smem:$0x3FA5]  }
0x30: {  	s3 =	sld [smem:$0x3FA8]  }
0x31: {  	[smem:$0x3FB1] =	sst s10  }
0x32: {  	s10 =	sld [smem:$0x3FAF];
	_ =	sdelay $0x3  }
0x33: {  	p0 =	seq.s32 s10, $0x1;
	s10 =	sld [smem:$0x3FB1];
	_ =	sdelay $0x3  }
0x34: {  	[smem:$0x3FB1] =	sst s10  }
0x35: {  	s10 =	sld [smem:$0x3FB0];
	_ =	sdelay $0x3  }
0x36: {  	p1 =	seq.s32 s10, $0x1;
	s10 =	sld [smem:$0x3FB1];
	_ =	sdelay $0x3  }
0x37: {  	[smem:$0x3FB1] =	sst s10  }
0x38: {  	s10 =	sld [smem:$0x3FB2]  }
0x39: {  	_ = 	snop;
	(pc) =	sbr.ind lr, $3  }
0x3a: {  	_ = 	snop  }
0x3b: {  	_ = 	snop  }
0x3c: {  	p2 =	seq.s32 s10, $0x1;
	s10 =	sld [smem:$0x3FB1]  }
0x3d: {  	_ =	shalt  }
0x3e: {  	_ =	shalt  }
0x3f: {  	_ =	shalt  }
0x40: {  	_ =	shalt  }
0x41: {  	_ =	shalt  }
0x42: {  	_ =	shalt  }
0x43: {  	_ =	shalt  }
0x44: {  	_ =	shalt  }
0x45: {  	_ =	shalt  }
0x46: {  	_ =	shalt  }
0x47: {  	_ =	shalt  }
0x48: {  	_ =	shalt  }
0x49: {  	_ =	shalt  }
0x4a: {  	_ =	shalt  }
0x4b: {  	_ =	shalt  }
0x4c: {  	_ =	shalt  }
0x4d: {  	_ =	shalt  }
0x4e: {  	_ =	shalt  }
0x4f: {  	_ =	shalt  }
0x50: {  	_ =	shalt  }
0x51: {  	_ =	shalt  }
0x52: {  	_ =	shalt  }
0x53: {  	_ =	shalt  }
0x54: {  	_ =	shalt  }
0x55: {  	_ =	shalt  }
0x56: {  	_ =	shalt  }
0x57: {  	_ =	shalt  }
0x58: {  	_ =	shalt  }
0x59: {  	_ =	shalt  }
0x5a: {  	_ =	shalt  }
0x5b: {  	_ =	shalt  }
0x5c: {  	_ =	shalt  }
0x5d: {  	_ =	shalt  }
0x5e: {  	_ =	shalt  }
0x5f: {  	_ =	shalt  }
0x60: {  	_ =	shalt  }
0x61: {  	_ =	shalt  }
0x62: {  	_ =	shalt  }
0x63: {  	_ =	shalt  }
0x64: {  	_ =	shalt  }
0x65: {  	_ =	shalt  }
0x66: {  	_ =	shalt  }
0x67: {  	_ =	shalt  }
0x68: {  	_ =	shalt  }
0x69: {  	_ =	shalt  }
0x6a: {  	_ =	shalt  }
0x6b: {  	_ =	shalt  }
0x6c: {  	_ =	shalt  }
0x6d: {  	_ =	shalt  }
0x6e: {  	_ =	shalt  }
0x6f: {  	_ =	shalt  }
0x70: {  	_ =	shalt  }
0x71: {  	_ =	shalt  }
0x72: {  	_ =	shalt  }
0x73: {  	_ =	shalt  }
0x74: {  	_ =	shalt  }
0x75: {  	_ =	shalt  }
0x76: {  	_ =	shalt  }
0x77: {  	_ =	shalt  }
0x78: {  	_ =	shalt  }
0x79: {  	_ =	shalt  }
0x7a: {  	_ =	shalt  }
0x7b: {  	_ =	shalt  }
0x7c: {  	_ =	shalt  }
0x7d: {  	_ =	shalt  }
0x7e: {  	_ =	shalt  }
0x7f: {  	_ =	shalt  }
0x80: {  	_ =	shalt  }
0x81: {  	_ =	shalt  }
0x82: {  	_ =	shalt  }
0x83: {  	_ =	shalt  }
0x84: {  	_ =	shalt  }
0x85: {  	_ =	shalt  }
0x86: {  	_ =	shalt  }
0x87: {  	_ =	shalt  }
.Lfunc_end0:
.L_simem_size_0:
called_computation.1_lowered:
.L_overlay_start_0:
0x88: {  	s2 =	sld [smem:$0x3FD9]  }
0x89: {  	s3 =	sld [smem:$0x3FFE];
	_ =	sdelay $0x1  }
0x8a: {  	s1 =	srdreg.scid  }
0x8b: {  	s0 =	sand.u32 $0x1, s1  }
0x8c: {  	s16 =	sshll.u32 s0, $0xA;
	s2 =	sadd.s32 s3, s2  }
0x8d: {  	s2 =	sadd.s32 s2, s16  }
0x8e: {  	[smem:$0x3FBD] =	sst s2  }
0x8f: {  	_ = 	snop  }
0x90: {  	(tm) =	ssettm $0x1  }
0x91: {  	s17 =	sld [smem:$0x3FFB];
	_ =	sdelay $0x3  }
0x92: {  	_ =	strace s17  }
0x93: {  	s2 =	sld [smem:$0x3FFC];
	_ =	sdelay $0x3  }
0x94: {  	_ =	strace s2  }
0x95: {  	s2 =	sld [smem:$0x3FFD];
	_ =	sdelay $0x3  }
0x96: {  	_ =	strace s2  }
0x97: {  	_ =	strace $0x8FFFFFFF  }
0x98: {  	s18 =	sld [smem:$0x3FDB];
	_ =	sdelay $0x1  }
0x99: {  	s19 =	simm.s32 $_scs_section_size  }
0x9a: {  	s4 =	simm.s32 $_size__tile_overlayer_lowered;
	s5 =	simm.s32 $_tile_overlayer_lowered  }
0x9b: {  	s22 =	simm.s32 $0x1BFF;
	s21 =	sshll.u32 s5, $0x1;
	s2 =	sadd.s32 s19, s18  }
0x9c: {  	s6 =	simm.s32 $0x0;
	s20 =	sshll.u32 s4, $0x1;
	s4 =	sadd.s32 s21, s2  }
0x9d: {  	[timem:s6], [sflag:s22] =	dma.local [hbm:s4], s20  }
0x9e: {  	_ =	swait.ge [sflag:s22], s20  }
0x9f: {  	s3 =	ssub.s32 $0x0, s20;
	[sflag:s22] =	ssyncset.done $0x0  }
0xa0: {  	[sflag:s22] =	ssyncadd.s32 s3;
	_ =	sdelay $0x1  }
0xa1: {  	s23 =	simm.s32 $0x1B8B  }
0xa2: {  	_ =	swait.ge [sflag:s23], $0x1  }
0xa3: {  	[sflag:s23] =	ssyncset.done $0x0  }
0xa4: {  	s25 =	simm.s32 $0x1B8E;
	s24 =	sld [smem:$0x3FFE];
	[sflag:s23] =	ssyncadd.s32 $0xFFFFFFFF  }
0xa5: {  	s26 =	simm.s32 $execute0_lowered;
	[smem:$0x3FD2] =	sst s25  }
0xa6: {  	s4 =	sshll.u32 s26, $0x1;
	_ =	strace $0x80000049;
	[dreg:$0x1] =	wrdreg $0xFFFFFFFF  }
0xa7: {  	s28 =	simm.s32 $_size_execute0_lowered;
	s2 =	sadd.s32 s2, s4;
	[dreg:$0x0] =	wrdreg $0x0  }
0xa8: {  	s4 =	sshll.u32 s28, $0x1;
	[dreg:$0x2] =	wrdreg s2  }
0xa9: {  	[dreg:$0x3] =	wrdreg s4  }
0xaa: {  	[dreg:$0x4] =	wrdreg $0xC0  }
0xab: {  	_ =	task [dreg:s6], $0x5FFFF  }
0xac: {  	[dreg:$0x1] =	wrdreg $0xFFFFFFFF  }
0xad: {  	[dreg:$0x0] =	wrdreg $0x60  }
0xae: {  	[dreg:$0x2] =	wrdreg s24  }
0xaf: {  	[dreg:$0x3] =	wrdreg $0x0  }
0xb0: {  	[dreg:$0x4] =	wrdreg $0x9  }
0xb1: {  	_ =	task.clear_ibuf [dreg:s6], $0x5FFFF;
	_ =	strace $0x90000049  }
0xb2: {  	s29 =	simm.s32 $0x9;
	_ =	strace $0x8000004B  }
0xb3: {  	_ =	swait.ge [sflag:s29], $0x1  }
0xb4: {  	[sflag:s29] =	ssyncadd.s32 $0xFFFFFFFF  }
0xb5: {  	_ =	strace $0x9000004B  }
0xb6: {  	_ =	sfence  }
0xb7: {  	s30 =	sld [smem:$0x0];
	_ =	sdelay $0x2  }
0xb8: {  	s31 =	sshll.u32 s1, $0xD;
	s1 =	sshrl.u32 s1, $0x2  }
0xb9: {  	s3 =	sand.u32 $0x4000, s31;
	s1 =	sadd.s32 s1, s30  }
0xba: {  	s0 =	sor.u32 s3, s0;
	s1 =	sshll.u32 s1, $0x11  }
0xbb: {  	s0 =	sor.u32 s1, s0  }
0xbc: {  	s0 =	sadd.s32 $0x8F2B, s0  }
0xbd: {  	[sflag:s0] =	ssyncadd.remote.s32 $0x1  }
0xbe: {  	_ =	sfence.sel $0xFFFF  }
0xbf: {  	[dreg:$0x0] =	wrdreg $0xFFFFFFFF;
	(pc) =	sbr.abs _section_cstart, $3  }
0xc0: {  	[dreg:$0x1] =	wrdreg $0xFFFFFFFF  }
0xc1: {  	_ =	task.clear_ibuf [dreg:s6], $0x2FFFF;
	_ =	strace $0x9FFFFFFF  }
0xc2: {  	(tm) =	ssettm $0x7FFFFFFF  }
0xc3: {  	_ =	shalt  }
tec
execute0_lowered:
.L_overlay_start_1:
0x0: {  	(tag) =	ssettag $0x1  }
0x1: {  	s0 =	rddreg [dreg:$0x0]  }
0x2: {  	s2 =	rddreg [dreg:$0x1];
	s3 =	simm.s32 $0x0  }
0x3: {  	s18 =	stileid.u32;
	s6 =	srdreg.scid;
	s28 =	simm.s32 $0x3  }
0x4: {  	s29 =	simm.s32 $0x13900;
	s30 =	simm.s32 $0x4;
	s31 =	simm.s32 $0x13A00  }
0x5: {  	[smem:$0x7FF] =	sst s3;
	s1 =	smul.u32 $0x13800, s18;
	s4 =	sadd.s32 $0x53800, s0  }
0x6: {  	s5 =	sadd.s32 $0x8AE00, s0;
	s6 =	sand.u32 $0x1, s6;
	s9 =	smul.u32 $0x4E000, s18  }
0x7: {  	s11 =	sadd.s32 $0xD1400, s0;
	s21 =	sshll.u32 s18, $0x6;
	s19 =	sadd.s32 $0x138000, s2  }
0x8: {  	s24 =	smul.u32 $0x7D00, s18;
	p0 =	sne.s32 s18, $0xF;
	_ =	strace $0x8000004A  }
0x9: {  	s8 =	ssub.s32 $0x2, s6;
	s12 =	sshll.u32 s6, $0x4;
	s22 =	smul.u32 $0x138800, s6  }
0xa: {  	s6 =	smul.u32 $0x7D000, s6;
	s19 =	sshrl.u32 @!p0 s19, $0x3;
	s7 =	sshrl.u32 s1, $0x3  }
0xb: {  	s10 =	sshrl.u32 s8, $0x1;
	s20 =	sor.u32 s18, s12;
	s9 =	sshrl.u32 s9, $0x2  }
0xc: {  	s18 =	simm.s32 $0x5;
	s7 =	sadd.s32 s7, s0;
	s8 =	ssub.s32 s8, s10  }
0xd: {  	s17 =	sadd.s32 s9, s2;
	s10 =	smul.u32 $0x7D00, s20;
	s0 =	sadd.s32 $0xD1200, s0  }
0xe: {  	s1 =	sadd.s32 s1, s22;
	s12 =	sshrl.u32 s22, $0x3;
	s20 =	simm.s32 $0x13880  }
0xf: {  	s22 =	simm.s32 $0x1;
	s7 =	sadd.s32 $0xAA200, s7;
	[dreg:$0x4] =	wrdreg s0  }
0x10: {  	s1 =	sshrl.u32 s1, $0x3;
	s12 =	sadd.s32 s11, s12;
	s0 =	sadd.s32 s24, s6  }
0x11: {  	s13 =	smax.u32 s8, $0x1;
	s17 =	sshrl.u32 s17, $0x3;
	s24 =	simm.s32 $0x13A80  }
0x12: {  	[dreg:$0x3] =	wrdreg s7;
	s7 =	sor.u32 $0x1C05, s21;
	s23 =	sshrl.u32 s10, $0x3  }
0x13: {  	s11 =	sadd.s32 s11, s1;
	s12 =	sadd.s32 $0x27000, s12;
	s26 =	sadd.s32 $0x300, s0  }
0x14: {  	s16 =	sadd.s32 $0x200, s0;
	s21 =	simm.s32 $0x13980;
	s0 =	simm.s32 $0x0  }
0x15: {  	s9 =	sadd.s32 s5, s23;
	s1 =	sshrl.u32 s26, $0x3;
	s23 =	simm.s32 $0x50  }
0x16: {  	s26 =	simm.s32 $0x16280;
	s25 =	sadd.s32 $0x20, s9;
	s14 =	sadd.s32 $0xF80, s9  }
0x17: {  	s15 =	sadd.s32 s1, s5;
	[dreg:$0x5] =	wrdreg s25;
	s25 =	simm.s32 $0x2  }
.LBB2_1:
0x18: {  	s1 =	rddreg [dreg:$0x3]  }
0x19: {  	[spmem:s17], [sflag:s7] =	dma.local [hbm:s1], $0x2700  }
0x1a: {  	_ =	swait.ge [sflag:s18], $0x2700  }
0x1b: {  	[sflag:s18] =	ssyncset.done $0x0  }
0x1c: {  	s1 =	rddreg [dreg:$0x4];
	[sflag:s18] =	ssyncadd.s32 $0xFFFFD900  }
0x1d: {  	[spmem:s19], [sflag:s7] =	dma.local @!p0 [hbm:s1], $0x100  }
0x1e: {  	s1 =	simm.s32 @!p0 $0x5  }
0x1f: {  	_ =	swait.ge @!p0 [sflag:s1], $0x100  }
0x20: {  	[sflag:s1] =	ssyncset.done @!p0 $0x0  }
0x21: {  	[sflag:s1] =	ssyncadd.s32 @!p0 $0xFFFFFF00  }
0x22: {  	[tilespmem:s20], [sflag:$0x1] =	stream.linear.gather [hbm4b:s9+s3], $0x100, $0x38;
	[tilespmem:$0x18A80] =	vst v63  }
0x23: {  	s8 =	rddreg [dreg:$0x5]  }
0x24: {  	[tilespmem:s21], [sflag:$0x2] =	stream.linear.gather [hbm4b:s8+s3], $0x100, $0x38;
	[tilespmem:$0x18A80] =	vst v63  }
0x25: {  	[bflag:$0x0] =	sbarrier.arrive $0xFFFF  }
0x26: {  	_ =	swait.ge [sflag:s22], $0x100  }
0x27: {  	[sflag:s22] =	ssyncset.done $0x0  }
0x28: {  	[sflag:s22] =	ssyncadd.s32 $0xFFFFFF00  }
0x29: {  	[tilespmem:s24], [sflag:$0x3] =	stream.indirect.gather [hbm4b:s4+s23], $0x80, s20, s23, $0xb8;
	[tilespmem:$0x18A80] =	vst v63  }
0x2a: {  	_ =	swait.ge [sflag:s25], $0x100  }
0x2b: {  	[sflag:s25] =	ssyncset.done $0x0  }
0x2c: {  	[sflag:s25] =	ssyncadd.s32 $0xFFFFFF00  }
0x2d: {  	[tilespmem:s26], [sflag:$0x4] =	stream.indirect.gather [hbm4b:s4+s23], $0x80, s21, s23, $0xb8;
	[tilespmem:$0x18A80] =	vst v63  }
0x2e: {  	_ =	swait.ge [sflag:s28], $0x2800  }
0x2f: {  	[sflag:s28] =	ssyncset.done $0x0  }
0x30: {  	[sflag:s28] =	ssyncadd.s32 $0xFFFFD800  }
0x31: {  	[spmem:s2] =	stream.indirect.scatter.add.f32 [tilespmem:s24], [sflag:$0x5], $0x80, s29, s23, $0xb8;
	[tilespmem:$0x18A80] =	vst v63  }
0x32: {  	_ =	swait.ge [sflag:s18], $0x2800  }
0x33: {  	s10 =	sshrl.u32 s16, $0x3;
	[sflag:s18] =	ssyncset.done $0x0  }
0x34: {  	s1 =	sadd.s32 s5, s10;
	[sflag:s18] =	ssyncadd.s32 $0xFFFFD800  }
0x35: {  	[tilespmem:s20], [sflag:$0x1] =	stream.linear.gather [hbm4b:s1+s3], $0x100, $0x38;
	[tilespmem:$0x18A80] =	vst v63  }
0x36: {  	_ =	swait.ge [sflag:s22], $0x100  }
0x37: {  	[sflag:s22] =	ssyncset.done $0x0  }
0x38: {  	[sflag:s22] =	ssyncadd.s32 $0xFFFFFF00  }
0x39: {  	[tilespmem:s24], [sflag:$0x3] =	stream.indirect.gather [hbm4b:s4+s23], $0x80, s20, s23, $0xb8;
	[tilespmem:$0x18A80] =	vst v63  }
0x3a: {  	_ =	swait.ge [sflag:s30], $0x2800  }
0x3b: {  	[sflag:s30] =	ssyncset.done $0x0  }
0x3c: {  	[sflag:s30] =	ssyncadd.s32 $0xFFFFD800  }
0x3d: {  	[spmem:s2] =	stream.indirect.scatter.add.f32 [tilespmem:s26], [sflag:$0x5], $0x80, s31, s23, $0xb8;
	[tilespmem:$0x18A80] =	vst v63  }
0x3e: {  	_ =	swait.ge [sflag:s18], $0x2800  }
0x3f: {  	s6 =	sadd.s32 $0x200, s16;
	[sflag:s18] =	ssyncset.done $0x0  }
0x40: {  	s8 =	sadd.s32 $0x0, s15;
	s1 =	simm.s32 $0x40;
	[sflag:s18] =	ssyncadd.s32 $0xFFFFD800  }
.LBB2_2:
0x41: {  	[tilespmem:s21], [sflag:$0x2] =	stream.linear.gather [hbm4b:s8+s3], $0x100, $0x38;
	[tilespmem:$0x18A80] =	vst v63  }
0x42: {  	s8 =	smov.u32 s1  }
0x43: {  	p1 =	sne.s32 s1, $0xF00;
	s1 =	sadd.s32 $0x40, s1;
	_ =	swait.ge [sflag:s25], $0x100  }
0x44: {  	[sflag:s25] =	ssyncset.done $0x0  }
0x45: {  	[sflag:s25] =	ssyncadd.s32 $0xFFFFFF00  }
0x46: {  	[tilespmem:s26], [sflag:$0x4] =	stream.indirect.gather [hbm4b:s4+s23], $0x80, s21, s23, $0xb8;
	[tilespmem:$0x18A80] =	vst v63  }
0x47: {  	_ =	swait.ge [sflag:s28], $0x2800  }
0x48: {  	[sflag:s28] =	ssyncset.done $0x0  }
0x49: {  	[sflag:s28] =	ssyncadd.s32 $0xFFFFD800  }
0x4a: {  	[spmem:s2] =	stream.indirect.scatter.add.f32 [tilespmem:s24], [sflag:$0x5], $0x80, s29, s23, $0xb8;
	[tilespmem:$0x18A80] =	vst v63  }
0x4b: {  	_ =	swait.ge [sflag:s18], $0x2800  }
0x4c: {  	s10 =	sshrl.u32 s6, $0x3;
	[sflag:s18] =	ssyncset.done $0x0  }
0x4d: {  	s10 =	sadd.s32 s5, s10;
	[sflag:s18] =	ssyncadd.s32 $0xFFFFD800  }
0x4e: {  	[tilespmem:s20], [sflag:$0x1] =	stream.linear.gather [hbm4b:s10+s3], $0x100, $0x38;
	[tilespmem:$0x18A80] =	vst v63  }
0x4f: {  	_ =	swait.ge [sflag:s22], $0x100  }
0x50: {  	[sflag:s22] =	ssyncset.done $0x0  }
0x51: {  	[sflag:s22] =	ssyncadd.s32 $0xFFFFFF00  }
0x52: {  	[tilespmem:s24], [sflag:$0x3] =	stream.indirect.gather [hbm4b:s4+s23], $0x80, s20, s23, $0xb8;
	[tilespmem:$0x18A80] =	vst v63  }
0x53: {  	_ =	swait.ge [sflag:s30], $0x2800  }
0x54: {  	[sflag:s30] =	ssyncset.done $0x0  }
.Ltmp0:
0x55: {  	[sflag:s30] =	ssyncadd.s32 $0xFFFFD800;
	(pc) =	sbr.rel @p1 .LBB2_2-.Ltmp0, $4  }
0x56: {  	[spmem:s2] =	stream.indirect.scatter.add.f32 [tilespmem:s26], [sflag:$0x5], $0x80, s31, s23, $0xb8;
	[tilespmem:$0x18A80] =	vst v63  }
0x57: {  	_ =	swait.ge [sflag:s18], $0x2800  }
0x58: {  	[sflag:s18] =	ssyncset.done $0x0  }
0x59: {  	s6 =	sadd.s32 $0x200, s6;
	s8 =	sadd.s32 s8, s15;
	[sflag:s18] =	ssyncadd.s32 $0xFFFFD800  }
0x5a: {  	[tilespmem:s21], [sflag:$0x2] =	stream.linear.gather [hbm4b:s8+s3], $0x100, $0x38;
	[tilespmem:$0x18A80] =	vst v63  }
0x5b: {  	_ =	swait.ge [sflag:s25], $0x100  }
0x5c: {  	[sflag:s25] =	ssyncset.done $0x0  }
0x5d: {  	[sflag:s25] =	ssyncadd.s32 $0xFFFFFF00  }
0x5e: {  	[tilespmem:s26], [sflag:$0x4] =	stream.indirect.gather [hbm4b:s4+s23], $0x80, s21, s23, $0xb8;
	[tilespmem:$0x18A80] =	vst v63  }
0x5f: {  	_ =	swait.ge [sflag:s28], $0x2800  }
0x60: {  	[sflag:s28] =	ssyncset.done $0x0  }
0x61: {  	[sflag:s28] =	ssyncadd.s32 $0xFFFFD800  }
0x62: {  	[spmem:s2] =	stream.indirect.scatter.add.f32 [tilespmem:s24], [sflag:$0x5], $0x80, s29, s23, $0xb8;
	[tilespmem:$0x18A80] =	vst v63  }
0x63: {  	_ =	swait.ge [sflag:s18], $0x2800  }
0x64: {  	[sflag:s18] =	ssyncset.done $0x0  }
0x65: {  	[sflag:s18] =	ssyncadd.s32 $0xFFFFD800  }
0x66: {  	[tilespmem:s20], [sflag:$0x1] =	stream.linear.gather [hbm4b:s14+s3], $0x100, $0x38;
	[tilespmem:$0x18A80] =	vst v63  }
0x67: {  	_ =	swait.ge [sflag:s22], $0x100  }
0x68: {  	[sflag:s22] =	ssyncset.done $0x0  }
0x69: {  	[sflag:s22] =	ssyncadd.s32 $0xFFFFFF00  }
0x6a: {  	[tilespmem:s24], [sflag:$0x3] =	stream.indirect.gather [hbm4b:s4+s23], $0x80, s20, s23, $0xb8;
	[tilespmem:$0x18A80] =	vst v63  }
0x6b: {  	_ =	swait.ge [sflag:s30], $0x2800  }
0x6c: {  	[sflag:s30] =	ssyncset.done $0x0  }
0x6d: {  	[sflag:s30] =	ssyncadd.s32 $0xFFFFD800  }
0x6e: {  	[spmem:s2] =	stream.indirect.scatter.add.f32 [tilespmem:s26], [sflag:$0x5], $0x80, s31, s23, $0xb8;
	[tilespmem:$0x18A80] =	vst v63  }
0x6f: {  	_ =	swait.ge [sflag:s18], $0x2800  }
0x70: {  	[sflag:s18] =	ssyncset.done $0x0  }
0x71: {  	[sflag:s18] =	ssyncadd.s32 $0xFFFFD800  }
0x72: {  	_ =	swait.ge [sflag:s28], $0x2800  }
0x73: {  	[sflag:s28] =	ssyncset.done $0x0  }
0x74: {  	[sflag:s28] =	ssyncadd.s32 $0xFFFFD800  }
0x75: {  	[spmem:s2] =	stream.indirect.scatter.add.f32 [tilespmem:s24], [sflag:$0x5], $0x80, s29, s23, $0xb8;
	[tilespmem:$0x18A80] =	vst v63  }
0x76: {  	_ =	swait.ge [sflag:s18], $0x2800  }
0x77: {  	[sflag:s18] =	ssyncset.done $0x0  }
0x78: {  	[sflag:s18] =	ssyncadd.s32 $0xFFFFD800  }
0x79: {  	[bflag:$0x0] =	sbarrier.arrive $0xFFFF  }
0x7a: {  	[hbm:s11], [sflag:s7] =	dma.local [spmem:s17], $0x2700  }
0x7b: {  	s0 =	sadd.s32 $0x1, s0;
	_ =	swait.ge [sflag:s18], $0x2700  }
0x7c: {  	p1 =	sne.s32 s0, s13;
	[sflag:s18] =	ssyncset.done $0x0  }
.Ltmp1:
0x7d: {  	s1 =	simm.s32 @!p0 $0x5;
	[sflag:s18] =	ssyncadd.s32 $0xFFFFD900;
	(pc) =	sbr.rel @p1 .LBB2_1-.Ltmp1, $4  }
0x7e: {  	[hbm:s12], [sflag:s7] =	dma.local @!p0 [spmem:s19], $0x100  }
0x7f: {  	_ =	swait.ge @!p0 [sflag:s1], $0x100  }
0x80: {  	[sflag:s1] =	ssyncset.done @!p0 $0x0  }
0x81: {  	[sflag:s1] =	ssyncadd.s32 @!p0 $0xFFFFFF00  }
0x82: {  	_ =	sfence.sel $0x180000  }
0x83: {  	[bflag:$0x0] =	sbarrier.arrive $0xFFFF  }
0x84: {  	_ =	strace $0x9000004A  }
0x85: {  	s0 =	stileid.u32;
	[bflag:$0x2] =	sbarrier.arrive $0xFFFF  }
0x86: {  	p0 =	sne.s32 s0, $0x0;
	s0 =	rddreg [dreg:$0x2]  }
0x87: {  	s0 =	sadd.s32 @!p0 $0x100000, s0  }
0x88: {  	[sflag:s0] =	ssyncadd.tile.s32 @!p0 $0x1;
	_ =	shalt  }
.Lfunc_end2:
_tile_overlayer_lowered:
.L_overlay_start_2:
0x89: {  	(tag) =	ssettag $0x2  }
0x8a: {  	s0 =	rddreg [dreg:$0x0];
	s2 =	stileid.u32  }
0x8b: {  	s1 =	rddreg [dreg:$0x1];
	p0 =	sne.s32 s2, $0x0  }
0x8c: {  	s3 =	rddreg [dreg:$0x2];
	[bflag:$0x3] =	sbarrier.arrive $0xFFFF;
	s2 =	simm.s32 @!p0 $0x1C05  }
0x8d: {  	[timem:s3], [sflag:s2] =	dma.local @!p0 [hbm:s0], s1  }
0x8e: {  	s0 =	simm.s32 @!p0 $0x5  }
0x8f: {  	_ =	swait.ge @!p0 [sflag:s0], s1  }
0x90: {  	s1 =	ssub.s32 @!p0 $0x0, s1;
	[sflag:s0] =	ssyncset.done @!p0 $0x0  }
0x91: {  	[sflag:s0] =	ssyncadd.s32 @!p0 s1  }
0x92: {  	[bflag:$0x3] =	sbarrier.arrive $0xFFFF  }
0x93: {  	_ =	shalt  }

// kernel: kernel.16.cloned.1.call-start
scs
__scs_entry_jumppad:
0x0: {  	(pc) =	sbr.rel $0x88, $3  }
0x1: {  	(tag) =	ssettag $0x0;
	lr =	simm.s32 $0x1  }
0x2: {  	[smem:$0x3F96] =	sst lr;
	_ =	strace $0xD0000000  }
0x3: {  	_ = 	snop  }
0x4: {  	_ = 	snop  }
0x5: {  	_ = 	snop  }
0x6: {  	_ = 	snop  }
0x7: {  	_ = 	snop  }
__scs_overlays_trampoline_lowered:
0x8: {  	[smem:$0x3FA5] =	sst s0  }
0x9: {  	[smem:$0x3FA6] =	sst s1  }
0xa: {  	[smem:$0x3FA7] =	sst s2  }
0xb: {  	[smem:$0x3FA8] =	sst s3  }
0xc: {  	[smem:$0x3FA9] =	sst s4  }
0xd: {  	[smem:$0x3FAA] =	sst s5  }
0xe: {  	[smem:$0x3FAB] =	sst s6  }
0xf: {  	[smem:$0x3FAC] =	sst s7  }
0x10: {  	[smem:$0x3FAD] =	sst s8  }
0x11: {  	[smem:$0x3FAE] =	sst s9;
	s0 =	simm.s32 @!p0 $0x0  }
0x12: {  	s1 =	sld [smem:$0x3F94];
	s0 =	simm.s32 @p0 $0x1  }
0x13: {  	[smem:$0x3FAF] =	sst s0;
	s0 =	simm.s32 @!p1 $0x0  }
0x14: {  	s2 =	sld [smem:$0x3F93];
	s0 =	simm.s32 @p1 $0x1  }
0x15: {  	[smem:$0x3FB0] =	sst s0;
	s0 =	simm.s32 @!p2 $0x0  }
0x16: {  	s3 =	sld [smem:$0x3FDB];
	s0 =	simm.s32 @p2 $0x1  }
0x17: {  	s4 =	simm.s32 $0x1BF5;
	[smem:$0x3FB2] =	sst s0  }
0x18: {  	s0 =	sld [smem:$0x3F95];
	_ =	swait.ge [sflag:s4], $0x0  }
0x19: {  	s7 =	sld [smem:$0x3F96]  }
0x1a: {  	s8 =	sadd.s32 $0xFFFFE003, lr  }
0x1b: {  	s9 =	sadd.s32 $0xFFFFFEF7, lr;
	s5 =	simm.s32 $0xFFFFFFFF;
	p2 =	slt.u32 s8, $0xFFFFF086  }
0x1c: {  	p1 =	slt.u32 s9, $0xF7A;
	s5 =	simm.s32 @!p2 $0x0  }
0x1d: {  	s5 =	simm.s32 @p1 $0x1;
	p0 =	seq.s32 s7, s2  }
0x1e: {  	s7 =	smul.u32 @!p0 $0xF7A, s2;
	p2 =	seq.s32 @!p0 s5, $0x0  }
0x1f: {  	s9 =	smul.u32 $0xF7A, s1;
	s8 =	simm.s32 @!p0 $0x1BF5;
	p2 =	por !p2, p0  }
0x20: {  	[sflag:s8] =	ssyncset.s32 @!p0 $0xFFFFF086;
	s6 =	sadd.s32 @!p0 s3, s7;
	s7 =	simm.s32 @!p0 $0x108  }
0x21: {  	s3 =	sadd.s32 s3, s9;
	s6 =	sadd.s32 @!p0 $0x88, s6;
	s7 =	simm.s32 @p2 $0x1082  }
0x22: {  	[simem:s7], [sflag:s8] =	dma.local @!p0 [hbm:s6], $0xF7A  }
0x23: {  	s9 =	sor.u32 $0xD0000000, s2;
	s6 =	simm.s32 $0x108;
	_ =	swait.ge @!p0 [sflag:s8], $0x0  }
0x24: {  	s3 =	sadd.s32 $0x88, s3;
	s6 =	simm.s32 @!p1 $0x1082;
	[sflag:s4] =	ssyncset.s32 $0xFFFFF086  }
0x25: {  	[simem:s6], [sflag:s4] =	dma.local [hbm:s3], $0xF7A  }
0x26: {  	[smem:$0x3F96] =	sst s1;
	(tag) =	ssettag s2;
	_ =	strace s9  }
0x27: {  	s1 =	sld [smem:$0x3FA6]  }
0x28: {  	s2 =	sld [smem:$0x3FA7]  }
0x29: {  	s4 =	sld [smem:$0x3FA9]  }
0x2a: {  	p0 =	seq.s32 s5, $0x0;
	s5 =	sld [smem:$0x3FAA]  }
0x2b: {  	s6 =	sld [smem:$0x3FAB]  }
0x2c: {  	s7 =	sld [smem:$0x3FAC]  }
0x2d: {  	s3 =	simm.s32 $0x108;
	s8 =	sld [smem:$0x3FAD]  }
0x2e: {  	s3 =	simm.s32 @!p0 $0x1082;
	s9 =	sld [smem:$0x3FAE]  }
0x2f: {  	lr =	sadd.s32 s0, s3;
	s0 =	sld [smem:$0x3FA5]  }
0x30: {  	s3 =	sld [smem:$0x3FA8]  }
0x31: {  	[smem:$0x3FB1] =	sst s10  }
0x32: {  	s10 =	sld [smem:$0x3FAF];
	_ =	sdelay $0x3  }
0x33: {  	p0 =	seq.s32 s10, $0x1;
	s10 =	sld [smem:$0x3FB1];
	_ =	sdelay $0x3  }
0x34: {  	[smem:$0x3FB1] =	sst s10  }
0x35: {  	s10 =	sld [smem:$0x3FB0];
	_ =	sdelay $0x3  }
0x36: {  	p1 =	seq.s32 s10, $0x1;
	s10 =	sld [smem:$0x3FB1];
	_ =	sdelay $0x3  }
0x37: {  	[smem:$0x3FB1] =	sst s10  }
0x38: {  	s10 =	sld [smem:$0x3FB2]  }
0x39: {  	_ = 	snop;
	(pc) =	sbr.ind lr, $3  }
0x3a: {  	_ = 	snop  }
0x3b: {  	_ = 	snop  }
0x3c: {  	p2 =	seq.s32 s10, $0x1;
	s10 =	sld [smem:$0x3FB1]  }
0x3d: {  	_ =	shalt  }
0x3e: {  	_ =	shalt  }
0x3f: {  	_ =	shalt  }
0x40: {  	_ =	shalt  }
0x41: {  	_ =	shalt  }
0x42: {  	_ =	shalt  }
0x43: {  	_ =	shalt  }
0x44: {  	_ =	shalt  }
0x45: {  	_ =	shalt  }
0x46: {  	_ =	shalt  }
0x47: {  	_ =	shalt  }
0x48: {  	_ =	shalt  }
0x49: {  	_ =	shalt  }
0x4a: {  	_ =	shalt  }
0x4b: {  	_ =	shalt  }
0x4c: {  	_ =	shalt  }
0x4d: {  	_ =	shalt  }
0x4e: {  	_ =	shalt  }
0x4f: {  	_ =	shalt  }
0x50: {  	_ =	shalt  }
0x51: {  	_ =	shalt  }
0x52: {  	_ =	shalt  }
0x53: {  	_ =	shalt  }
0x54: {  	_ =	shalt  }
0x55: {  	_ =	shalt  }
0x56: {  	_ =	shalt  }
0x57: {  	_ =	shalt  }
0x58: {  	_ =	shalt  }
0x59: {  	_ =	shalt  }
0x5a: {  	_ =	shalt  }
0x5b: {  	_ =	shalt  }
0x5c: {  	_ =	shalt  }
0x5d: {  	_ =	shalt  }
0x5e: {  	_ =	shalt  }
0x5f: {  	_ =	shalt  }
0x60: {  	_ =	shalt  }
0x61: {  	_ =	shalt  }
0x62: {  	_ =	shalt  }
0x63: {  	_ =	shalt  }
0x64: {  	_ =	shalt  }
0x65: {  	_ =	shalt  }
0x66: {  	_ =	shalt  }
0x67: {  	_ =	shalt  }
0x68: {  	_ =	shalt  }
0x69: {  	_ =	shalt  }
0x6a: {  	_ =	shalt  }
0x6b: {  	_ =	shalt  }
0x6c: {  	_ =	shalt  }
0x6d: {  	_ =	shalt  }
0x6e: {  	_ =	shalt  }
0x6f: {  	_ =	shalt  }
0x70: {  	_ =	shalt  }
0x71: {  	_ =	shalt  }
0x72: {  	_ =	shalt  }
0x73: {  	_ =	shalt  }
0x74: {  	_ =	shalt  }
0x75: {  	_ =	shalt  }
0x76: {  	_ =	shalt  }
0x77: {  	_ =	shalt  }
0x78: {  	_ =	shalt  }
0x79: {  	_ =	shalt  }
0x7a: {  	_ =	shalt  }
0x7b: {  	_ =	shalt  }
0x7c: {  	_ =	shalt  }
0x7d: {  	_ =	shalt  }
0x7e: {  	_ =	shalt  }
0x7f: {  	_ =	shalt  }
0x80: {  	_ =	shalt  }
0x81: {  	_ =	shalt  }
0x82: {  	_ =	shalt  }
0x83: {  	_ =	shalt  }
0x84: {  	_ =	shalt  }
0x85: {  	_ =	shalt  }
0x86: {  	_ =	shalt  }
0x87: {  	_ =	shalt  }
.Lfunc_end0:
.L_simem_size_0:
called_computation.2_lowered:
.L_overlay_start_0:
0x88: {  	s2 =	sld [smem:$0x3FD9]  }
0x89: {  	s3 =	sld [smem:$0x3FFE];
	_ =	sdelay $0x1  }
0x8a: {  	s1 =	srdreg.scid  }
0x8b: {  	s0 =	sand.u32 $0x1, s1  }
0x8c: {  	s16 =	sshll.u32 s0, $0xA;
	s2 =	sadd.s32 s3, s2  }
0x8d: {  	s2 =	sadd.s32 s2, s16  }
0x8e: {  	[smem:$0x3FBD] =	sst s2  }
0x8f: {  	_ = 	snop  }
0x90: {  	(tm) =	ssettm $0x1  }
0x91: {  	s17 =	sld [smem:$0x3FFB];
	_ =	sdelay $0x3  }
0x92: {  	_ =	strace s17  }
0x93: {  	s2 =	sld [smem:$0x3FFC];
	_ =	sdelay $0x3  }
0x94: {  	_ =	strace s2  }
0x95: {  	s2 =	sld [smem:$0x3FFD];
	_ =	sdelay $0x3  }
0x96: {  	_ =	strace s2  }
0x97: {  	_ =	strace $0x8FFFFFFF  }
0x98: {  	s18 =	sld [smem:$0x3FDB];
	_ =	sdelay $0x1  }
0x99: {  	s19 =	simm.s32 $_scs_section_size  }
0x9a: {  	s4 =	simm.s32 $_size__tile_overlayer_lowered;
	s5 =	simm.s32 $_tile_overlayer_lowered  }
0x9b: {  	s22 =	simm.s32 $0x1BFF;
	s21 =	sshll.u32 s5, $0x1;
	s2 =	sadd.s32 s19, s18  }
0x9c: {  	s6 =	simm.s32 $0x0;
	s20 =	sshll.u32 s4, $0x1;
	s4 =	sadd.s32 s21, s2  }
0x9d: {  	[timem:s6], [sflag:s22] =	dma.local [hbm:s4], s20  }
0x9e: {  	_ =	swait.ge [sflag:s22], s20  }
0x9f: {  	s3 =	ssub.s32 $0x0, s20;
	[sflag:s22] =	ssyncset.done $0x0  }
0xa0: {  	[sflag:s22] =	ssyncadd.s32 s3;
	_ =	sdelay $0x1  }
0xa1: {  	s23 =	simm.s32 $0x1B8B  }
0xa2: {  	_ =	swait.ge [sflag:s23], $0x1  }
0xa3: {  	[sflag:s23] =	ssyncset.done $0x0  }
0xa4: {  	s25 =	simm.s32 $0x1B8E;
	s24 =	sld [smem:$0x3FFE];
	[sflag:s23] =	ssyncadd.s32 $0xFFFFFFFF  }
0xa5: {  	s26 =	simm.s32 $execute0_lowered;
	[smem:$0x3FD2] =	sst s25  }
0xa6: {  	s4 =	sshll.u32 s26, $0x1;
	_ =	strace $0x8000004C;
	[dreg:$0x1] =	wrdreg $0xFFFFFFFF  }
0xa7: {  	s28 =	simm.s32 $_size_execute0_lowered;
	s2 =	sadd.s32 s2, s4;
	[dreg:$0x0] =	wrdreg $0x0  }
0xa8: {  	s4 =	sshll.u32 s28, $0x1;
	[dreg:$0x2] =	wrdreg s2  }
0xa9: {  	[dreg:$0x3] =	wrdreg s4  }
0xaa: {  	[dreg:$0x4] =	wrdreg $0xC0  }
0xab: {  	_ =	task [dreg:s6], $0x5FFFF  }
0xac: {  	[dreg:$0x1] =	wrdreg $0xFFFFFFFF  }
0xad: {  	[dreg:$0x0] =	wrdreg $0x60  }
0xae: {  	[dreg:$0x2] =	wrdreg s24  }
0xaf: {  	[dreg:$0x3] =	wrdreg $0x0  }
0xb0: {  	[dreg:$0x4] =	wrdreg $0x9  }
0xb1: {  	_ =	task.clear_ibuf [dreg:s6], $0x5FFFF;
	_ =	strace $0x9000004C  }
0xb2: {  	s29 =	simm.s32 $0x9;
	_ =	strace $0x8000004E  }
0xb3: {  	_ =	swait.ge [sflag:s29], $0x1  }
0xb4: {  	[sflag:s29] =	ssyncadd.s32 $0xFFFFFFFF  }
0xb5: {  	_ =	strace $0x9000004E  }
0xb6: {  	_ =	sfence  }
0xb7: {  	s30 =	sld [smem:$0x0];
	_ =	sdelay $0x2  }
0xb8: {  	s31 =	sshll.u32 s1, $0xD;
	s1 =	sshrl.u32 s1, $0x2  }
0xb9: {  	s3 =	sand.u32 $0x4000, s31;
	s1 =	sadd.s32 s1, s30  }
0xba: {  	s0 =	sor.u32 s3, s0;
	s1 =	sshll.u32 s1, $0x11  }
0xbb: {  	s0 =	sor.u32 s1, s0  }
0xbc: {  	s0 =	sadd.s32 $0x8F2B, s0  }
0xbd: {  	[sflag:s0] =	ssyncadd.remote.s32 $0x1  }
0xbe: {  	_ =	sfence.sel $0xFFFF  }
0xbf: {  	[dreg:$0x0] =	wrdreg $0xFFFFFFFF;
	(pc) =	sbr.abs _section_cstart, $3  }
0xc0: {  	[dreg:$0x1] =	wrdreg $0xFFFFFFFF  }
0xc1: {  	_ =	task.clear_ibuf [dreg:s6], $0x2FFFF;
	_ =	strace $0x9FFFFFFF  }
0xc2: {  	(tm) =	ssettm $0x7FFFFFFF  }
0xc3: {  	_ =	shalt  }
tec
execute0_lowered:
.L_overlay_start_1:
0x0: {  	(tag) =	ssettag $0x1  }
0x1: {  	s0 =	rddreg [dreg:$0x0]  }
0x2: {  	s2 =	rddreg [dreg:$0x1];
	s3 =	simm.s32 $0x0  }
0x3: {  	s18 =	stileid.u32;
	s6 =	srdreg.scid;
	s28 =	simm.s32 $0x3  }
0x4: {  	s29 =	simm.s32 $0x13900;
	s30 =	simm.s32 $0x4;
	s31 =	simm.s32 $0x13A00  }
0x5: {  	[smem:$0x7FF] =	sst s3;
	s1 =	smul.u32 $0x13800, s18;
	s4 =	sadd.s32 $0x53800, s0  }
0x6: {  	s5 =	sadd.s32 $0x8AE00, s0;
	s6 =	sand.u32 $0x1, s6;
	s9 =	smul.u32 $0x4E000, s18  }
0x7: {  	s11 =	sadd.s32 $0xD1400, s0;
	s21 =	sshll.u32 s18, $0x6;
	s19 =	sadd.s32 $0x138000, s2  }
0x8: {  	s24 =	smul.u32 $0x7D00, s18;
	p0 =	sne.s32 s18, $0xF;
	_ =	strace $0x8000004D  }
0x9: {  	s8 =	ssub.s32 $0x2, s6;
	s12 =	sshll.u32 s6, $0x4;
	s22 =	smul.u32 $0x138800, s6  }
0xa: {  	s6 =	smul.u32 $0x7D000, s6;
	s19 =	sshrl.u32 @!p0 s19, $0x3;
	s7 =	sshrl.u32 s1, $0x3  }
0xb: {  	s10 =	sshrl.u32 s8, $0x1;
	s20 =	sor.u32 s18, s12;
	s9 =	sshrl.u32 s9, $0x2  }
0xc: {  	s18 =	simm.s32 $0x5;
	s7 =	sadd.s32 s7, s0;
	s8 =	ssub.s32 s8, s10  }
0xd: {  	s17 =	sadd.s32 s9, s2;
	s10 =	smul.u32 $0x7D00, s20;
	s0 =	sadd.s32 $0xD1200, s0  }
0xe: {  	s1 =	sadd.s32 s1, s22;
	s12 =	sshrl.u32 s22, $0x3;
	s20 =	simm.s32 $0x13880  }
0xf: {  	s22 =	simm.s32 $0x1;
	s7 =	sadd.s32 $0xAA200, s7;
	[dreg:$0x4] =	wrdreg s0  }
0x10: {  	s1 =	sshrl.u32 s1, $0x3;
	s12 =	sadd.s32 s11, s12;
	s0 =	sadd.s32 s24, s6  }
0x11: {  	s13 =	smax.u32 s8, $0x1;
	s17 =	sshrl.u32 s17, $0x3;
	s24 =	simm.s32 $0x13A80  }
0x12: {  	[dreg:$0x3] =	wrdreg s7;
	s7 =	sor.u32 $0x1C05, s21;
	s23 =	sshrl.u32 s10, $0x3  }
0x13: {  	s11 =	sadd.s32 s11, s1;
	s12 =	sadd.s32 $0x27000, s12;
	s26 =	sadd.s32 $0x300, s0  }
0x14: {  	s16 =	sadd.s32 $0x200, s0;
	s21 =	simm.s32 $0x13980;
	s0 =	simm.s32 $0x0  }
0x15: {  	s9 =	sadd.s32 s5, s23;
	s1 =	sshrl.u32 s26, $0x3;
	s23 =	simm.s32 $0x50  }
0x16: {  	s26 =	simm.s32 $0x16280;
	s25 =	sadd.s32 $0x20, s9;
	s14 =	sadd.s32 $0xF80, s9  }
0x17: {  	s15 =	sadd.s32 s1, s5;
	[dreg:$0x5] =	wrdreg s25;
	s25 =	simm.s32 $0x2  }
.LBB2_1:
0x18: {  	s1 =	rddreg [dreg:$0x3]  }
0x19: {  	[spmem:s17], [sflag:s7] =	dma.local [hbm:s1], $0x2700  }
0x1a: {  	_ =	swait.ge [sflag:s18], $0x2700  }
0x1b: {  	[sflag:s18] =	ssyncset.done $0x0  }
0x1c: {  	s1 =	rddreg [dreg:$0x4];
	[sflag:s18] =	ssyncadd.s32 $0xFFFFD900  }
0x1d: {  	[spmem:s19], [sflag:s7] =	dma.local @!p0 [hbm:s1], $0x100  }
0x1e: {  	s1 =	simm.s32 @!p0 $0x5  }
0x1f: {  	_ =	swait.ge @!p0 [sflag:s1], $0x100  }
0x20: {  	[sflag:s1] =	ssyncset.done @!p0 $0x0  }
0x21: {  	[sflag:s1] =	ssyncadd.s32 @!p0 $0xFFFFFF00  }
0x22: {  	[tilespmem:s20], [sflag:$0x1] =	stream.linear.gather [hbm4b:s9+s3], $0x100, $0x38;
	[tilespmem:$0x18A80] =	vst v63  }
0x23: {  	s8 =	rddreg [dreg:$0x5]  }
0x24: {  	[tilespmem:s21], [sflag:$0x2] =	stream.linear.gather [hbm4b:s8+s3], $0x100, $0x38;
	[tilespmem:$0x18A80] =	vst v63  }
0x25: {  	[bflag:$0x0] =	sbarrier.arrive $0xFFFF  }
0x26: {  	_ =	swait.ge [sflag:s22], $0x100  }
0x27: {  	[sflag:s22] =	ssyncset.done $0x0  }
0x28: {  	[sflag:s22] =	ssyncadd.s32 $0xFFFFFF00  }
0x29: {  	[tilespmem:s24], [sflag:$0x3] =	stream.indirect.gather [hbm4b:s4+s23], $0x80, s20, s23, $0xb8;
	[tilespmem:$0x18A80] =	vst v63  }
0x2a: {  	_ =	swait.ge [sflag:s25], $0x100  }
0x2b: {  	[sflag:s25] =	ssyncset.done $0x0  }
0x2c: {  	[sflag:s25] =	ssyncadd.s32 $0xFFFFFF00  }
0x2d: {  	[tilespmem:s26], [sflag:$0x4] =	stream.indirect.gather [hbm4b:s4+s23], $0x80, s21, s23, $0xb8;
	[tilespmem:$0x18A80] =	vst v63  }
0x2e: {  	_ =	swait.ge [sflag:s28], $0x2800  }
0x2f: {  	[sflag:s28] =	ssyncset.done $0x0  }
0x30: {  	[sflag:s28] =	ssyncadd.s32 $0xFFFFD800  }
0x31: {  	[spmem:s2] =	stream.indirect.scatter.add.f32 [tilespmem:s24], [sflag:$0x5], $0x80, s29, s23, $0xb8;
	[tilespmem:$0x18A80] =	vst v63  }
0x32: {  	_ =	swait.ge [sflag:s18], $0x2800  }
0x33: {  	s10 =	sshrl.u32 s16, $0x3;
	[sflag:s18] =	ssyncset.done $0x0  }
0x34: {  	s1 =	sadd.s32 s5, s10;
	[sflag:s18] =	ssyncadd.s32 $0xFFFFD800  }
0x35: {  	[tilespmem:s20], [sflag:$0x1] =	stream.linear.gather [hbm4b:s1+s3], $0x100, $0x38;
	[tilespmem:$0x18A80] =	vst v63  }
0x36: {  	_ =	swait.ge [sflag:s22], $0x100  }
0x37: {  	[sflag:s22] =	ssyncset.done $0x0  }
0x38: {  	[sflag:s22] =	ssyncadd.s32 $0xFFFFFF00  }
0x39: {  	[tilespmem:s24], [sflag:$0x3] =	stream.indirect.gather [hbm4b:s4+s23], $0x80, s20, s23, $0xb8;
	[tilespmem:$0x18A80] =	vst v63  }
0x3a: {  	_ =	swait.ge [sflag:s30], $0x2800  }
0x3b: {  	[sflag:s30] =	ssyncset.done $0x0  }
0x3c: {  	[sflag:s30] =	ssyncadd.s32 $0xFFFFD800  }
0x3d: {  	[spmem:s2] =	stream.indirect.scatter.add.f32 [tilespmem:s26], [sflag:$0x5], $0x80, s31, s23, $0xb8;
	[tilespmem:$0x18A80] =	vst v63  }
0x3e: {  	_ =	swait.ge [sflag:s18], $0x2800  }
0x3f: {  	s6 =	sadd.s32 $0x200, s16;
	[sflag:s18] =	ssyncset.done $0x0  }
0x40: {  	s8 =	sadd.s32 $0x0, s15;
	s1 =	simm.s32 $0x40;
	[sflag:s18] =	ssyncadd.s32 $0xFFFFD800  }
.LBB2_2:
0x41: {  	[tilespmem:s21], [sflag:$0x2] =	stream.linear.gather [hbm4b:s8+s3], $0x100, $0x38;
	[tilespmem:$0x18A80] =	vst v63  }
0x42: {  	s8 =	smov.u32 s1  }
0x43: {  	p1 =	sne.s32 s1, $0xF00;
	s1 =	sadd.s32 $0x40, s1;
	_ =	swait.ge [sflag:s25], $0x100  }
0x44: {  	[sflag:s25] =	ssyncset.done $0x0  }
0x45: {  	[sflag:s25] =	ssyncadd.s32 $0xFFFFFF00  }
0x46: {  	[tilespmem:s26], [sflag:$0x4] =	stream.indirect.gather [hbm4b:s4+s23], $0x80, s21, s23, $0xb8;
	[tilespmem:$0x18A80] =	vst v63  }
0x47: {  	_ =	swait.ge [sflag:s28], $0x2800  }
0x48: {  	[sflag:s28] =	ssyncset.done $0x0  }
0x49: {  	[sflag:s28] =	ssyncadd.s32 $0xFFFFD800  }
0x4a: {  	[spmem:s2] =	stream.indirect.scatter.add.f32 [tilespmem:s24], [sflag:$0x5], $0x80, s29, s23, $0xb8;
	[tilespmem:$0x18A80] =	vst v63  }
0x4b: {  	_ =	swait.ge [sflag:s18], $0x2800  }
0x4c: {  	s10 =	sshrl.u32 s6, $0x3;
	[sflag:s18] =	ssyncset.done $0x0  }
0x4d: {  	s10 =	sadd.s32 s5, s10;
	[sflag:s18] =	ssyncadd.s32 $0xFFFFD800  }
0x4e: {  	[tilespmem:s20], [sflag:$0x1] =	stream.linear.gather [hbm4b:s10+s3], $0x100, $0x38;
	[tilespmem:$0x18A80] =	vst v63  }
0x4f: {  	_ =	swait.ge [sflag:s22], $0x100  }
0x50: {  	[sflag:s22] =	ssyncset.done $0x0  }
0x51: {  	[sflag:s22] =	ssyncadd.s32 $0xFFFFFF00  }
0x52: {  	[tilespmem:s24], [sflag:$0x3] =	stream.indirect.gather [hbm4b:s4+s23], $0x80, s20, s23, $0xb8;
	[tilespmem:$0x18A80] =	vst v63  }
0x53: {  	_ =	swait.ge [sflag:s30], $0x2800  }
0x54: {  	[sflag:s30] =	ssyncset.done $0x0  }
.Ltmp0:
0x55: {  	[sflag:s30] =	ssyncadd.s32 $0xFFFFD800;
	(pc) =	sbr.rel @p1 .LBB2_2-.Ltmp0, $4  }
0x56: {  	[spmem:s2] =	stream.indirect.scatter.add.f32 [tilespmem:s26], [sflag:$0x5], $0x80, s31, s23, $0xb8;
	[tilespmem:$0x18A80] =	vst v63  }
0x57: {  	_ =	swait.ge [sflag:s18], $0x2800  }
0x58: {  	[sflag:s18] =	ssyncset.done $0x0  }
0x59: {  	s6 =	sadd.s32 $0x200, s6;
	s8 =	sadd.s32 s8, s15;
	[sflag:s18] =	ssyncadd.s32 $0xFFFFD800  }
0x5a: {  	[tilespmem:s21], [sflag:$0x2] =	stream.linear.gather [hbm4b:s8+s3], $0x100, $0x38;
	[tilespmem:$0x18A80] =	vst v63  }
0x5b: {  	_ =	swait.ge [sflag:s25], $0x100  }
0x5c: {  	[sflag:s25] =	ssyncset.done $0x0  }
0x5d: {  	[sflag:s25] =	ssyncadd.s32 $0xFFFFFF00  }
0x5e: {  	[tilespmem:s26], [sflag:$0x4] =	stream.indirect.gather [hbm4b:s4+s23], $0x80, s21, s23, $0xb8;
	[tilespmem:$0x18A80] =	vst v63  }
0x5f: {  	_ =	swait.ge [sflag:s28], $0x2800  }
0x60: {  	[sflag:s28] =	ssyncset.done $0x0  }
0x61: {  	[sflag:s28] =	ssyncadd.s32 $0xFFFFD800  }
0x62: {  	[spmem:s2] =	stream.indirect.scatter.add.f32 [tilespmem:s24], [sflag:$0x5], $0x80, s29, s23, $0xb8;
	[tilespmem:$0x18A80] =	vst v63  }
0x63: {  	_ =	swait.ge [sflag:s18], $0x2800  }
0x64: {  	[sflag:s18] =	ssyncset.done $0x0  }
0x65: {  	[sflag:s18] =	ssyncadd.s32 $0xFFFFD800  }
0x66: {  	[tilespmem:s20], [sflag:$0x1] =	stream.linear.gather [hbm4b:s14+s3], $0x100, $0x38;
	[tilespmem:$0x18A80] =	vst v63  }
0x67: {  	_ =	swait.ge [sflag:s22], $0x100  }
0x68: {  	[sflag:s22] =	ssyncset.done $0x0  }
0x69: {  	[sflag:s22] =	ssyncadd.s32 $0xFFFFFF00  }
0x6a: {  	[tilespmem:s24], [sflag:$0x3] =	stream.indirect.gather [hbm4b:s4+s23], $0x80, s20, s23, $0xb8;
	[tilespmem:$0x18A80] =	vst v63  }
0x6b: {  	_ =	swait.ge [sflag:s30], $0x2800  }
0x6c: {  	[sflag:s30] =	ssyncset.done $0x0  }
0x6d: {  	[sflag:s30] =	ssyncadd.s32 $0xFFFFD800  }
0x6e: {  	[spmem:s2] =	stream.indirect.scatter.add.f32 [tilespmem:s26], [sflag:$0x5], $0x80, s31, s23, $0xb8;
	[tilespmem:$0x18A80] =	vst v63  }
0x6f: {  	_ =	swait.ge [sflag:s18], $0x2800  }
0x70: {  	[sflag:s18] =	ssyncset.done $0x0  }
0x71: {  	[sflag:s18] =	ssyncadd.s32 $0xFFFFD800  }
0x72: {  	_ =	swait.ge [sflag:s28], $0x2800  }
0x73: {  	[sflag:s28] =	ssyncset.done $0x0  }
0x74: {  	[sflag:s28] =	ssyncadd.s32 $0xFFFFD800  }
0x75: {  	[spmem:s2] =	stream.indirect.scatter.add.f32 [tilespmem:s24], [sflag:$0x5], $0x80, s29, s23, $0xb8;
	[tilespmem:$0x18A80] =	vst v63  }
0x76: {  	_ =	swait.ge [sflag:s18], $0x2800  }
0x77: {  	[sflag:s18] =	ssyncset.done $0x0  }
0x78: {  	[sflag:s18] =	ssyncadd.s32 $0xFFFFD800  }
0x79: {  	[bflag:$0x0] =	sbarrier.arrive $0xFFFF  }
0x7a: {  	[hbm:s11], [sflag:s7] =	dma.local [spmem:s17], $0x2700  }
0x7b: {  	s0 =	sadd.s32 $0x1, s0;
	_ =	swait.ge [sflag:s18], $0x2700  }
0x7c: {  	p1 =	sne.s32 s0, s13;
	[sflag:s18] =	ssyncset.done $0x0  }
.Ltmp1:
0x7d: {  	s1 =	simm.s32 @!p0 $0x5;
	[sflag:s18] =	ssyncadd.s32 $0xFFFFD900;
	(pc) =	sbr.rel @p1 .LBB2_1-.Ltmp1, $4  }
0x7e: {  	[hbm:s12], [sflag:s7] =	dma.local @!p0 [spmem:s19], $0x100  }
0x7f: {  	_ =	swait.ge @!p0 [sflag:s1], $0x100  }
0x80: {  	[sflag:s1] =	ssyncset.done @!p0 $0x0  }
0x81: {  	[sflag:s1] =	ssyncadd.s32 @!p0 $0xFFFFFF00  }
0x82: {  	_ =	sfence.sel $0x180000  }
0x83: {  	[bflag:$0x0] =	sbarrier.arrive $0xFFFF  }
0x84: {  	_ =	strace $0x9000004D  }
0x85: {  	s0 =	stileid.u32;
	[bflag:$0x2] =	sbarrier.arrive $0xFFFF  }
0x86: {  	p0 =	sne.s32 s0, $0x0;
	s0 =	rddreg [dreg:$0x2]  }
0x87: {  	s0 =	sadd.s32 @!p0 $0x100000, s0  }
0x88: {  	[sflag:s0] =	ssyncadd.tile.s32 @!p0 $0x1;
	_ =	shalt  }
.Lfunc_end2:
_tile_overlayer_lowered:
.L_overlay_start_2:
0x89: {  	(tag) =	ssettag $0x2  }
0x8a: {  	s0 =	rddreg [dreg:$0x0];
	s2 =	stileid.u32  }
0x8b: {  	s1 =	rddreg [dreg:$0x1];
	p0 =	sne.s32 s2, $0x0  }
0x8c: {  	s3 =	rddreg [dreg:$0x2];
	[bflag:$0x3] =	sbarrier.arrive $0xFFFF;
	s2 =	simm.s32 @!p0 $0x1C05  }
0x8d: {  	[timem:s3], [sflag:s2] =	dma.local @!p0 [hbm:s0], s1  }
0x8e: {  	s0 =	simm.s32 @!p0 $0x5  }
0x8f: {  	_ =	swait.ge @!p0 [sflag:s0], s1  }
0x90: {  	s1 =	ssub.s32 @!p0 $0x0, s1;
	[sflag:s0] =	ssyncset.done @!p0 $0x0  }
0x91: {  	[sflag:s0] =	ssyncadd.s32 @!p0 s1  }
0x92: {  	[bflag:$0x3] =	sbarrier.arrive $0xFFFF  }
0x93: {  	_ =	shalt  }

// kernel: kernel.19.cloned.1.call-start
scs
__scs_entry_jumppad:
0x0: {  	(pc) =	sbr.rel $0x88, $3  }
0x1: {  	(tag) =	ssettag $0x0;
	lr =	simm.s32 $0x1  }
0x2: {  	[smem:$0x3F96] =	sst lr;
	_ =	strace $0xD0000000  }
0x3: {  	_ = 	snop  }
0x4: {  	_ = 	snop  }
0x5: {  	_ = 	snop  }
0x6: {  	_ = 	snop  }
0x7: {  	_ = 	snop  }
__scs_overlays_trampoline_lowered:
0x8: {  	[smem:$0x3FA5] =	sst s0  }
0x9: {  	[smem:$0x3FA6] =	sst s1  }
0xa: {  	[smem:$0x3FA7] =	sst s2  }
0xb: {  	[smem:$0x3FA8] =	sst s3  }
0xc: {  	[smem:$0x3FA9] =	sst s4  }
0xd: {  	[smem:$0x3FAA] =	sst s5  }
0xe: {  	[smem:$0x3FAB] =	sst s6  }
0xf: {  	[smem:$0x3FAC] =	sst s7  }
0x10: {  	[smem:$0x3FAD] =	sst s8  }
0x11: {  	[smem:$0x3FAE] =	sst s9;
	s0 =	simm.s32 @!p0 $0x0  }
0x12: {  	s1 =	sld [smem:$0x3F94];
	s0 =	simm.s32 @p0 $0x1  }
0x13: {  	[smem:$0x3FAF] =	sst s0;
	s0 =	simm.s32 @!p1 $0x0  }
0x14: {  	s2 =	sld [smem:$0x3F93];
	s0 =	simm.s32 @p1 $0x1  }
0x15: {  	[smem:$0x3FB0] =	sst s0;
	s0 =	simm.s32 @!p2 $0x0  }
0x16: {  	s3 =	sld [smem:$0x3FDB];
	s0 =	simm.s32 @p2 $0x1  }
0x17: {  	s4 =	simm.s32 $0x1BF5;
	[smem:$0x3FB2] =	sst s0  }
0x18: {  	s0 =	sld [smem:$0x3F95];
	_ =	swait.ge [sflag:s4], $0x0  }
0x19: {  	s7 =	sld [smem:$0x3F96]  }
0x1a: {  	s8 =	sadd.s32 $0xFFFFE003, lr  }
0x1b: {  	s9 =	sadd.s32 $0xFFFFFEF7, lr;
	s5 =	simm.s32 $0xFFFFFFFF;
	p2 =	slt.u32 s8, $0xFFFFF086  }
0x1c: {  	p1 =	slt.u32 s9, $0xF7A;
	s5 =	simm.s32 @!p2 $0x0  }
0x1d: {  	s5 =	simm.s32 @p1 $0x1;
	p0 =	seq.s32 s7, s2  }
0x1e: {  	s7 =	smul.u32 @!p0 $0xF7A, s2;
	p2 =	seq.s32 @!p0 s5, $0x0  }
0x1f: {  	s9 =	smul.u32 $0xF7A, s1;
	s8 =	simm.s32 @!p0 $0x1BF5;
	p2 =	por !p2, p0  }
0x20: {  	[sflag:s8] =	ssyncset.s32 @!p0 $0xFFFFF086;
	s6 =	sadd.s32 @!p0 s3, s7;
	s7 =	simm.s32 @!p0 $0x108  }
0x21: {  	s3 =	sadd.s32 s3, s9;
	s6 =	sadd.s32 @!p0 $0x88, s6;
	s7 =	simm.s32 @p2 $0x1082  }
0x22: {  	[simem:s7], [sflag:s8] =	dma.local @!p0 [hbm:s6], $0xF7A  }
0x23: {  	s9 =	sor.u32 $0xD0000000, s2;
	s6 =	simm.s32 $0x108;
	_ =	swait.ge @!p0 [sflag:s8], $0x0  }
0x24: {  	s3 =	sadd.s32 $0x88, s3;
	s6 =	simm.s32 @!p1 $0x1082;
	[sflag:s4] =	ssyncset.s32 $0xFFFFF086  }
0x25: {  	[simem:s6], [sflag:s4] =	dma.local [hbm:s3], $0xF7A  }
0x26: {  	[smem:$0x3F96] =	sst s1;
	(tag) =	ssettag s2;
	_ =	strace s9  }
0x27: {  	s1 =	sld [smem:$0x3FA6]  }
0x28: {  	s2 =	sld [smem:$0x3FA7]  }
0x29: {  	s4 =	sld [smem:$0x3FA9]  }
0x2a: {  	p0 =	seq.s32 s5, $0x0;
	s5 =	sld [smem:$0x3FAA]  }
0x2b: {  	s6 =	sld [smem:$0x3FAB]  }
0x2c: {  	s7 =	sld [smem:$0x3FAC]  }
0x2d: {  	s3 =	simm.s32 $0x108;
	s8 =	sld [smem:$0x3FAD]  }
0x2e: {  	s3 =	simm.s32 @!p0 $0x1082;
	s9 =	sld [smem:$0x3FAE]  }
0x2f: {  	lr =	sadd.s32 s0, s3;
	s0 =	sld [smem:$0x3FA5]  }
0x30: {  	s3 =	sld [smem:$0x3FA8]  }
0x31: {  	[smem:$0x3FB1] =	sst s10  }
0x32: {  	s10 =	sld [smem:$0x3FAF];
	_ =	sdelay $0x3  }
0x33: {  	p0 =	seq.s32 s10, $0x1;
	s10 =	sld [smem:$0x3FB1];
	_ =	sdelay $0x3  }
0x34: {  	[smem:$0x3FB1] =	sst s10  }
0x35: {  	s10 =	sld [smem:$0x3FB0];
	_ =	sdelay $0x3  }
0x36: {  	p1 =	seq.s32 s10, $0x1;
	s10 =	sld [smem:$0x3FB1];
	_ =	sdelay $0x3  }
0x37: {  	[smem:$0x3FB1] =	sst s10  }
0x38: {  	s10 =	sld [smem:$0x3FB2]  }
0x39: {  	_ = 	snop;
	(pc) =	sbr.ind lr, $3  }
0x3a: {  	_ = 	snop  }
0x3b: {  	_ = 	snop  }
0x3c: {  	p2 =	seq.s32 s10, $0x1;
	s10 =	sld [smem:$0x3FB1]  }
0x3d: {  	_ =	shalt  }
0x3e: {  	_ =	shalt  }
0x3f: {  	_ =	shalt  }
0x40: {  	_ =	shalt  }
0x41: {  	_ =	shalt  }
0x42: {  	_ =	shalt  }
0x43: {  	_ =	shalt  }
0x44: {  	_ =	shalt  }
0x45: {  	_ =	shalt  }
0x46: {  	_ =	shalt  }
0x47: {  	_ =	shalt  }
0x48: {  	_ =	shalt  }
0x49: {  	_ =	shalt  }
0x4a: {  	_ =	shalt  }
0x4b: {  	_ =	shalt  }
0x4c: {  	_ =	shalt  }
0x4d: {  	_ =	shalt  }
0x4e: {  	_ =	shalt  }
0x4f: {  	_ =	shalt  }
0x50: {  	_ =	shalt  }
0x51: {  	_ =	shalt  }
0x52: {  	_ =	shalt  }
0x53: {  	_ =	shalt  }
0x54: {  	_ =	shalt  }
0x55: {  	_ =	shalt  }
0x56: {  	_ =	shalt  }
0x57: {  	_ =	shalt  }
0x58: {  	_ =	shalt  }
0x59: {  	_ =	shalt  }
0x5a: {  	_ =	shalt  }
0x5b: {  	_ =	shalt  }
0x5c: {  	_ =	shalt  }
0x5d: {  	_ =	shalt  }
0x5e: {  	_ =	shalt  }
0x5f: {  	_ =	shalt  }
0x60: {  	_ =	shalt  }
0x61: {  	_ =	shalt  }
0x62: {  	_ =	shalt  }
0x63: {  	_ =	shalt  }
0x64: {  	_ =	shalt  }
0x65: {  	_ =	shalt  }
0x66: {  	_ =	shalt  }
0x67: {  	_ =	shalt  }
0x68: {  	_ =	shalt  }
0x69: {  	_ =	shalt  }
0x6a: {  	_ =	shalt  }
0x6b: {  	_ =	shalt  }
0x6c: {  	_ =	shalt  }
0x6d: {  	_ =	shalt  }
0x6e: {  	_ =	shalt  }
0x6f: {  	_ =	shalt  }
0x70: {  	_ =	shalt  }
0x71: {  	_ =	shalt  }
0x72: {  	_ =	shalt  }
0x73: {  	_ =	shalt  }
0x74: {  	_ =	shalt  }
0x75: {  	_ =	shalt  }
0x76: {  	_ =	shalt  }
0x77: {  	_ =	shalt  }
0x78: {  	_ =	shalt  }
0x79: {  	_ =	shalt  }
0x7a: {  	_ =	shalt  }
0x7b: {  	_ =	shalt  }
0x7c: {  	_ =	shalt  }
0x7d: {  	_ =	shalt  }
0x7e: {  	_ =	shalt  }
0x7f: {  	_ =	shalt  }
0x80: {  	_ =	shalt  }
0x81: {  	_ =	shalt  }
0x82: {  	_ =	shalt  }
0x83: {  	_ =	shalt  }
0x84: {  	_ =	shalt  }
0x85: {  	_ =	shalt  }
0x86: {  	_ =	shalt  }
0x87: {  	_ =	shalt  }
.Lfunc_end0:
.L_simem_size_0:
called_computation.3_lowered:
.L_overlay_start_0:
0x88: {  	s2 =	sld [smem:$0x3FD9]  }
0x89: {  	s3 =	sld [smem:$0x3FFE];
	_ =	sdelay $0x1  }
0x8a: {  	s1 =	srdreg.scid  }
0x8b: {  	s0 =	sand.u32 $0x1, s1  }
0x8c: {  	s16 =	sshll.u32 s0, $0xA;
	s2 =	sadd.s32 s3, s2  }
0x8d: {  	s2 =	sadd.s32 s2, s16  }
0x8e: {  	[smem:$0x3FBD] =	sst s2  }
0x8f: {  	_ = 	snop  }
0x90: {  	(tm) =	ssettm $0x1  }
0x91: {  	s17 =	sld [smem:$0x3FFB];
	_ =	sdelay $0x3  }
0x92: {  	_ =	strace s17  }
0x93: {  	s2 =	sld [smem:$0x3FFC];
	_ =	sdelay $0x3  }
0x94: {  	_ =	strace s2  }
0x95: {  	s2 =	sld [smem:$0x3FFD];
	_ =	sdelay $0x3  }
0x96: {  	_ =	strace s2  }
0x97: {  	_ =	strace $0x8FFFFFFF  }
0x98: {  	s18 =	sld [smem:$0x3FDB];
	_ =	sdelay $0x1  }
0x99: {  	s19 =	simm.s32 $_scs_section_size  }
0x9a: {  	s4 =	simm.s32 $_size__tile_overlayer_lowered;
	s5 =	simm.s32 $_tile_overlayer_lowered  }
0x9b: {  	s22 =	simm.s32 $0x1BFF;
	s21 =	sshll.u32 s5, $0x1;
	s2 =	sadd.s32 s19, s18  }
0x9c: {  	s6 =	simm.s32 $0x0;
	s20 =	sshll.u32 s4, $0x1;
	s4 =	sadd.s32 s21, s2  }
0x9d: {  	[timem:s6], [sflag:s22] =	dma.local [hbm:s4], s20  }
0x9e: {  	_ =	swait.ge [sflag:s22], s20  }
0x9f: {  	s3 =	ssub.s32 $0x0, s20;
	[sflag:s22] =	ssyncset.done $0x0  }
0xa0: {  	[sflag:s22] =	ssyncadd.s32 s3;
	_ =	sdelay $0x1  }
0xa1: {  	s23 =	simm.s32 $0x1B8B  }
0xa2: {  	_ =	swait.ge [sflag:s23], $0x1  }
0xa3: {  	[sflag:s23] =	ssyncset.done $0x0  }
0xa4: {  	s25 =	simm.s32 $0x1B8E;
	s24 =	sld [smem:$0x3FFE];
	[sflag:s23] =	ssyncadd.s32 $0xFFFFFFFF  }
0xa5: {  	s26 =	simm.s32 $execute0_lowered;
	[smem:$0x3FD2] =	sst s25  }
0xa6: {  	s4 =	sshll.u32 s26, $0x1;
	_ =	strace $0x8000004F;
	[dreg:$0x1] =	wrdreg $0xFFFFFFFF  }
0xa7: {  	s28 =	simm.s32 $_size_execute0_lowered;
	s2 =	sadd.s32 s2, s4;
	[dreg:$0x0] =	wrdreg $0x0  }
0xa8: {  	s4 =	sshll.u32 s28, $0x1;
	[dreg:$0x2] =	wrdreg s2  }
0xa9: {  	[dreg:$0x3] =	wrdreg s4  }
0xaa: {  	[dreg:$0x4] =	wrdreg $0xC0  }
0xab: {  	_ =	task [dreg:s6], $0x5FFFF  }
0xac: {  	[dreg:$0x1] =	wrdreg $0xFFFFFFFF  }
0xad: {  	[dreg:$0x0] =	wrdreg $0x60  }
0xae: {  	[dreg:$0x2] =	wrdreg s24  }
0xaf: {  	[dreg:$0x3] =	wrdreg $0x0  }
0xb0: {  	[dreg:$0x4] =	wrdreg $0x9  }
0xb1: {  	_ =	task.clear_ibuf [dreg:s6], $0x5FFFF;
	_ =	strace $0x9000004F  }
0xb2: {  	s29 =	simm.s32 $0x9;
	_ =	strace $0x80000051  }
0xb3: {  	_ =	swait.ge [sflag:s29], $0x1  }
0xb4: {  	[sflag:s29] =	ssyncadd.s32 $0xFFFFFFFF  }
0xb5: {  	_ =	strace $0x90000051  }
0xb6: {  	_ =	sfence  }
0xb7: {  	s30 =	sld [smem:$0x0];
	_ =	sdelay $0x2  }
0xb8: {  	s31 =	sshll.u32 s1, $0xD;
	s1 =	sshrl.u32 s1, $0x2  }
0xb9: {  	s3 =	sand.u32 $0x4000, s31;
	s1 =	sadd.s32 s1, s30  }
0xba: {  	s0 =	sor.u32 s3, s0;
	s1 =	sshll.u32 s1, $0x11  }
0xbb: {  	s0 =	sor.u32 s1, s0  }
0xbc: {  	s0 =	sadd.s32 $0x8F2B, s0  }
0xbd: {  	[sflag:s0] =	ssyncadd.remote.s32 $0x1  }
0xbe: {  	_ =	sfence.sel $0xFFFF  }
0xbf: {  	[dreg:$0x0] =	wrdreg $0xFFFFFFFF;
	(pc) =	sbr.abs _section_cstart, $3  }
0xc0: {  	[dreg:$0x1] =	wrdreg $0xFFFFFFFF  }
0xc1: {  	_ =	task.clear_ibuf [dreg:s6], $0x2FFFF;
	_ =	strace $0x9FFFFFFF  }
0xc2: {  	(tm) =	ssettm $0x7FFFFFFF  }
0xc3: {  	_ =	shalt  }
tec
execute0_lowered:
.L_overlay_start_1:
0x0: {  	(tag) =	ssettag $0x1  }
0x1: {  	s0 =	rddreg [dreg:$0x0]  }
0x2: {  	s2 =	rddreg [dreg:$0x1];
	s3 =	simm.s32 $0x0  }
0x3: {  	s18 =	stileid.u32;
	s6 =	srdreg.scid;
	s28 =	simm.s32 $0x3  }
0x4: {  	s29 =	simm.s32 $0x13900;
	s30 =	simm.s32 $0x4;
	s31 =	simm.s32 $0x13A00  }
0x5: {  	[smem:$0x7FF] =	sst s3;
	s1 =	smul.u32 $0x13800, s18;
	s4 =	sadd.s32 $0x53800, s0  }
0x6: {  	s5 =	sadd.s32 $0x8AE00, s0;
	s6 =	sand.u32 $0x1, s6;
	s9 =	smul.u32 $0x4E000, s18  }
0x7: {  	s11 =	sadd.s32 $0xD1400, s0;
	s21 =	sshll.u32 s18, $0x6;
	s19 =	sadd.s32 $0x138000, s2  }
0x8: {  	s24 =	smul.u32 $0x7D00, s18;
	p0 =	sne.s32 s18, $0xF;
	_ =	strace $0x80000050  }
0x9: {  	s8 =	ssub.s32 $0x2, s6;
	s12 =	sshll.u32 s6, $0x4;
	s22 =	smul.u32 $0x138800, s6  }
0xa: {  	s6 =	smul.u32 $0x7D000, s6;
	s19 =	sshrl.u32 @!p0 s19, $0x3;
	s7 =	sshrl.u32 s1, $0x3  }
0xb: {  	s10 =	sshrl.u32 s8, $0x1;
	s20 =	sor.u32 s18, s12;
	s9 =	sshrl.u32 s9, $0x2  }
0xc: {  	s18 =	simm.s32 $0x5;
	s7 =	sadd.s32 s7, s0;
	s8 =	ssub.s32 s8, s10  }
0xd: {  	s17 =	sadd.s32 s9, s2;
	s10 =	smul.u32 $0x7D00, s20;
	s0 =	sadd.s32 $0xD1200, s0  }
0xe: {  	s1 =	sadd.s32 s1, s22;
	s12 =	sshrl.u32 s22, $0x3;
	s20 =	simm.s32 $0x13880  }
0xf: {  	s22 =	simm.s32 $0x1;
	s7 =	sadd.s32 $0xAA200, s7;
	[dreg:$0x4] =	wrdreg s0  }
0x10: {  	s1 =	sshrl.u32 s1, $0x3;
	s12 =	sadd.s32 s11, s12;
	s0 =	sadd.s32 s24, s6  }
0x11: {  	s13 =	smax.u32 s8, $0x1;
	s17 =	sshrl.u32 s17, $0x3;
	s24 =	simm.s32 $0x13A80  }
0x12: {  	[dreg:$0x3] =	wrdreg s7;
	s7 =	sor.u32 $0x1C05, s21;
	s23 =	sshrl.u32 s10, $0x3  }
0x13: {  	s11 =	sadd.s32 s11, s1;
	s12 =	sadd.s32 $0x27000, s12;
	s26 =	sadd.s32 $0x300, s0  }
0x14: {  	s16 =	sadd.s32 $0x200, s0;
	s21 =	simm.s32 $0x13980;
	s0 =	simm.s32 $0x0  }
0x15: {  	s9 =	sadd.s32 s5, s23;
	s1 =	sshrl.u32 s26, $0x3;
	s23 =	simm.s32 $0x50  }
0x16: {  	s26 =	simm.s32 $0x16280;
	s25 =	sadd.s32 $0x20, s9;
	s14 =	sadd.s32 $0xF80, s9  }
0x17: {  	s15 =	sadd.s32 s1, s5;
	[dreg:$0x5] =	wrdreg s25;
	s25 =	simm.s32 $0x2  }
.LBB2_1:
0x18: {  	s1 =	rddreg [dreg:$0x3]  }
0x19: {  	[spmem:s17], [sflag:s7] =	dma.local [hbm:s1], $0x2700  }
0x1a: {  	_ =	swait.ge [sflag:s18], $0x2700  }
0x1b: {  	[sflag:s18] =	ssyncset.done $0x0  }
0x1c: {  	s1 =	rddreg [dreg:$0x4];
	[sflag:s18] =	ssyncadd.s32 $0xFFFFD900  }
0x1d: {  	[spmem:s19], [sflag:s7] =	dma.local @!p0 [hbm:s1], $0x100  }
0x1e: {  	s1 =	simm.s32 @!p0 $0x5  }
0x1f: {  	_ =	swait.ge @!p0 [sflag:s1], $0x100  }
0x20: {  	[sflag:s1] =	ssyncset.done @!p0 $0x0  }
0x21: {  	[sflag:s1] =	ssyncadd.s32 @!p0 $0xFFFFFF00  }
0x22: {  	[tilespmem:s20], [sflag:$0x1] =	stream.linear.gather [hbm4b:s9+s3], $0x100, $0x38;
	[tilespmem:$0x18A80] =	vst v63  }
0x23: {  	s8 =	rddreg [dreg:$0x5]  }
0x24: {  	[tilespmem:s21], [sflag:$0x2] =	stream.linear.gather [hbm4b:s8+s3], $0x100, $0x38;
	[tilespmem:$0x18A80] =	vst v63  }
0x25: {  	[bflag:$0x0] =	sbarrier.arrive $0xFFFF  }
0x26: {  	_ =	swait.ge [sflag:s22], $0x100  }
0x27: {  	[sflag:s22] =	ssyncset.done $0x0  }
0x28: {  	[sflag:s22] =	ssyncadd.s32 $0xFFFFFF00  }
0x29: {  	[tilespmem:s24], [sflag:$0x3] =	stream.indirect.gather [hbm4b:s4+s23], $0x80, s20, s23, $0xb8;
	[tilespmem:$0x18A80] =	vst v63  }
0x2a: {  	_ =	swait.ge [sflag:s25], $0x100  }
0x2b: {  	[sflag:s25] =	ssyncset.done $0x0  }
0x2c: {  	[sflag:s25] =	ssyncadd.s32 $0xFFFFFF00  }
0x2d: {  	[tilespmem:s26], [sflag:$0x4] =	stream.indirect.gather [hbm4b:s4+s23], $0x80, s21, s23, $0xb8;
	[tilespmem:$0x18A80] =	vst v63  }
0x2e: {  	_ =	swait.ge [sflag:s28], $0x2800  }
0x2f: {  	[sflag:s28] =	ssyncset.done $0x0  }
0x30: {  	[sflag:s28] =	ssyncadd.s32 $0xFFFFD800  }
0x31: {  	[spmem:s2] =	stream.indirect.scatter.add.f32 [tilespmem:s24], [sflag:$0x5], $0x80, s29, s23, $0xb8;
	[tilespmem:$0x18A80] =	vst v63  }
0x32: {  	_ =	swait.ge [sflag:s18], $0x2800  }
0x33: {  	s10 =	sshrl.u32 s16, $0x3;
	[sflag:s18] =	ssyncset.done $0x0  }
0x34: {  	s1 =	sadd.s32 s5, s10;
	[sflag:s18] =	ssyncadd.s32 $0xFFFFD800  }
0x35: {  	[tilespmem:s20], [sflag:$0x1] =	stream.linear.gather [hbm4b:s1+s3], $0x100, $0x38;
	[tilespmem:$0x18A80] =	vst v63  }
0x36: {  	_ =	swait.ge [sflag:s22], $0x100  }
0x37: {  	[sflag:s22] =	ssyncset.done $0x0  }
0x38: {  	[sflag:s22] =	ssyncadd.s32 $0xFFFFFF00  }
0x39: {  	[tilespmem:s24], [sflag:$0x3] =	stream.indirect.gather [hbm4b:s4+s23], $0x80, s20, s23, $0xb8;
	[tilespmem:$0x18A80] =	vst v63  }
0x3a: {  	_ =	swait.ge [sflag:s30], $0x2800  }
0x3b: {  	[sflag:s30] =	ssyncset.done $0x0  }
0x3c: {  	[sflag:s30] =	ssyncadd.s32 $0xFFFFD800  }
0x3d: {  	[spmem:s2] =	stream.indirect.scatter.add.f32 [tilespmem:s26], [sflag:$0x5], $0x80, s31, s23, $0xb8;
	[tilespmem:$0x18A80] =	vst v63  }
0x3e: {  	_ =	swait.ge [sflag:s18], $0x2800  }
0x3f: {  	s6 =	sadd.s32 $0x200, s16;
	[sflag:s18] =	ssyncset.done $0x0  }
0x40: {  	s8 =	sadd.s32 $0x0, s15;
	s1 =	simm.s32 $0x40;
	[sflag:s18] =	ssyncadd.s32 $0xFFFFD800  }
.LBB2_2:
0x41: {  	[tilespmem:s21], [sflag:$0x2] =	stream.linear.gather [hbm4b:s8+s3], $0x100, $0x38;
	[tilespmem:$0x18A80] =	vst v63  }
0x42: {  	s8 =	smov.u32 s1  }
0x43: {  	p1 =	sne.s32 s1, $0xF00;
	s1 =	sadd.s32 $0x40, s1;
	_ =	swait.ge [sflag:s25], $0x100  }
0x44: {  	[sflag:s25] =	ssyncset.done $0x0  }
0x45: {  	[sflag:s25] =	ssyncadd.s32 $0xFFFFFF00  }
0x46: {  	[tilespmem:s26], [sflag:$0x4] =	stream.indirect.gather [hbm4b:s4+s23], $0x80, s21, s23, $0xb8;
	[tilespmem:$0x18A80] =	vst v63  }
0x47: {  	_ =	swait.ge [sflag:s28], $0x2800  }
0x48: {  	[sflag:s28] =	ssyncset.done $0x0  }
0x49: {  	[sflag:s28] =	ssyncadd.s32 $0xFFFFD800  }
0x4a: {  	[spmem:s2] =	stream.indirect.scatter.add.f32 [tilespmem:s24], [sflag:$0x5], $0x80, s29, s23, $0xb8;
	[tilespmem:$0x18A80] =	vst v63  }
0x4b: {  	_ =	swait.ge [sflag:s18], $0x2800  }
0x4c: {  	s10 =	sshrl.u32 s6, $0x3;
	[sflag:s18] =	ssyncset.done $0x0  }
0x4d: {  	s10 =	sadd.s32 s5, s10;
	[sflag:s18] =	ssyncadd.s32 $0xFFFFD800  }
0x4e: {  	[tilespmem:s20], [sflag:$0x1] =	stream.linear.gather [hbm4b:s10+s3], $0x100, $0x38;
	[tilespmem:$0x18A80] =	vst v63  }
0x4f: {  	_ =	swait.ge [sflag:s22], $0x100  }
0x50: {  	[sflag:s22] =	ssyncset.done $0x0  }
0x51: {  	[sflag:s22] =	ssyncadd.s32 $0xFFFFFF00  }
0x52: {  	[tilespmem:s24], [sflag:$0x3] =	stream.indirect.gather [hbm4b:s4+s23], $0x80, s20, s23, $0xb8;
	[tilespmem:$0x18A80] =	vst v63  }
0x53: {  	_ =	swait.ge [sflag:s30], $0x2800  }
0x54: {  	[sflag:s30] =	ssyncset.done $0x0  }
.Ltmp0:
0x55: {  	[sflag:s30] =	ssyncadd.s32 $0xFFFFD800;
	(pc) =	sbr.rel @p1 .LBB2_2-.Ltmp0, $4  }
0x56: {  	[spmem:s2] =	stream.indirect.scatter.add.f32 [tilespmem:s26], [sflag:$0x5], $0x80, s31, s23, $0xb8;
	[tilespmem:$0x18A80] =	vst v63  }
0x57: {  	_ =	swait.ge [sflag:s18], $0x2800  }
0x58: {  	[sflag:s18] =	ssyncset.done $0x0  }
0x59: {  	s6 =	sadd.s32 $0x200, s6;
	s8 =	sadd.s32 s8, s15;
	[sflag:s18] =	ssyncadd.s32 $0xFFFFD800  }
0x5a: {  	[tilespmem:s21], [sflag:$0x2] =	stream.linear.gather [hbm4b:s8+s3], $0x100, $0x38;
	[tilespmem:$0x18A80] =	vst v63  }
0x5b: {  	_ =	swait.ge [sflag:s25], $0x100  }
0x5c: {  	[sflag:s25] =	ssyncset.done $0x0  }
0x5d: {  	[sflag:s25] =	ssyncadd.s32 $0xFFFFFF00  }
0x5e: {  	[tilespmem:s26], [sflag:$0x4] =	stream.indirect.gather [hbm4b:s4+s23], $0x80, s21, s23, $0xb8;
	[tilespmem:$0x18A80] =	vst v63  }
0x5f: {  	_ =	swait.ge [sflag:s28], $0x2800  }
0x60: {  	[sflag:s28] =	ssyncset.done $0x0  }
0x61: {  	[sflag:s28] =	ssyncadd.s32 $0xFFFFD800  }
0x62: {  	[spmem:s2] =	stream.indirect.scatter.add.f32 [tilespmem:s24], [sflag:$0x5], $0x80, s29, s23, $0xb8;
	[tilespmem:$0x18A80] =	vst v63  }
0x63: {  	_ =	swait.ge [sflag:s18], $0x2800  }
0x64: {  	[sflag:s18] =	ssyncset.done $0x0  }
0x65: {  	[sflag:s18] =	ssyncadd.s32 $0xFFFFD800  }
0x66: {  	[tilespmem:s20], [sflag:$0x1] =	stream.linear.gather [hbm4b:s14+s3], $0x100, $0x38;
	[tilespmem:$0x18A80] =	vst v63  }
0x67: {  	_ =	swait.ge [sflag:s22], $0x100  }
0x68: {  	[sflag:s22] =	ssyncset.done $0x0  }
0x69: {  	[sflag:s22] =	ssyncadd.s32 $0xFFFFFF00  }
0x6a: {  	[tilespmem:s24], [sflag:$0x3] =	stream.indirect.gather [hbm4b:s4+s23], $0x80, s20, s23, $0xb8;
	[tilespmem:$0x18A80] =	vst v63  }
0x6b: {  	_ =	swait.ge [sflag:s30], $0x2800  }
0x6c: {  	[sflag:s30] =	ssyncset.done $0x0  }
0x6d: {  	[sflag:s30] =	ssyncadd.s32 $0xFFFFD800  }
0x6e: {  	[spmem:s2] =	stream.indirect.scatter.add.f32 [tilespmem:s26], [sflag:$0x5], $0x80, s31, s23, $0xb8;
	[tilespmem:$0x18A80] =	vst v63  }
0x6f: {  	_ =	swait.ge [sflag:s18], $0x2800  }
0x70: {  	[sflag:s18] =	ssyncset.done $0x0  }
0x71: {  	[sflag:s18] =	ssyncadd.s32 $0xFFFFD800  }
0x72: {  	_ =	swait.ge [sflag:s28], $0x2800  }
0x73: {  	[sflag:s28] =	ssyncset.done $0x0  }
0x74: {  	[sflag:s28] =	ssyncadd.s32 $0xFFFFD800  }
0x75: {  	[spmem:s2] =	stream.indirect.scatter.add.f32 [tilespmem:s24], [sflag:$0x5], $0x80, s29, s23, $0xb8;
	[tilespmem:$0x18A80] =	vst v63  }
0x76: {  	_ =	swait.ge [sflag:s18], $0x2800  }
0x77: {  	[sflag:s18] =	ssyncset.done $0x0  }
0x78: {  	[sflag:s18] =	ssyncadd.s32 $0xFFFFD800  }
0x79: {  	[bflag:$0x0] =	sbarrier.arrive $0xFFFF  }
0x7a: {  	[hbm:s11], [sflag:s7] =	dma.local [spmem:s17], $0x2700  }
0x7b: {  	s0 =	sadd.s32 $0x1, s0;
	_ =	swait.ge [sflag:s18], $0x2700  }
0x7c: {  	p1 =	sne.s32 s0, s13;
	[sflag:s18] =	ssyncset.done $0x0  }
.Ltmp1:
0x7d: {  	s1 =	simm.s32 @!p0 $0x5;
	[sflag:s18] =	ssyncadd.s32 $0xFFFFD900;
	(pc) =	sbr.rel @p1 .LBB2_1-.Ltmp1, $4  }
0x7e: {  	[hbm:s12], [sflag:s7] =	dma.local @!p0 [spmem:s19], $0x100  }
0x7f: {  	_ =	swait.ge @!p0 [sflag:s1], $0x100  }
0x80: {  	[sflag:s1] =	ssyncset.done @!p0 $0x0  }
0x81: {  	[sflag:s1] =	ssyncadd.s32 @!p0 $0xFFFFFF00  }
0x82: {  	_ =	sfence.sel $0x180000  }
0x83: {  	[bflag:$0x0] =	sbarrier.arrive $0xFFFF  }
0x84: {  	_ =	strace $0x90000050  }
0x85: {  	s0 =	stileid.u32;
	[bflag:$0x2] =	sbarrier.arrive $0xFFFF  }
0x86: {  	p0 =	sne.s32 s0, $0x0;
	s0 =	rddreg [dreg:$0x2]  }
0x87: {  	s0 =	sadd.s32 @!p0 $0x100000, s0  }
0x88: {  	[sflag:s0] =	ssyncadd.tile.s32 @!p0 $0x1;
	_ =	shalt  }
.Lfunc_end2:
_tile_overlayer_lowered:
.L_overlay_start_2:
0x89: {  	(tag) =	ssettag $0x2  }
0x8a: {  	s0 =	rddreg [dreg:$0x0];
	s2 =	stileid.u32  }
0x8b: {  	s1 =	rddreg [dreg:$0x1];
	p0 =	sne.s32 s2, $0x0  }
0x8c: {  	s3 =	rddreg [dreg:$0x2];
	[bflag:$0x3] =	sbarrier.arrive $0xFFFF;
	s2 =	simm.s32 @!p0 $0x1C05  }
0x8d: {  	[timem:s3], [sflag:s2] =	dma.local @!p0 [hbm:s0], s1  }
0x8e: {  	s0 =	simm.s32 @!p0 $0x5  }
0x8f: {  	_ =	swait.ge @!p0 [sflag:s0], s1  }
0x90: {  	s1 =	ssub.s32 @!p0 $0x0, s1;
	[sflag:s0] =	ssyncset.done @!p0 $0x0  }
0x91: {  	[sflag:s0] =	ssyncadd.s32 @!p0 s1  }
0x92: {  	[bflag:$0x3] =	sbarrier.arrive $0xFFFF  }
0x93: {  	_ =	shalt  }

</sc_bundles>
